<compile_context>
chip_gen: v7x
topology: tpu7x:2x2x1
jax: 0.10.2.dev20260603
libtpu: 0.0.44.dev20260713+nightly
codegen_flags: <defaults>
</compile_context>

<pallas_src>
import functools

import jax
import jax.numpy as jnp
from jax import lax
from jax.experimental import pallas as pl
from jax.experimental.pallas import tpu as pltpu
from jax.experimental.pallas import tpu_sc as plsc

EMBED_DIM = 32


@functools.partial(jax.jit, static_argnums=(2, 3, 4))
def _gather_rows_t(idx, table, BATCH, HIST, NC):
    mesh = plsc.VectorSubcoreMesh(core_axis_name="c", subcore_axis_name="s")
    NW = NC * 16
    W = BATCH // NW

    @functools.partial(
        pl.kernel,
        mesh=mesh,
        out_type=jax.ShapeDtypeStruct((HIST, EMBED_DIM, BATCH), jnp.float32),
        scratch_types=[
            pltpu.VMEM((W,), jnp.int32),
            pltpu.VMEM((W,), jnp.int32),
            pltpu.VMEM((W, EMBED_DIM), jnp.float32),
            pltpu.VMEM((W, EMBED_DIM), jnp.float32),
            pltpu.VMEM((EMBED_DIM, W), jnp.float32),
            pltpu.VMEM((EMBED_DIM, W), jnp.float32),
            pltpu.SemaphoreType.DMA,
            pltpu.SemaphoreType.DMA,
            pltpu.SemaphoreType.DMA,
            pltpu.SemaphoreType.DMA,
        ],
        compiler_params=pltpu.CompilerParams(
            use_tc_tiling_on_sc=False, needs_layout_passes=False
        ),
    )
    def k(idx_hbm, table_hbm, out_hbm, idx0, idx1, rows0, rows1, cols0, cols1,
          g0, g1, s0, s1):
        wid = lax.axis_index("s") * NC + lax.axis_index("c")
        b0 = wid * W
        i16 = lax.iota(jnp.int32, 16)
        rowvs = [g * 16 + i16 for g in range(W // 16)]

        def load_and_gather(h, idx_v, rows_v, g):
            base = pl.multiple_of(h * BATCH + b0, 8)
            pltpu.sync_copy(idx_hbm.at[pl.ds(base, W)], idx_v)
            pltpu.async_copy(table_hbm.at[idx_v], rows_v, g)

        def wait_gather(idx_v, rows_v, g):
            pltpu.make_async_copy(table_hbm.at[idx_v], rows_v, g).wait()

        def transpose_store(h, rows_v, cols, s):
            def dbody(d4, carry):
                for u in range(4):
                    dcol = (d4 * 4 + u + i16) & (EMBED_DIM - 1)
                    for rowv in rowvs:
                        v = plsc.load_gather(rows_v, [rowv, dcol])
                        plsc.store_scatter(cols, [dcol, rowv], v)
                return carry

            lax.fori_loop(0, EMBED_DIM // 4, dbody, 0)
            pltpu.async_copy(cols, out_hbm.at[h, :, pl.ds(b0, W)], s)

        def wait_store(h, cols, s):
            pltpu.make_async_copy(
                cols, out_hbm.at[h, :, pl.ds(b0, W)], s
            ).wait()

        load_and_gather(0, idx0, rows0, g0)
        load_and_gather(1, idx1, rows1, g1)

        def body(j, carry):
            a = 2 * j
            wait_gather(idx0, rows0, g0)

            @pl.when(j > 0)
            def _():
                wait_store(a - 2, cols0, s0)

            transpose_store(a, rows0, cols0, s0)

            @pl.when(j < HIST // 2 - 1)
            def _():
                load_and_gather(a + 2, idx0, rows0, g0)

            wait_gather(idx1, rows1, g1)

            @pl.when(j > 0)
            def _():
                wait_store(a - 1, cols1, s1)

            transpose_store(a + 1, rows1, cols1, s1)

            @pl.when(j < HIST // 2 - 1)
            def _():
                load_and_gather(a + 3, idx1, rows1, g1)

            return carry

        lax.fori_loop(0, HIST // 2, body, 0)
        wait_store(HIST - 2, cols0, s0)
        wait_store(HIST - 1, cols1, s1)

    return k(idx, table)


def kernel(x, w):
    BATCH, HIST = x.shape
    B = BATCH * HIST
    idx = jnp.swapaxes(x, 0, 1).reshape(B).astype(jnp.int32)
    info = plsc.get_sparse_core_info()
    NC = info.num_cores
    out = _gather_rows_t(idx, w, BATCH, HIST, NC)
    return jnp.transpose(out, (2, 0, 1))

# --- scband reference (transcript-rebuilt; emitter-appended) ---
"""Pipeline reference for scband-token-embedding-15513421873155 (READ-ONLY COPY).

The authoritative reference and input builder live on the scoring server;
editing this copy changes nothing except your own understanding.
"""

import jax, jax.numpy as jnp
import numpy as np

VOCAB_SIZE = 1000000
EMBED_DIM = 32
BATCH = 16384
HIST_LEN = 50

def setup_inputs(seed: int = 0) -> dict:
    key = jax.random.key(seed)
    k_idx, k_w = jax.random.split(key)
    x = jax.random.randint(k_idx, (BATCH, HIST_LEN), 0, VOCAB_SIZE, dtype=jnp.int64 if jax.config.jax_enable_x64 else jnp.int32)
    # nn.init.normal_ (the last init applied) -> standard normal table
    w = jax.random.normal(k_w, (VOCAB_SIZE, EMBED_DIM), dtype=jnp.float32)
    return {"x": x, "w": w}

def reference(x, w):
    # TokenEmbedding.forward: gather rows of the embedding table
    # (the max-value check is a runtime guard, not part of the math)
    return jnp.take(w, x, axis=0)

if __name__ == "__main__":
    import jax
    _d = setup_inputs()
    print(jax.jit(kernel)(*tuple(_d.values())))

</pallas_src>

<mosaic_0001>
#map = affine_map<(d0, d1) -> (0)>
#map1 = affine_map<(d0, d1) -> (0, 0)>
#map2 = affine_map<(d0, d1) -> (0, 0, 0)>
module attributes {stable_mosaic.version = 14 : i64} {
  func.func @k(%arg0: i32, %arg1: i32, %arg2: memref<819200xi32, #tpu.memory_space<hbm>>, %arg3: memref<1000000x32xf32, #tpu.memory_space<hbm>>, %arg4: memref<50x32x16384xf32, #tpu.memory_space<hbm>>, %arg5: memref<512xi32, #tpu.memory_space<vmem>>, %arg6: memref<512xi32, #tpu.memory_space<vmem>>, %arg7: memref<512x32xf32, #tpu.memory_space<vmem>>, %arg8: memref<512x32xf32, #tpu.memory_space<vmem>>, %arg9: memref<32x512xf32, #tpu.memory_space<vmem>>, %arg10: memref<32x512xf32, #tpu.memory_space<vmem>>, %arg11: memref<!tpu.dma_semaphore, #tpu.memory_space<semaphore_mem>>, %arg12: memref<!tpu.dma_semaphore, #tpu.memory_space<semaphore_mem>>, %arg13: memref<!tpu.dma_semaphore, #tpu.memory_space<semaphore_mem>>, %arg14: memref<!tpu.dma_semaphore, #tpu.memory_space<semaphore_mem>>) attributes {dimension_semantics = [#tpu.dimension_semantics<core_parallel>, #tpu.dimension_semantics<subcore_parallel>], iteration_bounds = array<i64: 2, 16>, scalar_prefetch = 0 : i64, scratch_operands = 10 : i64, tpu.core_type = #tpu.core_type<sc_vector_subcore>, window_params = [{transform_indices = #map}, {transform_indices = #map1}, {transform_indices = #map2}]} {
    %mul3A = arith.constant 2 : i32
    %mul3A_0 = arith.muli %arg1, %mul3A : i32
    %add3A = arith.addi %mul3A_0, %arg0 : i32
    %mul3A_1 = arith.constant 512 : i32
    %mul3A_2 = arith.muli %add3A, %mul3A_1 : i32
    %iota3A = tpu.iota {dimensions = array<i32: 0>} : vector<16xi32>
    %add3A_3 = arith.constant 0 : i32
    %add3A_4 = vector.broadcast %add3A_3 : i32 to vector<16xi32>
    %add3A_5 = arith.addi %add3A_4, %iota3A : vector<16xi32>
    %add3A_6 = arith.constant 16 : i32
    %add3A_7 = vector.broadcast %add3A_6 : i32 to vector<16xi32>
    %add3A_8 = arith.addi %add3A_7, %iota3A : vector<16xi32>
    %add3A_9 = arith.constant 32 : i32
    %add3A_10 = vector.broadcast %add3A_9 : i32 to vector<16xi32>
    %add3A_11 = arith.addi %add3A_10, %iota3A : vector<16xi32>
    %add3A_12 = arith.constant 48 : i32
    %add3A_13 = vector.broadcast %add3A_12 : i32 to vector<16xi32>
    %add3A_14 = arith.addi %add3A_13, %iota3A : vector<16xi32>
    %add3A_15 = arith.constant 64 : i32
    %add3A_16 = vector.broadcast %add3A_15 : i32 to vector<16xi32>
    %add3A_17 = arith.addi %add3A_16, %iota3A : vector<16xi32>
    %add3A_18 = arith.constant 80 : i32
    %add3A_19 = vector.broadcast %add3A_18 : i32 to vector<16xi32>
    %add3A_20 = arith.addi %add3A_19, %iota3A : vector<16xi32>
    %add3A_21 = arith.constant 96 : i32
    %add3A_22 = vector.broadcast %add3A_21 : i32 to vector<16xi32>
    %add3A_23 = arith.addi %add3A_22, %iota3A : vector<16xi32>
    %add3A_24 = arith.constant 112 : i32
    %add3A_25 = vector.broadcast %add3A_24 : i32 to vector<16xi32>
    %add3A_26 = arith.addi %add3A_25, %iota3A : vector<16xi32>
    %add3A_27 = arith.constant 128 : i32
    %add3A_28 = vector.broadcast %add3A_27 : i32 to vector<16xi32>
    %add3A_29 = arith.addi %add3A_28, %iota3A : vector<16xi32>
    %add3A_30 = arith.constant 144 : i32
    %add3A_31 = vector.broadcast %add3A_30 : i32 to vector<16xi32>
    %add3A_32 = arith.addi %add3A_31, %iota3A : vector<16xi32>
    %add3A_33 = arith.constant 160 : i32
    %add3A_34 = vector.broadcast %add3A_33 : i32 to vector<16xi32>
    %add3A_35 = arith.addi %add3A_34, %iota3A : vector<16xi32>
    %add3A_36 = arith.constant 176 : i32
    %add3A_37 = vector.broadcast %add3A_36 : i32 to vector<16xi32>
    %add3A_38 = arith.addi %add3A_37, %iota3A : vector<16xi32>
    %add3A_39 = arith.constant 192 : i32
    %add3A_40 = vector.broadcast %add3A_39 : i32 to vector<16xi32>
    %add3A_41 = arith.addi %add3A_40, %iota3A : vector<16xi32>
    %add3A_42 = arith.constant 208 : i32
    %add3A_43 = vector.broadcast %add3A_42 : i32 to vector<16xi32>
    %add3A_44 = arith.addi %add3A_43, %iota3A : vector<16xi32>
    %add3A_45 = arith.constant 224 : i32
    %add3A_46 = vector.broadcast %add3A_45 : i32 to vector<16xi32>
    %add3A_47 = arith.addi %add3A_46, %iota3A : vector<16xi32>
    %add3A_48 = arith.constant 240 : i32
    %add3A_49 = vector.broadcast %add3A_48 : i32 to vector<16xi32>
    %add3A_50 = arith.addi %add3A_49, %iota3A : vector<16xi32>
    %add3A_51 = arith.constant 256 : i32
    %add3A_52 = vector.broadcast %add3A_51 : i32 to vector<16xi32>
    %add3A_53 = arith.addi %add3A_52, %iota3A : vector<16xi32>
    %add3A_54 = arith.constant 272 : i32
    %add3A_55 = vector.broadcast %add3A_54 : i32 to vector<16xi32>
    %add3A_56 = arith.addi %add3A_55, %iota3A : vector<16xi32>
    %add3A_57 = arith.constant 288 : i32
    %add3A_58 = vector.broadcast %add3A_57 : i32 to vector<16xi32>
    %add3A_59 = arith.addi %add3A_58, %iota3A : vector<16xi32>
    %add3A_60 = arith.constant 304 : i32
    %add3A_61 = vector.broadcast %add3A_60 : i32 to vector<16xi32>
    %add3A_62 = arith.addi %add3A_61, %iota3A : vector<16xi32>
    %add3A_63 = arith.constant 320 : i32
    %add3A_64 = vector.broadcast %add3A_63 : i32 to vector<16xi32>
    %add3A_65 = arith.addi %add3A_64, %iota3A : vector<16xi32>
    %add3A_66 = arith.constant 336 : i32
    %add3A_67 = vector.broadcast %add3A_66 : i32 to vector<16xi32>
    %add3A_68 = arith.addi %add3A_67, %iota3A : vector<16xi32>
    %add3A_69 = arith.constant 352 : i32
    %add3A_70 = vector.broadcast %add3A_69 : i32 to vector<16xi32>
    %add3A_71 = arith.addi %add3A_70, %iota3A : vector<16xi32>
    %add3A_72 = arith.constant 368 : i32
    %add3A_73 = vector.broadcast %add3A_72 : i32 to vector<16xi32>
    %add3A_74 = arith.addi %add3A_73, %iota3A : vector<16xi32>
    %add3A_75 = arith.constant 384 : i32
    %add3A_76 = vector.broadcast %add3A_75 : i32 to vector<16xi32>
    %add3A_77 = arith.addi %add3A_76, %iota3A : vector<16xi32>
    %add3A_78 = arith.constant 400 : i32
    %add3A_79 = vector.broadcast %add3A_78 : i32 to vector<16xi32>
    %add3A_80 = arith.addi %add3A_79, %iota3A : vector<16xi32>
    %add3A_81 = arith.constant 416 : i32
    %add3A_82 = vector.broadcast %add3A_81 : i32 to vector<16xi32>
    %add3A_83 = arith.addi %add3A_82, %iota3A : vector<16xi32>
    %add3A_84 = arith.constant 432 : i32
    %add3A_85 = vector.broadcast %add3A_84 : i32 to vector<16xi32>
    %add3A_86 = arith.addi %add3A_85, %iota3A : vector<16xi32>
    %add3A_87 = arith.constant 448 : i32
    %add3A_88 = vector.broadcast %add3A_87 : i32 to vector<16xi32>
    %add3A_89 = arith.addi %add3A_88, %iota3A : vector<16xi32>
    %add3A_90 = arith.constant 464 : i32
    %add3A_91 = vector.broadcast %add3A_90 : i32 to vector<16xi32>
    %add3A_92 = arith.addi %add3A_91, %iota3A : vector<16xi32>
    %add3A_93 = arith.constant 480 : i32
    %add3A_94 = vector.broadcast %add3A_93 : i32 to vector<16xi32>
    %add3A_95 = arith.addi %add3A_94, %iota3A : vector<16xi32>
    %add3A_96 = arith.constant 496 : i32
    %add3A_97 = vector.broadcast %add3A_96 : i32 to vector<16xi32>
    %add3A_98 = arith.addi %add3A_97, %iota3A : vector<16xi32>
    %add3A_99 = arith.constant 0 : i32
    %add3A_100 = arith.addi %add3A_99, %mul3A_2 : i32
    %multiple_of3A = tpu.assume_multiple %add3A_100, 8 : i32
    "tpu.region"() ({
      %run_scoped3A = tpu.sem_alloc : memref<!tpu.dma_semaphore, #tpu.memory_space<semaphore_mem>>
      %dma_start3A_127 = tpu.memref_slice %arg2[%multiple_of3A] : memref<819200xi32, #tpu.memory_space<hbm>> -> memref<512xi32, #tpu.memory_space<hbm>>
      %dma_start3A_128 = tpu.memref_slice %arg2[%multiple_of3A] : memref<819200xi32, #tpu.memory_space<hbm>> -> memref<512xi32, #tpu.memory_space<hbm>>
      tpu.enqueue_dma source(%dma_start3A_128 : memref<512xi32, #tpu.memory_space<hbm>>) target(%arg5 : memref<512xi32, #tpu.memory_space<vmem>>) target_semaphore(%run_scoped3A : memref<!tpu.dma_semaphore, #tpu.memory_space<semaphore_mem>>)
      %dma_wait3A_129 = tpu.memref_slice %arg2[%multiple_of3A] : memref<819200xi32, #tpu.memory_space<hbm>> -> memref<512xi32, #tpu.memory_space<hbm>>
      %dma_wait3A_130 = tpu.memref_slice %arg2[%multiple_of3A] : memref<819200xi32, #tpu.memory_space<hbm>> -> memref<512xi32, #tpu.memory_space<hbm>>
      tpu.wait_dma2 semaphore(%run_scoped3A : memref<!tpu.dma_semaphore, #tpu.memory_space<semaphore_mem>>) src(%dma_wait3A_130 : memref<512xi32, #tpu.memory_space<hbm>>) dst(%arg5 : memref<512xi32, #tpu.memory_space<vmem>>)
      tpu.yield
    }) : () -> ()
    %dma_start3A = arith.constant 0 : i32
    %dma_start3A_101 = arith.constant 0 : i32
    %dma_start3A_102 = tpu.memref_slice %arg3[%dma_start3A, %dma_start3A_101] : memref<1000000x32xf32, #tpu.memory_space<hbm>> -> memref<1000000x32xf32, #tpu.memory_space<hbm>>
    tpu.enqueue_indirect_dma source(%dma_start3A_102 : memref<1000000x32xf32, #tpu.memory_space<hbm>>) target(%arg7 : memref<512x32xf32, #tpu.memory_space<vmem>>) offsets(%arg5 : memref<512xi32, #tpu.memory_space<vmem>>) semaphore(%arg11 : memref<!tpu.dma_semaphore, #tpu.memory_space<semaphore_mem>>)
    %add3A_103 = arith.constant 16384 : i32
    %add3A_104 = arith.addi %add3A_103, %mul3A_2 : i32
    %multiple_of3A_105 = tpu.assume_multiple %add3A_104, 8 : i32
    "tpu.region"() ({
      %run_scoped3A = tpu.sem_alloc : memref<!tpu.dma_semaphore, #tpu.memory_space<semaphore_mem>>
      %dma_start3A_127 = tpu.memref_slice %arg2[%multiple_of3A_105] : memref<819200xi32, #tpu.memory_space<hbm>> -> memref<512xi32, #tpu.memory_space<hbm>>
      %dma_start3A_128 = tpu.memref_slice %arg2[%multiple_of3A_105] : memref<819200xi32, #tpu.memory_space<hbm>> -> memref<512xi32, #tpu.memory_space<hbm>>
      tpu.enqueue_dma source(%dma_start3A_128 : memref<512xi32, #tpu.memory_space<hbm>>) target(%arg6 : memref<512xi32, #tpu.memory_space<vmem>>) target_semaphore(%run_scoped3A : memref<!tpu.dma_semaphore, #tpu.memory_space<semaphore_mem>>)
      %dma_wait3A_129 = tpu.memref_slice %arg2[%multiple_of3A_105] : memref<819200xi32, #tpu.memory_space<hbm>> -> memref<512xi32, #tpu.memory_space<hbm>>
      %dma_wait3A_130 = tpu.memref_slice %arg2[%multiple_of3A_105] : memref<819200xi32, #tpu.memory_space<hbm>> -> memref<512xi32, #tpu.memory_space<hbm>>
      tpu.wait_dma2 semaphore(%run_scoped3A : memref<!tpu.dma_semaphore, #tpu.memory_space<semaphore_mem>>) src(%dma_wait3A_130 : memref<512xi32, #tpu.memory_space<hbm>>) dst(%arg6 : memref<512xi32, #tpu.memory_space<vmem>>)
      tpu.yield
    }) : () -> ()
    %dma_start3A_106 = arith.constant 0 : i32
    %dma_start3A_107 = arith.constant 0 : i32
    %dma_start3A_108 = tpu.memref_slice %arg3[%dma_start3A_106, %dma_start3A_107] : memref<1000000x32xf32, #tpu.memory_space<hbm>> -> memref<1000000x32xf32, #tpu.memory_space<hbm>>
    tpu.enqueue_indirect_dma source(%dma_start3A_108 : memref<1000000x32xf32, #tpu.memory_space<hbm>>) target(%arg8 : memref<512x32xf32, #tpu.memory_space<vmem>>) offsets(%arg6 : memref<512xi32, #tpu.memory_space<vmem>>) semaphore(%arg12 : memref<!tpu.dma_semaphore, #tpu.memory_space<semaphore_mem>>)
    %scan3A = arith.constant 0 : i32
    %scan3A_109 = arith.constant 0 : i32
    %scan3A_110 = arith.constant 25 : i32
    %scan3A_111 = arith.addi %scan3A_109, %scan3A_110 : i32
    %scan3A_112 = arith.constant 1 : i32
    scf.for %scan3A_127 = %scan3A_109 to %scan3A_111 step %scan3A_112  : i32 {
      %mul3A_128 = arith.constant 2 : i32
      %mul3A_129 = arith.muli %mul3A_128, %scan3A_127 : i32
      %dma_wait3A_130 = arith.constant 0 : i32
      %dma_wait3A_131 = arith.constant 0 : i32
      %dma_wait3A_132 = tpu.memref_slice %arg3[%dma_wait3A_130, %dma_wait3A_131] : memref<1000000x32xf32, #tpu.memory_space<hbm>> -> memref<1000000x32xf32, #tpu.memory_space<hbm>>
      tpu.wait_indirect_dma semaphore(%arg11 : memref<!tpu.dma_semaphore, #tpu.memory_space<semaphore_mem>>) src(%dma_wait3A_132 : memref<1000000x32xf32, #tpu.memory_space<hbm>>) dst(%arg7 : memref<512x32xf32, #tpu.memory_space<vmem>>)
      %gt3A = arith.constant 0 : i32
      %gt3A_133 = arith.cmpi sgt, %scan3A_127, %gt3A : i32
      %convert_element_type3A = arith.extui %gt3A_133 : i1 to i32
      %cond3A = arith.constant 0 : i32
      %cond3A_134 = arith.cmpi ne, %convert_element_type3A, %cond3A : i32
      scf.if %cond3A_134 {
        %sub3A = arith.constant 2 : i32
        %sub3A_178 = arith.subi %mul3A_129, %sub3A : i32
        %dma_wait3A_179 = arith.constant 0 : i32
        %dma_wait3A_180 = tpu.memref_slice %arg4[%sub3A_178, %dma_wait3A_179, %mul3A_2] : memref<50x32x16384xf32, #tpu.memory_space<hbm>> -> memref<1x32x512xf32, #tpu.memory_space<hbm>>
        %dma_wait3A_181 = tpu.memref_squeeze %dma_wait3A_180 : memref<1x32x512xf32, #tpu.memory_space<hbm>> -> memref<32x512xf32, #tpu.memory_space<hbm>>
        %dma_wait3A_182 = arith.constant 0 : i32
        %dma_wait3A_183 = tpu.memref_slice %arg4[%sub3A_178, %dma_wait3A_182, %mul3A_2] : memref<50x32x16384xf32, #tpu.memory_space<hbm>> -> memref<1x32x512xf32, #tpu.memory_space<hbm>>
        %dma_wait3A_184 = tpu.memref_squeeze %dma_wait3A_183 : memref<1x32x512xf32, #tpu.memory_space<hbm>> -> memref<32x512xf32, #tpu.memory_space<hbm>>
        tpu.wait_dma2 semaphore(%arg13 : memref<!tpu.dma_semaphore, #tpu.memory_space<semaphore_mem>>) src(%arg9 : memref<32x512xf32, #tpu.memory_space<vmem>>) dst(%dma_wait3A_184 : memref<32x512xf32, #tpu.memory_space<hbm>>)
      } else {
      }
      %scan3A_135 = arith.constant 0 : i32
      %scan3A_136 = arith.constant 0 : i32
      %scan3A_137 = arith.constant 8 : i32
      %scan3A_138 = arith.addi %scan3A_136, %scan3A_137 : i32
      %scan3A_139 = arith.constant 1 : i32
      scf.for %scan3A_178 = %scan3A_136 to %scan3A_138 step %scan3A_139  : i32 {
        %mul3A_179 = arith.constant 4 : i32
        %mul3A_180 = arith.muli %scan3A_178, %mul3A_179 : i32
        %add3A_181 = arith.constant 0 : i32
        %add3A_182 = arith.addi %mul3A_180, %add3A_181 : i32
        %add3A_183 = vector.broadcast %add3A_182 : i32 to vector<16xi32>
        %add3A_184 = arith.addi %add3A_183, %iota3A : vector<16xi32>
        %and3A = arith.constant 31 : i32
        %and3A_185 = vector.broadcast %and3A : i32 to vector<16xi32>
        %and3A_186 = arith.andi %add3A_184, %and3A_185 : vector<16xi32>
        %gather3A = tpu.vector_load_idx %arg7[%add3A_5, %and3A_186] : memref<512x32xf32, #tpu.memory_space<vmem>>[vector<16xi32>, vector<16xi32>], vector<16xf32>,
        tpu.vector_store_idx %arg9[%and3A_186, %add3A_5], %gather3A : memref<32x512xf32, #tpu.memory_space<vmem>>[vector<16xi32>, vector<16xi32>], vector<16xf32>,
        %gather3A_187 = tpu.vector_load_idx %arg7[%add3A_8, %and3A_186] : memref<512x32xf32, #tpu.memory_space<vmem>>[vector<16xi32>, vector<16xi32>], vector<16xf32>,
        tpu.vector_store_idx %arg9[%and3A_186, %add3A_8], %gather3A_187 : memref<32x512xf32, #tpu.memory_space<vmem>>[vector<16xi32>, vector<16xi32>], vector<16xf32>,
        %gather3A_188 = tpu.vector_load_idx %arg7[%add3A_11, %and3A_186] : memref<512x32xf32, #tpu.memory_space<vmem>>[vector<16xi32>, vector<16xi32>], vector<16xf32>,
        tpu.vector_store_idx %arg9[%and3A_186, %add3A_11], %gather3A_188 : memref<32x512xf32, #tpu.memory_space<vmem>>[vector<16xi32>, vector<16xi32>], vector<16xf32>,
        %gather3A_189 = tpu.vector_load_idx %arg7[%add3A_14, %and3A_186] : memref<512x32xf32, #tpu.memory_space<vmem>>[vector<16xi32>, vector<16xi32>], vector<16xf32>,
        tpu.vector_store_idx %arg9[%and3A_186, %add3A_14], %gather3A_189 : memref<32x512xf32, #tpu.memory_space<vmem>>[vector<16xi32>, vector<16xi32>], vector<16xf32>,
        %gather3A_190 = tpu.vector_load_idx %arg7[%add3A_17, %and3A_186] : memref<512x32xf32, #tpu.memory_space<vmem>>[vector<16xi32>, vector<16xi32>], vector<16xf32>,
        tpu.vector_store_idx %arg9[%and3A_186, %add3A_17], %gather3A_190 : memref<32x512xf32, #tpu.memory_space<vmem>>[vector<16xi32>, vector<16xi32>], vector<16xf32>,
        %gather3A_191 = tpu.vector_load_idx %arg7[%add3A_20, %and3A_186] : memref<512x32xf32, #tpu.memory_space<vmem>>[vector<16xi32>, vector<16xi32>], vector<16xf32>,
        tpu.vector_store_idx %arg9[%and3A_186, %add3A_20], %gather3A_191 : memref<32x512xf32, #tpu.memory_space<vmem>>[vector<16xi32>, vector<16xi32>], vector<16xf32>,
        %gather3A_192 = tpu.vector_load_idx %arg7[%add3A_23, %and3A_186] : memref<512x32xf32, #tpu.memory_space<vmem>>[vector<16xi32>, vector<16xi32>], vector<16xf32>,
        tpu.vector_store_idx %arg9[%and3A_186, %add3A_23], %gather3A_192 : memref<32x512xf32, #tpu.memory_space<vmem>>[vector<16xi32>, vector<16xi32>], vector<16xf32>,
        %gather3A_193 = tpu.vector_load_idx %arg7[%add3A_26, %and3A_186] : memref<512x32xf32, #tpu.memory_space<vmem>>[vector<16xi32>, vector<16xi32>], vector<16xf32>,
        tpu.vector_store_idx %arg9[%and3A_186, %add3A_26], %gather3A_193 : memref<32x512xf32, #tpu.memory_space<vmem>>[vector<16xi32>, vector<16xi32>], vector<16xf32>,
        %gather3A_194 = tpu.vector_load_idx %arg7[%add3A_29, %and3A_186] : memref<512x32xf32, #tpu.memory_space<vmem>>[vector<16xi32>, vector<16xi32>], vector<16xf32>,
        tpu.vector_store_idx %arg9[%and3A_186, %add3A_29], %gather3A_194 : memref<32x512xf32, #tpu.memory_space<vmem>>[vector<16xi32>, vector<16xi32>], vector<16xf32>,
        %gather3A_195 = tpu.vector_load_idx %arg7[%add3A_32, %and3A_186] : memref<512x32xf32, #tpu.memory_space<vmem>>[vector<16xi32>, vector<16xi32>], vector<16xf32>,
        tpu.vector_store_idx %arg9[%and3A_186, %add3A_32], %gather3A_195 : memref<32x512xf32, #tpu.memory_space<vmem>>[vector<16xi32>, vector<16xi32>], vector<16xf32>,
        %gather3A_196 = tpu.vector_load_idx %arg7[%add3A_35, %and3A_186] : memref<512x32xf32, #tpu.memory_space<vmem>>[vector<16xi32>, vector<16xi32>], vector<16xf32>,
        tpu.vector_store_idx %arg9[%and3A_186, %add3A_35], %gather3A_196 : memref<32x512xf32, #tpu.memory_space<vmem>>[vector<16xi32>, vector<16xi32>], vector<16xf32>,
        %gather3A_197 = tpu.vector_load_idx %arg7[%add3A_38, %and3A_186] : memref<512x32xf32, #tpu.memory_space<vmem>>[vector<16xi32>, vector<16xi32>], vector<16xf32>,
        tpu.vector_store_idx %arg9[%and3A_186, %add3A_38], %gather3A_197 : memref<32x512xf32, #tpu.memory_space<vmem>>[vector<16xi32>, vector<16xi32>], vector<16xf32>,
        %gather3A_198 = tpu.vector_load_idx %arg7[%add3A_41, %and3A_186] : memref<512x32xf32, #tpu.memory_space<vmem>>[vector<16xi32>, vector<16xi32>], vector<16xf32>,
        tpu.vector_store_idx %arg9[%and3A_186, %add3A_41], %gather3A_198 : memref<32x512xf32, #tpu.memory_space<vmem>>[vector<16xi32>, vector<16xi32>], vector<16xf32>,
        %gather3A_199 = tpu.vector_load_idx %arg7[%add3A_44, %and3A_186] : memref<512x32xf32, #tpu.memory_space<vmem>>[vector<16xi32>, vector<16xi32>], vector<16xf32>,
        tpu.vector_store_idx %arg9[%and3A_186, %add3A_44], %gather3A_199 : memref<32x512xf32, #tpu.memory_space<vmem>>[vector<16xi32>, vector<16xi32>], vector<16xf32>,
        %gather3A_200 = tpu.vector_load_idx %arg7[%add3A_47, %and3A_186] : memref<512x32xf32, #tpu.memory_space<vmem>>[vector<16xi32>, vector<16xi32>], vector<16xf32>,
        tpu.vector_store_idx %arg9[%and3A_186, %add3A_47], %gather3A_200 : memref<32x512xf32, #tpu.memory_space<vmem>>[vector<16xi32>, vector<16xi32>], vector<16xf32>,
        %gather3A_201 = tpu.vector_load_idx %arg7[%add3A_50, %and3A_186] : memref<512x32xf32, #tpu.memory_space<vmem>>[vector<16xi32>, vector<16xi32>], vector<16xf32>,
        tpu.vector_store_idx %arg9[%and3A_186, %add3A_50], %gather3A_201 : memref<32x512xf32, #tpu.memory_space<vmem>>[vector<16xi32>, vector<16xi32>], vector<16xf32>,
        %gather3A_202 = tpu.vector_load_idx %arg7[%add3A_53, %and3A_186] : memref<512x32xf32, #tpu.memory_space<vmem>>[vector<16xi32>, vector<16xi32>], vector<16xf32>,
        tpu.vector_store_idx %arg9[%and3A_186, %add3A_53], %gather3A_202 : memref<32x512xf32, #tpu.memory_space<vmem>>[vector<16xi32>, vector<16xi32>], vector<16xf32>,
        %gather3A_203 = tpu.vector_load_idx %arg7[%add3A_56, %and3A_186] : memref<512x32xf32, #tpu.memory_space<vmem>>[vector<16xi32>, vector<16xi32>], vector<16xf32>,
        tpu.vector_store_idx %arg9[%and3A_186, %add3A_56], %gather3A_203 : memref<32x512xf32, #tpu.memory_space<vmem>>[vector<16xi32>, vector<16xi32>], vector<16xf32>,
        %gather3A_204 = tpu.vector_load_idx %arg7[%add3A_59, %and3A_186] : memref<512x32xf32, #tpu.memory_space<vmem>>[vector<16xi32>, vector<16xi32>], vector<16xf32>,
        tpu.vector_store_idx %arg9[%and3A_186, %add3A_59], %gather3A_204 : memref<32x512xf32, #tpu.memory_space<vmem>>[vector<16xi32>, vector<16xi32>], vector<16xf32>,
        %gather3A_205 = tpu.vector_load_idx %arg7[%add3A_62, %and3A_186] : memref<512x32xf32, #tpu.memory_space<vmem>>[vector<16xi32>, vector<16xi32>], vector<16xf32>,
        tpu.vector_store_idx %arg9[%and3A_186, %add3A_62], %gather3A_205 : memref<32x512xf32, #tpu.memory_space<vmem>>[vector<16xi32>, vector<16xi32>], vector<16xf32>,
        %gather3A_206 = tpu.vector_load_idx %arg7[%add3A_65, %and3A_186] : memref<512x32xf32, #tpu.memory_space<vmem>>[vector<16xi32>, vector<16xi32>], vector<16xf32>,
        tpu.vector_store_idx %arg9[%and3A_186, %add3A_65], %gather3A_206 : memref<32x512xf32, #tpu.memory_space<vmem>>[vector<16xi32>, vector<16xi32>], vector<16xf32>,
        %gather3A_207 = tpu.vector_load_idx %arg7[%add3A_68, %and3A_186] : memref<512x32xf32, #tpu.memory_space<vmem>>[vector<16xi32>, vector<16xi32>], vector<16xf32>,
        tpu.vector_store_idx %arg9[%and3A_186, %add3A_68], %gather3A_207 : memref<32x512xf32, #tpu.memory_space<vmem>>[vector<16xi32>, vector<16xi32>], vector<16xf32>,
        %gather3A_208 = tpu.vector_load_idx %arg7[%add3A_71, %and3A_186] : memref<512x32xf32, #tpu.memory_space<vmem>>[vector<16xi32>, vector<16xi32>], vector<16xf32>,
        tpu.vector_store_idx %arg9[%and3A_186, %add3A_71], %gather3A_208 : memref<32x512xf32, #tpu.memory_space<vmem>>[vector<16xi32>, vector<16xi32>], vector<16xf32>,
        %gather3A_209 = tpu.vector_load_idx %arg7[%add3A_74, %and3A_186] : memref<512x32xf32, #tpu.memory_space<vmem>>[vector<16xi32>, vector<16xi32>], vector<16xf32>,
        tpu.vector_store_idx %arg9[%and3A_186, %add3A_74], %gather3A_209 : memref<32x512xf32, #tpu.memory_space<vmem>>[vector<16xi32>, vector<16xi32>], vector<16xf32>,
        %gather3A_210 = tpu.vector_load_idx %arg7[%add3A_77, %and3A_186] : memref<512x32xf32, #tpu.memory_space<vmem>>[vector<16xi32>, vector<16xi32>], vector<16xf32>,
        tpu.vector_store_idx %arg9[%and3A_186, %add3A_77], %gather3A_210 : memref<32x512xf32, #tpu.memory_space<vmem>>[vector<16xi32>, vector<16xi32>], vector<16xf32>,
        %gather3A_211 = tpu.vector_load_idx %arg7[%add3A_80, %and3A_186] : memref<512x32xf32, #tpu.memory_space<vmem>>[vector<16xi32>, vector<16xi32>], vector<16xf32>,
        tpu.vector_store_idx %arg9[%and3A_186, %add3A_80], %gather3A_211 : memref<32x512xf32, #tpu.memory_space<vmem>>[vector<16xi32>, vector<16xi32>], vector<16xf32>,
        %gather3A_212 = tpu.vector_load_idx %arg7[%add3A_83, %and3A_186] : memref<512x32xf32, #tpu.memory_space<vmem>>[vector<16xi32>, vector<16xi32>], vector<16xf32>,
        tpu.vector_store_idx %arg9[%and3A_186, %add3A_83], %gather3A_212 : memref<32x512xf32, #tpu.memory_space<vmem>>[vector<16xi32>, vector<16xi32>], vector<16xf32>,
        %gather3A_213 = tpu.vector_load_idx %arg7[%add3A_86, %and3A_186] : memref<512x32xf32, #tpu.memory_space<vmem>>[vector<16xi32>, vector<16xi32>], vector<16xf32>,
        tpu.vector_store_idx %arg9[%and3A_186, %add3A_86], %gather3A_213 : memref<32x512xf32, #tpu.memory_space<vmem>>[vector<16xi32>, vector<16xi32>], vector<16xf32>,
        %gather3A_214 = tpu.vector_load_idx %arg7[%add3A_89, %and3A_186] : memref<512x32xf32, #tpu.memory_space<vmem>>[vector<16xi32>, vector<16xi32>], vector<16xf32>,
        tpu.vector_store_idx %arg9[%and3A_186, %add3A_89], %gather3A_214 : memref<32x512xf32, #tpu.memory_space<vmem>>[vector<16xi32>, vector<16xi32>], vector<16xf32>,
        %gather3A_215 = tpu.vector_load_idx %arg7[%add3A_92, %and3A_186] : memref<512x32xf32, #tpu.memory_space<vmem>>[vector<16xi32>, vector<16xi32>], vector<16xf32>,
        tpu.vector_store_idx %arg9[%and3A_186, %add3A_92], %gather3A_215 : memref<32x512xf32, #tpu.memory_space<vmem>>[vector<16xi32>, vector<16xi32>], vector<16xf32>,
        %gather3A_216 = tpu.vector_load_idx %arg7[%add3A_95, %and3A_186] : memref<512x32xf32, #tpu.memory_space<vmem>>[vector<16xi32>, vector<16xi32>], vector<16xf32>,
        tpu.vector_store_idx %arg9[%and3A_186, %add3A_95], %gather3A_216 : memref<32x512xf32, #tpu.memory_space<vmem>>[vector<16xi32>, vector<16xi32>], vector<16xf32>,
        %gather3A_217 = tpu.vector_load_idx %arg7[%add3A_98, %and3A_186] : memref<512x32xf32, #tpu.memory_space<vmem>>[vector<16xi32>, vector<16xi32>], vector<16xf32>,
        tpu.vector_store_idx %arg9[%and3A_186, %add3A_98], %gather3A_217 : memref<32x512xf32, #tpu.memory_space<vmem>>[vector<16xi32>, vector<16xi32>], vector<16xf32>,
        %mul3A_218 = arith.constant 4 : i32
        %mul3A_219 = arith.muli %scan3A_178, %mul3A_218 : i32
        %add3A_220 = arith.constant 1 : i32
        %add3A_221 = arith.addi %mul3A_219, %add3A_220 : i32
        %add3A_222 = vector.broadcast %add3A_221 : i32 to vector<16xi32>
        %add3A_223 = arith.addi %add3A_222, %iota3A : vector<16xi32>
        %and3A_224 = arith.constant 31 : i32
        %and3A_225 = vector.broadcast %and3A_224 : i32 to vector<16xi32>
        %and3A_226 = arith.andi %add3A_223, %and3A_225 : vector<16xi32>
        %gather3A_227 = tpu.vector_load_idx %arg7[%add3A_5, %and3A_226] : memref<512x32xf32, #tpu.memory_space<vmem>>[vector<16xi32>, vector<16xi32>], vector<16xf32>,
        tpu.vector_store_idx %arg9[%and3A_226, %add3A_5], %gather3A_227 : memref<32x512xf32, #tpu.memory_space<vmem>>[vector<16xi32>, vector<16xi32>], vector<16xf32>,
        %gather3A_228 = tpu.vector_load_idx %arg7[%add3A_8, %and3A_226] : memref<512x32xf32, #tpu.memory_space<vmem>>[vector<16xi32>, vector<16xi32>], vector<16xf32>,
        tpu.vector_store_idx %arg9[%and3A_226, %add3A_8], %gather3A_228 : memref<32x512xf32, #tpu.memory_space<vmem>>[vector<16xi32>, vector<16xi32>], vector<16xf32>,
        %gather3A_229 = tpu.vector_load_idx %arg7[%add3A_11, %and3A_226] : memref<512x32xf32, #tpu.memory_space<vmem>>[vector<16xi32>, vector<16xi32>], vector<16xf32>,
        tpu.vector_store_idx %arg9[%and3A_226, %add3A_11], %gather3A_229 : memref<32x512xf32, #tpu.memory_space<vmem>>[vector<16xi32>, vector<16xi32>], vector<16xf32>,
        %gather3A_230 = tpu.vector_load_idx %arg7[%add3A_14, %and3A_226] : memref<512x32xf32, #tpu.memory_space<vmem>>[vector<16xi32>, vector<16xi32>], vector<16xf32>,
        tpu.vector_store_idx %arg9[%and3A_226, %add3A_14], %gather3A_230 : memref<32x512xf32, #tpu.memory_space<vmem>>[vector<16xi32>, vector<16xi32>], vector<16xf32>,
        %gather3A_231 = tpu.vector_load_idx %arg7[%add3A_17, %and3A_226] : memref<512x32xf32, #tpu.memory_space<vmem>>[vector<16xi32>, vector<16xi32>], vector<16xf32>,
        tpu.vector_store_idx %arg9[%and3A_226, %add3A_17], %gather3A_231 : memref<32x512xf32, #tpu.memory_space<vmem>>[vector<16xi32>, vector<16xi32>], vector<16xf32>,
        %gather3A_232 = tpu.vector_load_idx %arg7[%add3A_20, %and3A_226] : memref<512x32xf32, #tpu.memory_space<vmem>>[vector<16xi32>, vector<16xi32>], vector<16xf32>,
        tpu.vector_store_idx %arg9[%and3A_226, %add3A_20], %gather3A_232 : memref<32x512xf32, #tpu.memory_space<vmem>>[vector<16xi32>, vector<16xi32>], vector<16xf32>,
        %gather3A_233 = tpu.vector_load_idx %arg7[%add3A_23, %and3A_226] : memref<512x32xf32, #tpu.memory_space<vmem>>[vector<16xi32>, vector<16xi32>], vector<16xf32>,
        tpu.vector_store_idx %arg9[%and3A_226, %add3A_23], %gather3A_233 : memref<32x512xf32, #tpu.memory_space<vmem>>[vector<16xi32>, vector<16xi32>], vector<16xf32>,
        %gather3A_234 = tpu.vector_load_idx %arg7[%add3A_26, %and3A_226] : memref<512x32xf32, #tpu.memory_space<vmem>>[vector<16xi32>, vector<16xi32>], vector<16xf32>,
        tpu.vector_store_idx %arg9[%and3A_226, %add3A_26], %gather3A_234 : memref<32x512xf32, #tpu.memory_space<vmem>>[vector<16xi32>, vector<16xi32>], vector<16xf32>,
        %gather3A_235 = tpu.vector_load_idx %arg7[%add3A_29, %and3A_226] : memref<512x32xf32, #tpu.memory_space<vmem>>[vector<16xi32>, vector<16xi32>], vector<16xf32>,
        tpu.vector_store_idx %arg9[%and3A_226, %add3A_29], %gather3A_235 : memref<32x512xf32, #tpu.memory_space<vmem>>[vector<16xi32>, vector<16xi32>], vector<16xf32>,
        %gather3A_236 = tpu.vector_load_idx %arg7[%add3A_32, %and3A_226] : memref<512x32xf32, #tpu.memory_space<vmem>>[vector<16xi32>, vector<16xi32>], vector<16xf32>,
        tpu.vector_store_idx %arg9[%and3A_226, %add3A_32], %gather3A_236 : memref<32x512xf32, #tpu.memory_space<vmem>>[vector<16xi32>, vector<16xi32>], vector<16xf32>,
        %gather3A_237 = tpu.vector_load_idx %arg7[%add3A_35, %and3A_226] : memref<512x32xf32, #tpu.memory_space<vmem>>[vector<16xi32>, vector<16xi32>], vector<16xf32>,
        tpu.vector_store_idx %arg9[%and3A_226, %add3A_35], %gather3A_237 : memref<32x512xf32, #tpu.memory_space<vmem>>[vector<16xi32>, vector<16xi32>], vector<16xf32>,
        %gather3A_238 = tpu.vector_load_idx %arg7[%add3A_38, %and3A_226] : memref<512x32xf32, #tpu.memory_space<vmem>>[vector<16xi32>, vector<16xi32>], vector<16xf32>,
        tpu.vector_store_idx %arg9[%and3A_226, %add3A_38], %gather3A_238 : memref<32x512xf32, #tpu.memory_space<vmem>>[vector<16xi32>, vector<16xi32>], vector<16xf32>,
        %gather3A_239 = tpu.vector_load_idx %arg7[%add3A_41, %and3A_226] : memref<512x32xf32, #tpu.memory_space<vmem>>[vector<16xi32>, vector<16xi32>], vector<16xf32>,
        tpu.vector_store_idx %arg9[%and3A_226, %add3A_41], %gather3A_239 : memref<32x512xf32, #tpu.memory_space<vmem>>[vector<16xi32>, vector<16xi32>], vector<16xf32>,
        %gather3A_240 = tpu.vector_load_idx %arg7[%add3A_44, %and3A_226] : memref<512x32xf32, #tpu.memory_space<vmem>>[vector<16xi32>, vector<16xi32>], vector<16xf32>,
        tpu.vector_store_idx %arg9[%and3A_226, %add3A_44], %gather3A_240 : memref<32x512xf32, #tpu.memory_space<vmem>>[vector<16xi32>, vector<16xi32>], vector<16xf32>,
        %gather3A_241 = tpu.vector_load_idx %arg7[%add3A_47, %and3A_226] : memref<512x32xf32, #tpu.memory_space<vmem>>[vector<16xi32>, vector<16xi32>], vector<16xf32>,
        tpu.vector_store_idx %arg9[%and3A_226, %add3A_47], %gather3A_241 : memref<32x512xf32, #tpu.memory_space<vmem>>[vector<16xi32>, vector<16xi32>], vector<16xf32>,
        %gather3A_242 = tpu.vector_load_idx %arg7[%add3A_50, %and3A_226] : memref<512x32xf32, #tpu.memory_space<vmem>>[vector<16xi32>, vector<16xi32>], vector<16xf32>,
        tpu.vector_store_idx %arg9[%and3A_226, %add3A_50], %gather3A_242 : memref<32x512xf32, #tpu.memory_space<vmem>>[vector<16xi32>, vector<16xi32>], vector<16xf32>,
        %gather3A_243 = tpu.vector_load_idx %arg7[%add3A_53, %and3A_226] : memref<512x32xf32, #tpu.memory_space<vmem>>[vector<16xi32>, vector<16xi32>], vector<16xf32>,
        tpu.vector_store_idx %arg9[%and3A_226, %add3A_53], %gather3A_243 : memref<32x512xf32, #tpu.memory_space<vmem>>[vector<16xi32>, vector<16xi32>], vector<16xf32>,
        %gather3A_244 = tpu.vector_load_idx %arg7[%add3A_56, %and3A_226] : memref<512x32xf32, #tpu.memory_space<vmem>>[vector<16xi32>, vector<16xi32>], vector<16xf32>,
        tpu.vector_store_idx %arg9[%and3A_226, %add3A_56], %gather3A_244 : memref<32x512xf32, #tpu.memory_space<vmem>>[vector<16xi32>, vector<16xi32>], vector<16xf32>,
        %gather3A_245 = tpu.vector_load_idx %arg7[%add3A_59, %and3A_226] : memref<512x32xf32, #tpu.memory_space<vmem>>[vector<16xi32>, vector<16xi32>], vector<16xf32>,
        tpu.vector_store_idx %arg9[%and3A_226, %add3A_59], %gather3A_245 : memref<32x512xf32, #tpu.memory_space<vmem>>[vector<16xi32>, vector<16xi32>], vector<16xf32>,
        %gather3A_246 = tpu.vector_load_idx %arg7[%add3A_62, %and3A_226] : memref<512x32xf32, #tpu.memory_space<vmem>>[vector<16xi32>, vector<16xi32>], vector<16xf32>,
        tpu.vector_store_idx %arg9[%and3A_226, %add3A_62], %gather3A_246 : memref<32x512xf32, #tpu.memory_space<vmem>>[vector<16xi32>, vector<16xi32>], vector<16xf32>,
        %gather3A_247 = tpu.vector_load_idx %arg7[%add3A_65, %and3A_226] : memref<512x32xf32, #tpu.memory_space<vmem>>[vector<16xi32>, vector<16xi32>], vector<16xf32>,
        tpu.vector_store_idx %arg9[%and3A_226, %add3A_65], %gather3A_247 : memref<32x512xf32, #tpu.memory_space<vmem>>[vector<16xi32>, vector<16xi32>], vector<16xf32>,
        %gather3A_248 = tpu.vector_load_idx %arg7[%add3A_68, %and3A_226] : memref<512x32xf32, #tpu.memory_space<vmem>>[vector<16xi32>, vector<16xi32>], vector<16xf32>,
        tpu.vector_store_idx %arg9[%and3A_226, %add3A_68], %gather3A_248 : memref<32x512xf32, #tpu.memory_space<vmem>>[vector<16xi32>, vector<16xi32>], vector<16xf32>,
        %gather3A_249 = tpu.vector_load_idx %arg7[%add3A_71, %and3A_226] : memref<512x32xf32, #tpu.memory_space<vmem>>[vector<16xi32>, vector<16xi32>], vector<16xf32>,
        tpu.vector_store_idx %arg9[%and3A_226, %add3A_71], %gather3A_249 : memref<32x512xf32, #tpu.memory_space<vmem>>[vector<16xi32>, vector<16xi32>], vector<16xf32>,
        %gather3A_250 = tpu.vector_load_idx %arg7[%add3A_74, %and3A_226] : memref<512x32xf32, #tpu.memory_space<vmem>>[vector<16xi32>, vector<16xi32>], vector<16xf32>,
        tpu.vector_store_idx %arg9[%and3A_226, %add3A_74], %gather3A_250 : memref<32x512xf32, #tpu.memory_space<vmem>>[vector<16xi32>, vector<16xi32>], vector<16xf32>,
        %gather3A_251 = tpu.vector_load_idx %arg7[%add3A_77, %and3A_226] : memref<512x32xf32, #tpu.memory_space<vmem>>[vector<16xi32>, vector<16xi32>], vector<16xf32>,
        tpu.vector_store_idx %arg9[%and3A_226, %add3A_77], %gather3A_251 : memref<32x512xf32, #tpu.memory_space<vmem>>[vector<16xi32>, vector<16xi32>], vector<16xf32>,
        %gather3A_252 = tpu.vector_load_idx %arg7[%add3A_80, %and3A_226] : memref<512x32xf32, #tpu.memory_space<vmem>>[vector<16xi32>, vector<16xi32>], vector<16xf32>,
        tpu.vector_store_idx %arg9[%and3A_226, %add3A_80], %gather3A_252 : memref<32x512xf32, #tpu.memory_space<vmem>>[vector<16xi32>, vector<16xi32>], vector<16xf32>,
        %gather3A_253 = tpu.vector_load_idx %arg7[%add3A_83, %and3A_226] : memref<512x32xf32, #tpu.memory_space<vmem>>[vector<16xi32>, vector<16xi32>], vector<16xf32>,
        tpu.vector_store_idx %arg9[%and3A_226, %add3A_83], %gather3A_253 : memref<32x512xf32, #tpu.memory_space<vmem>>[vector<16xi32>, vector<16xi32>], vector<16xf32>,
        %gather3A_254 = tpu.vector_load_idx %arg7[%add3A_86, %and3A_226] : memref<512x32xf32, #tpu.memory_space<vmem>>[vector<16xi32>, vector<16xi32>], vector<16xf32>,
        tpu.vector_store_idx %arg9[%and3A_226, %add3A_86], %gather3A_254 : memref<32x512xf32, #tpu.memory_space<vmem>>[vector<16xi32>, vector<16xi32>], vector<16xf32>,
        %gather3A_255 = tpu.vector_load_idx %arg7[%add3A_89, %and3A_226] : memref<512x32xf32, #tpu.memory_space<vmem>>[vector<16xi32>, vector<16xi32>], vector<16xf32>,
        tpu.vector_store_idx %arg9[%and3A_226, %add3A_89], %gather3A_255 : memref<32x512xf32, #tpu.memory_space<vmem>>[vector<16xi32>, vector<16xi32>], vector<16xf32>,
        %gather3A_256 = tpu.vector_load_idx %arg7[%add3A_92, %and3A_226] : memref<512x32xf32, #tpu.memory_space<vmem>>[vector<16xi32>, vector<16xi32>], vector<16xf32>,
        tpu.vector_store_idx %arg9[%and3A_226, %add3A_92], %gather3A_256 : memref<32x512xf32, #tpu.memory_space<vmem>>[vector<16xi32>, vector<16xi32>], vector<16xf32>,
        %gather3A_257 = tpu.vector_load_idx %arg7[%add3A_95, %and3A_226] : memref<512x32xf32, #tpu.memory_space<vmem>>[vector<16xi32>, vector<16xi32>], vector<16xf32>,
        tpu.vector_store_idx %arg9[%and3A_226, %add3A_95], %gather3A_257 : memref<32x512xf32, #tpu.memory_space<vmem>>[vector<16xi32>, vector<16xi32>], vector<16xf32>,
        %gather3A_258 = tpu.vector_load_idx %arg7[%add3A_98, %and3A_226] : memref<512x32xf32, #tpu.memory_space<vmem>>[vector<16xi32>, vector<16xi32>], vector<16xf32>,
        tpu.vector_store_idx %arg9[%and3A_226, %add3A_98], %gather3A_258 : memref<32x512xf32, #tpu.memory_space<vmem>>[vector<16xi32>, vector<16xi32>], vector<16xf32>,
        %mul3A_259 = arith.constant 4 : i32
        %mul3A_260 = arith.muli %scan3A_178, %mul3A_259 : i32
        %add3A_261 = arith.constant 2 : i32
        %add3A_262 = arith.addi %mul3A_260, %add3A_261 : i32
        %add3A_263 = vector.broadcast %add3A_262 : i32 to vector<16xi32>
        %add3A_264 = arith.addi %add3A_263, %iota3A : vector<16xi32>
        %and3A_265 = arith.constant 31 : i32
        %and3A_266 = vector.broadcast %and3A_265 : i32 to vector<16xi32>
        %and3A_267 = arith.andi %add3A_264, %and3A_266 : vector<16xi32>
        %gather3A_268 = tpu.vector_load_idx %arg7[%add3A_5, %and3A_267] : memref<512x32xf32, #tpu.memory_space<vmem>>[vector<16xi32>, vector<16xi32>], vector<16xf32>,
        tpu.vector_store_idx %arg9[%and3A_267, %add3A_5], %gather3A_268 : memref<32x512xf32, #tpu.memory_space<vmem>>[vector<16xi32>, vector<16xi32>], vector<16xf32>,
        %gather3A_269 = tpu.vector_load_idx %arg7[%add3A_8, %and3A_267] : memref<512x32xf32, #tpu.memory_space<vmem>>[vector<16xi32>, vector<16xi32>], vector<16xf32>,
        tpu.vector_store_idx %arg9[%and3A_267, %add3A_8], %gather3A_269 : memref<32x512xf32, #tpu.memory_space<vmem>>[vector<16xi32>, vector<16xi32>], vector<16xf32>,
        %gather3A_270 = tpu.vector_load_idx %arg7[%add3A_11, %and3A_267] : memref<512x32xf32, #tpu.memory_space<vmem>>[vector<16xi32>, vector<16xi32>], vector<16xf32>,
        tpu.vector_store_idx %arg9[%and3A_267, %add3A_11], %gather3A_270 : memref<32x512xf32, #tpu.memory_space<vmem>>[vector<16xi32>, vector<16xi32>], vector<16xf32>,
        %gather3A_271 = tpu.vector_load_idx %arg7[%add3A_14, %and3A_267] : memref<512x32xf32, #tpu.memory_space<vmem>>[vector<16xi32>, vector<16xi32>], vector<16xf32>,
        tpu.vector_store_idx %arg9[%and3A_267, %add3A_14], %gather3A_271 : memref<32x512xf32, #tpu.memory_space<vmem>>[vector<16xi32>, vector<16xi32>], vector<16xf32>,
        %gather3A_272 = tpu.vector_load_idx %arg7[%add3A_17, %and3A_267] : memref<512x32xf32, #tpu.memory_space<vmem>>[vector<16xi32>, vector<16xi32>], vector<16xf32>,
        tpu.vector_store_idx %arg9[%and3A_267, %add3A_17], %gather3A_272 : memref<32x512xf32, #tpu.memory_space<vmem>>[vector<16xi32>, vector<16xi32>], vector<16xf32>,
        %gather3A_273 = tpu.vector_load_idx %arg7[%add3A_20, %and3A_267] : memref<512x32xf32, #tpu.memory_space<vmem>>[vector<16xi32>, vector<16xi32>], vector<16xf32>,
        tpu.vector_store_idx %arg9[%and3A_267, %add3A_20], %gather3A_273 : memref<32x512xf32, #tpu.memory_space<vmem>>[vector<16xi32>, vector<16xi32>], vector<16xf32>,
        %gather3A_274 = tpu.vector_load_idx %arg7[%add3A_23, %and3A_267] : memref<512x32xf32, #tpu.memory_space<vmem>>[vector<16xi32>, vector<16xi32>], vector<16xf32>,
        tpu.vector_store_idx %arg9[%and3A_267, %add3A_23], %gather3A_274 : memref<32x512xf32, #tpu.memory_space<vmem>>[vector<16xi32>, vector<16xi32>], vector<16xf32>,
        %gather3A_275 = tpu.vector_load_idx %arg7[%add3A_26, %and3A_267] : memref<512x32xf32, #tpu.memory_space<vmem>>[vector<16xi32>, vector<16xi32>], vector<16xf32>,
        tpu.vector_store_idx %arg9[%and3A_267, %add3A_26], %gather3A_275 : memref<32x512xf32, #tpu.memory_space<vmem>>[vector<16xi32>, vector<16xi32>], vector<16xf32>,
        %gather3A_276 = tpu.vector_load_idx %arg7[%add3A_29, %and3A_267] : memref<512x32xf32, #tpu.memory_space<vmem>>[vector<16xi32>, vector<16xi32>], vector<16xf32>,
        tpu.vector_store_idx %arg9[%and3A_267, %add3A_29], %gather3A_276 : memref<32x512xf32, #tpu.memory_space<vmem>>[vector<16xi32>, vector<16xi32>], vector<16xf32>,
        %gather3A_277 = tpu.vector_load_idx %arg7[%add3A_32, %and3A_267] : memref<512x32xf32, #tpu.memory_space<vmem>>[vector<16xi32>, vector<16xi32>], vector<16xf32>,
        tpu.vector_store_idx %arg9[%and3A_267, %add3A_32], %gather3A_277 : memref<32x512xf32, #tpu.memory_space<vmem>>[vector<16xi32>, vector<16xi32>], vector<16xf32>,
        %gather3A_278 = tpu.vector_load_idx %arg7[%add3A_35, %and3A_267] : memref<512x32xf32, #tpu.memory_space<vmem>>[vector<16xi32>, vector<16xi32>], vector<16xf32>,
        tpu.vector_store_idx %arg9[%and3A_267, %add3A_35], %gather3A_278 : memref<32x512xf32, #tpu.memory_space<vmem>>[vector<16xi32>, vector<16xi32>], vector<16xf32>,
        %gather3A_279 = tpu.vector_load_idx %arg7[%add3A_38, %and3A_267] : memref<512x32xf32, #tpu.memory_space<vmem>>[vector<16xi32>, vector<16xi32>], vector<16xf32>,
        tpu.vector_store_idx %arg9[%and3A_267, %add3A_38], %gather3A_279 : memref<32x512xf32, #tpu.memory_space<vmem>>[vector<16xi32>, vector<16xi32>], vector<16xf32>,
        %gather3A_280 = tpu.vector_load_idx %arg7[%add3A_41, %and3A_267] : memref<512x32xf32, #tpu.memory_space<vmem>>[vector<16xi32>, vector<16xi32>], vector<16xf32>,
        tpu.vector_store_idx %arg9[%and3A_267, %add3A_41], %gather3A_280 : memref<32x512xf32, #tpu.memory_space<vmem>>[vector<16xi32>, vector<16xi32>], vector<16xf32>,
        %gather3A_281 = tpu.vector_load_idx %arg7[%add3A_44, %and3A_267] : memref<512x32xf32, #tpu.memory_space<vmem>>[vector<16xi32>, vector<16xi32>], vector<16xf32>,
        tpu.vector_store_idx %arg9[%and3A_267, %add3A_44], %gather3A_281 : memref<32x512xf32, #tpu.memory_space<vmem>>[vector<16xi32>, vector<16xi32>], vector<16xf32>,
        %gather3A_282 = tpu.vector_load_idx %arg7[%add3A_47, %and3A_267] : memref<512x32xf32, #tpu.memory_space<vmem>>[vector<16xi32>, vector<16xi32>], vector<16xf32>,
        tpu.vector_store_idx %arg9[%and3A_267, %add3A_47], %gather3A_282 : memref<32x512xf32, #tpu.memory_space<vmem>>[vector<16xi32>, vector<16xi32>], vector<16xf32>,
        %gather3A_283 = tpu.vector_load_idx %arg7[%add3A_50, %and3A_267] : memref<512x32xf32, #tpu.memory_space<vmem>>[vector<16xi32>, vector<16xi32>], vector<16xf32>,
        tpu.vector_store_idx %arg9[%and3A_267, %add3A_50], %gather3A_283 : memref<32x512xf32, #tpu.memory_space<vmem>>[vector<16xi32>, vector<16xi32>], vector<16xf32>,
        %gather3A_284 = tpu.vector_load_idx %arg7[%add3A_53, %and3A_267] : memref<512x32xf32, #tpu.memory_space<vmem>>[vector<16xi32>, vector<16xi32>], vector<16xf32>,
        tpu.vector_store_idx %arg9[%and3A_267, %add3A_53], %gather3A_284 : memref<32x512xf32, #tpu.memory_space<vmem>>[vector<16xi32>, vector<16xi32>], vector<16xf32>,
        %gather3A_285 = tpu.vector_load_idx %arg7[%add3A_56, %and3A_267] : memref<512x32xf32, #tpu.memory_space<vmem>>[vector<16xi32>, vector<16xi32>], vector<16xf32>,
        tpu.vector_store_idx %arg9[%and3A_267, %add3A_56], %gather3A_285 : memref<32x512xf32, #tpu.memory_space<vmem>>[vector<16xi32>, vector<16xi32>], vector<16xf32>,
        %gather3A_286 = tpu.vector_load_idx %arg7[%add3A_59, %and3A_267] : memref<512x32xf32, #tpu.memory_space<vmem>>[vector<16xi32>, vector<16xi32>], vector<16xf32>,
        tpu.vector_store_idx %arg9[%and3A_267, %add3A_59], %gather3A_286 : memref<32x512xf32, #tpu.memory_space<vmem>>[vector<16xi32>, vector<16xi32>], vector<16xf32>,
        %gather3A_287 = tpu.vector_load_idx %arg7[%add3A_62, %and3A_267] : memref<512x32xf32, #tpu.memory_space<vmem>>[vector<16xi32>, vector<16xi32>], vector<16xf32>,
        tpu.vector_store_idx %arg9[%and3A_267, %add3A_62], %gather3A_287 : memref<32x512xf32, #tpu.memory_space<vmem>>[vector<16xi32>, vector<16xi32>], vector<16xf32>,
        %gather3A_288 = tpu.vector_load_idx %arg7[%add3A_65, %and3A_267] : memref<512x32xf32, #tpu.memory_space<vmem>>[vector<16xi32>, vector<16xi32>], vector<16xf32>,
        tpu.vector_store_idx %arg9[%and3A_267, %add3A_65], %gather3A_288 : memref<32x512xf32, #tpu.memory_space<vmem>>[vector<16xi32>, vector<16xi32>], vector<16xf32>,
        %gather3A_289 = tpu.vector_load_idx %arg7[%add3A_68, %and3A_267] : memref<512x32xf32, #tpu.memory_space<vmem>>[vector<16xi32>, vector<16xi32>], vector<16xf32>,
        tpu.vector_store_idx %arg9[%and3A_267, %add3A_68], %gather3A_289 : memref<32x512xf32, #tpu.memory_space<vmem>>[vector<16xi32>, vector<16xi32>], vector<16xf32>,
        %gather3A_290 = tpu.vector_load_idx %arg7[%add3A_71, %and3A_267] : memref<512x32xf32, #tpu.memory_space<vmem>>[vector<16xi32>, vector<16xi32>], vector<16xf32>,
        tpu.vector_store_idx %arg9[%and3A_267, %add3A_71], %gather3A_290 : memref<32x512xf32, #tpu.memory_space<vmem>>[vector<16xi32>, vector<16xi32>], vector<16xf32>,
        %gather3A_291 = tpu.vector_load_idx %arg7[%add3A_74, %and3A_267] : memref<512x32xf32, #tpu.memory_space<vmem>>[vector<16xi32>, vector<16xi32>], vector<16xf32>,
        tpu.vector_store_idx %arg9[%and3A_267, %add3A_74], %gather3A_291 : memref<32x512xf32, #tpu.memory_space<vmem>>[vector<16xi32>, vector<16xi32>], vector<16xf32>,
        %gather3A_292 = tpu.vector_load_idx %arg7[%add3A_77, %and3A_267] : memref<512x32xf32, #tpu.memory_space<vmem>>[vector<16xi32>, vector<16xi32>], vector<16xf32>,
        tpu.vector_store_idx %arg9[%and3A_267, %add3A_77], %gather3A_292 : memref<32x512xf32, #tpu.memory_space<vmem>>[vector<16xi32>, vector<16xi32>], vector<16xf32>,
        %gather3A_293 = tpu.vector_load_idx %arg7[%add3A_80, %and3A_267] : memref<512x32xf32, #tpu.memory_space<vmem>>[vector<16xi32>, vector<16xi32>], vector<16xf32>,
        tpu.vector_store_idx %arg9[%and3A_267, %add3A_80], %gather3A_293 : memref<32x512xf32, #tpu.memory_space<vmem>>[vector<16xi32>, vector<16xi32>], vector<16xf32>,
        %gather3A_294 = tpu.vector_load_idx %arg7[%add3A_83, %and3A_267] : memref<512x32xf32, #tpu.memory_space<vmem>>[vector<16xi32>, vector<16xi32>], vector<16xf32>,
        tpu.vector_store_idx %arg9[%and3A_267, %add3A_83], %gather3A_294 : memref<32x512xf32, #tpu.memory_space<vmem>>[vector<16xi32>, vector<16xi32>], vector<16xf32>,
        %gather3A_295 = tpu.vector_load_idx %arg7[%add3A_86, %and3A_267] : memref<512x32xf32, #tpu.memory_space<vmem>>[vector<16xi32>, vector<16xi32>], vector<16xf32>,
        tpu.vector_store_idx %arg9[%and3A_267, %add3A_86], %gather3A_295 : memref<32x512xf32, #tpu.memory_space<vmem>>[vector<16xi32>, vector<16xi32>], vector<16xf32>,
        %gather3A_296 = tpu.vector_load_idx %arg7[%add3A_89, %and3A_267] : memref<512x32xf32, #tpu.memory_space<vmem>>[vector<16xi32>, vector<16xi32>], vector<16xf32>,
        tpu.vector_store_idx %arg9[%and3A_267, %add3A_89], %gather3A_296 : memref<32x512xf32, #tpu.memory_space<vmem>>[vector<16xi32>, vector<16xi32>], vector<16xf32>,
        %gather3A_297 = tpu.vector_load_idx %arg7[%add3A_92, %and3A_267] : memref<512x32xf32, #tpu.memory_space<vmem>>[vector<16xi32>, vector<16xi32>], vector<16xf32>,
        tpu.vector_store_idx %arg9[%and3A_267, %add3A_92], %gather3A_297 : memref<32x512xf32, #tpu.memory_space<vmem>>[vector<16xi32>, vector<16xi32>], vector<16xf32>,
        %gather3A_298 = tpu.vector_load_idx %arg7[%add3A_95, %and3A_267] : memref<512x32xf32, #tpu.memory_space<vmem>>[vector<16xi32>, vector<16xi32>], vector<16xf32>,
        tpu.vector_store_idx %arg9[%and3A_267, %add3A_95], %gather3A_298 : memref<32x512xf32, #tpu.memory_space<vmem>>[vector<16xi32>, vector<16xi32>], vector<16xf32>,
        %gather3A_299 = tpu.vector_load_idx %arg7[%add3A_98, %and3A_267] : memref<512x32xf32, #tpu.memory_space<vmem>>[vector<16xi32>, vector<16xi32>], vector<16xf32>,
        tpu.vector_store_idx %arg9[%and3A_267, %add3A_98], %gather3A_299 : memref<32x512xf32, #tpu.memory_space<vmem>>[vector<16xi32>, vector<16xi32>], vector<16xf32>,
        %mul3A_300 = arith.constant 4 : i32
        %mul3A_301 = arith.muli %scan3A_178, %mul3A_300 : i32
        %add3A_302 = arith.constant 3 : i32
        %add3A_303 = arith.addi %mul3A_301, %add3A_302 : i32
        %add3A_304 = vector.broadcast %add3A_303 : i32 to vector<16xi32>
        %add3A_305 = arith.addi %add3A_304, %iota3A : vector<16xi32>
        %and3A_306 = arith.constant 31 : i32
        %and3A_307 = vector.broadcast %and3A_306 : i32 to vector<16xi32>
        %and3A_308 = arith.andi %add3A_305, %and3A_307 : vector<16xi32>
        %gather3A_309 = tpu.vector_load_idx %arg7[%add3A_5, %and3A_308] : memref<512x32xf32, #tpu.memory_space<vmem>>[vector<16xi32>, vector<16xi32>], vector<16xf32>,
        tpu.vector_store_idx %arg9[%and3A_308, %add3A_5], %gather3A_309 : memref<32x512xf32, #tpu.memory_space<vmem>>[vector<16xi32>, vector<16xi32>], vector<16xf32>,
        %gather3A_310 = tpu.vector_load_idx %arg7[%add3A_8, %and3A_308] : memref<512x32xf32, #tpu.memory_space<vmem>>[vector<16xi32>, vector<16xi32>], vector<16xf32>,
        tpu.vector_store_idx %arg9[%and3A_308, %add3A_8], %gather3A_310 : memref<32x512xf32, #tpu.memory_space<vmem>>[vector<16xi32>, vector<16xi32>], vector<16xf32>,
        %gather3A_311 = tpu.vector_load_idx %arg7[%add3A_11, %and3A_308] : memref<512x32xf32, #tpu.memory_space<vmem>>[vector<16xi32>, vector<16xi32>], vector<16xf32>,
        tpu.vector_store_idx %arg9[%and3A_308, %add3A_11], %gather3A_311 : memref<32x512xf32, #tpu.memory_space<vmem>>[vector<16xi32>, vector<16xi32>], vector<16xf32>,
        %gather3A_312 = tpu.vector_load_idx %arg7[%add3A_14, %and3A_308] : memref<512x32xf32, #tpu.memory_space<vmem>>[vector<16xi32>, vector<16xi32>], vector<16xf32>,
        tpu.vector_store_idx %arg9[%and3A_308, %add3A_14], %gather3A_312 : memref<32x512xf32, #tpu.memory_space<vmem>>[vector<16xi32>, vector<16xi32>], vector<16xf32>,
        %gather3A_313 = tpu.vector_load_idx %arg7[%add3A_17, %and3A_308] : memref<512x32xf32, #tpu.memory_space<vmem>>[vector<16xi32>, vector<16xi32>], vector<16xf32>,
        tpu.vector_store_idx %arg9[%and3A_308, %add3A_17], %gather3A_313 : memref<32x512xf32, #tpu.memory_space<vmem>>[vector<16xi32>, vector<16xi32>], vector<16xf32>,
        %gather3A_314 = tpu.vector_load_idx %arg7[%add3A_20, %and3A_308] : memref<512x32xf32, #tpu.memory_space<vmem>>[vector<16xi32>, vector<16xi32>], vector<16xf32>,
        tpu.vector_store_idx %arg9[%and3A_308, %add3A_20], %gather3A_314 : memref<32x512xf32, #tpu.memory_space<vmem>>[vector<16xi32>, vector<16xi32>], vector<16xf32>,
        %gather3A_315 = tpu.vector_load_idx %arg7[%add3A_23, %and3A_308] : memref<512x32xf32, #tpu.memory_space<vmem>>[vector<16xi32>, vector<16xi32>], vector<16xf32>,
        tpu.vector_store_idx %arg9[%and3A_308, %add3A_23], %gather3A_315 : memref<32x512xf32, #tpu.memory_space<vmem>>[vector<16xi32>, vector<16xi32>], vector<16xf32>,
        %gather3A_316 = tpu.vector_load_idx %arg7[%add3A_26, %and3A_308] : memref<512x32xf32, #tpu.memory_space<vmem>>[vector<16xi32>, vector<16xi32>], vector<16xf32>,
        tpu.vector_store_idx %arg9[%and3A_308, %add3A_26], %gather3A_316 : memref<32x512xf32, #tpu.memory_space<vmem>>[vector<16xi32>, vector<16xi32>], vector<16xf32>,
        %gather3A_317 = tpu.vector_load_idx %arg7[%add3A_29, %and3A_308] : memref<512x32xf32, #tpu.memory_space<vmem>>[vector<16xi32>, vector<16xi32>], vector<16xf32>,
        tpu.vector_store_idx %arg9[%and3A_308, %add3A_29], %gather3A_317 : memref<32x512xf32, #tpu.memory_space<vmem>>[vector<16xi32>, vector<16xi32>], vector<16xf32>,
        %gather3A_318 = tpu.vector_load_idx %arg7[%add3A_32, %and3A_308] : memref<512x32xf32, #tpu.memory_space<vmem>>[vector<16xi32>, vector<16xi32>], vector<16xf32>,
        tpu.vector_store_idx %arg9[%and3A_308, %add3A_32], %gather3A_318 : memref<32x512xf32, #tpu.memory_space<vmem>>[vector<16xi32>, vector<16xi32>], vector<16xf32>,
        %gather3A_319 = tpu.vector_load_idx %arg7[%add3A_35, %and3A_308] : memref<512x32xf32, #tpu.memory_space<vmem>>[vector<16xi32>, vector<16xi32>], vector<16xf32>,
        tpu.vector_store_idx %arg9[%and3A_308, %add3A_35], %gather3A_319 : memref<32x512xf32, #tpu.memory_space<vmem>>[vector<16xi32>, vector<16xi32>], vector<16xf32>,
        %gather3A_320 = tpu.vector_load_idx %arg7[%add3A_38, %and3A_308] : memref<512x32xf32, #tpu.memory_space<vmem>>[vector<16xi32>, vector<16xi32>], vector<16xf32>,
        tpu.vector_store_idx %arg9[%and3A_308, %add3A_38], %gather3A_320 : memref<32x512xf32, #tpu.memory_space<vmem>>[vector<16xi32>, vector<16xi32>], vector<16xf32>,
        %gather3A_321 = tpu.vector_load_idx %arg7[%add3A_41, %and3A_308] : memref<512x32xf32, #tpu.memory_space<vmem>>[vector<16xi32>, vector<16xi32>], vector<16xf32>,
        tpu.vector_store_idx %arg9[%and3A_308, %add3A_41], %gather3A_321 : memref<32x512xf32, #tpu.memory_space<vmem>>[vector<16xi32>, vector<16xi32>], vector<16xf32>,
        %gather3A_322 = tpu.vector_load_idx %arg7[%add3A_44, %and3A_308] : memref<512x32xf32, #tpu.memory_space<vmem>>[vector<16xi32>, vector<16xi32>], vector<16xf32>,
        tpu.vector_store_idx %arg9[%and3A_308, %add3A_44], %gather3A_322 : memref<32x512xf32, #tpu.memory_space<vmem>>[vector<16xi32>, vector<16xi32>], vector<16xf32>,
        %gather3A_323 = tpu.vector_load_idx %arg7[%add3A_47, %and3A_308] : memref<512x32xf32, #tpu.memory_space<vmem>>[vector<16xi32>, vector<16xi32>], vector<16xf32>,
        tpu.vector_store_idx %arg9[%and3A_308, %add3A_47], %gather3A_323 : memref<32x512xf32, #tpu.memory_space<vmem>>[vector<16xi32>, vector<16xi32>], vector<16xf32>,
        %gather3A_324 = tpu.vector_load_idx %arg7[%add3A_50, %and3A_308] : memref<512x32xf32, #tpu.memory_space<vmem>>[vector<16xi32>, vector<16xi32>], vector<16xf32>,
        tpu.vector_store_idx %arg9[%and3A_308, %add3A_50], %gather3A_324 : memref<32x512xf32, #tpu.memory_space<vmem>>[vector<16xi32>, vector<16xi32>], vector<16xf32>,
        %gather3A_325 = tpu.vector_load_idx %arg7[%add3A_53, %and3A_308] : memref<512x32xf32, #tpu.memory_space<vmem>>[vector<16xi32>, vector<16xi32>], vector<16xf32>,
        tpu.vector_store_idx %arg9[%and3A_308, %add3A_53], %gather3A_325 : memref<32x512xf32, #tpu.memory_space<vmem>>[vector<16xi32>, vector<16xi32>], vector<16xf32>,
        %gather3A_326 = tpu.vector_load_idx %arg7[%add3A_56, %and3A_308] : memref<512x32xf32, #tpu.memory_space<vmem>>[vector<16xi32>, vector<16xi32>], vector<16xf32>,
        tpu.vector_store_idx %arg9[%and3A_308, %add3A_56], %gather3A_326 : memref<32x512xf32, #tpu.memory_space<vmem>>[vector<16xi32>, vector<16xi32>], vector<16xf32>,
        %gather3A_327 = tpu.vector_load_idx %arg7[%add3A_59, %and3A_308] : memref<512x32xf32, #tpu.memory_space<vmem>>[vector<16xi32>, vector<16xi32>], vector<16xf32>,
        tpu.vector_store_idx %arg9[%and3A_308, %add3A_59], %gather3A_327 : memref<32x512xf32, #tpu.memory_space<vmem>>[vector<16xi32>, vector<16xi32>], vector<16xf32>,
        %gather3A_328 = tpu.vector_load_idx %arg7[%add3A_62, %and3A_308] : memref<512x32xf32, #tpu.memory_space<vmem>>[vector<16xi32>, vector<16xi32>], vector<16xf32>,
        tpu.vector_store_idx %arg9[%and3A_308, %add3A_62], %gather3A_328 : memref<32x512xf32, #tpu.memory_space<vmem>>[vector<16xi32>, vector<16xi32>], vector<16xf32>,
        %gather3A_329 = tpu.vector_load_idx %arg7[%add3A_65, %and3A_308] : memref<512x32xf32, #tpu.memory_space<vmem>>[vector<16xi32>, vector<16xi32>], vector<16xf32>,
        tpu.vector_store_idx %arg9[%and3A_308, %add3A_65], %gather3A_329 : memref<32x512xf32, #tpu.memory_space<vmem>>[vector<16xi32>, vector<16xi32>], vector<16xf32>,
        %gather3A_330 = tpu.vector_load_idx %arg7[%add3A_68, %and3A_308] : memref<512x32xf32, #tpu.memory_space<vmem>>[vector<16xi32>, vector<16xi32>], vector<16xf32>,
        tpu.vector_store_idx %arg9[%and3A_308, %add3A_68], %gather3A_330 : memref<32x512xf32, #tpu.memory_space<vmem>>[vector<16xi32>, vector<16xi32>], vector<16xf32>,
        %gather3A_331 = tpu.vector_load_idx %arg7[%add3A_71, %and3A_308] : memref<512x32xf32, #tpu.memory_space<vmem>>[vector<16xi32>, vector<16xi32>], vector<16xf32>,
        tpu.vector_store_idx %arg9[%and3A_308, %add3A_71], %gather3A_331 : memref<32x512xf32, #tpu.memory_space<vmem>>[vector<16xi32>, vector<16xi32>], vector<16xf32>,
        %gather3A_332 = tpu.vector_load_idx %arg7[%add3A_74, %and3A_308] : memref<512x32xf32, #tpu.memory_space<vmem>>[vector<16xi32>, vector<16xi32>], vector<16xf32>,
        tpu.vector_store_idx %arg9[%and3A_308, %add3A_74], %gather3A_332 : memref<32x512xf32, #tpu.memory_space<vmem>>[vector<16xi32>, vector<16xi32>], vector<16xf32>,
        %gather3A_333 = tpu.vector_load_idx %arg7[%add3A_77, %and3A_308] : memref<512x32xf32, #tpu.memory_space<vmem>>[vector<16xi32>, vector<16xi32>], vector<16xf32>,
        tpu.vector_store_idx %arg9[%and3A_308, %add3A_77], %gather3A_333 : memref<32x512xf32, #tpu.memory_space<vmem>>[vector<16xi32>, vector<16xi32>], vector<16xf32>,
        %gather3A_334 = tpu.vector_load_idx %arg7[%add3A_80, %and3A_308] : memref<512x32xf32, #tpu.memory_space<vmem>>[vector<16xi32>, vector<16xi32>], vector<16xf32>,
        tpu.vector_store_idx %arg9[%and3A_308, %add3A_80], %gather3A_334 : memref<32x512xf32, #tpu.memory_space<vmem>>[vector<16xi32>, vector<16xi32>], vector<16xf32>,
        %gather3A_335 = tpu.vector_load_idx %arg7[%add3A_83, %and3A_308] : memref<512x32xf32, #tpu.memory_space<vmem>>[vector<16xi32>, vector<16xi32>], vector<16xf32>,
        tpu.vector_store_idx %arg9[%and3A_308, %add3A_83], %gather3A_335 : memref<32x512xf32, #tpu.memory_space<vmem>>[vector<16xi32>, vector<16xi32>], vector<16xf32>,
        %gather3A_336 = tpu.vector_load_idx %arg7[%add3A_86, %and3A_308] : memref<512x32xf32, #tpu.memory_space<vmem>>[vector<16xi32>, vector<16xi32>], vector<16xf32>,
        tpu.vector_store_idx %arg9[%and3A_308, %add3A_86], %gather3A_336 : memref<32x512xf32, #tpu.memory_space<vmem>>[vector<16xi32>, vector<16xi32>], vector<16xf32>,
        %gather3A_337 = tpu.vector_load_idx %arg7[%add3A_89, %and3A_308] : memref<512x32xf32, #tpu.memory_space<vmem>>[vector<16xi32>, vector<16xi32>], vector<16xf32>,
        tpu.vector_store_idx %arg9[%and3A_308, %add3A_89], %gather3A_337 : memref<32x512xf32, #tpu.memory_space<vmem>>[vector<16xi32>, vector<16xi32>], vector<16xf32>,
        %gather3A_338 = tpu.vector_load_idx %arg7[%add3A_92, %and3A_308] : memref<512x32xf32, #tpu.memory_space<vmem>>[vector<16xi32>, vector<16xi32>], vector<16xf32>,
        tpu.vector_store_idx %arg9[%and3A_308, %add3A_92], %gather3A_338 : memref<32x512xf32, #tpu.memory_space<vmem>>[vector<16xi32>, vector<16xi32>], vector<16xf32>,
        %gather3A_339 = tpu.vector_load_idx %arg7[%add3A_95, %and3A_308] : memref<512x32xf32, #tpu.memory_space<vmem>>[vector<16xi32>, vector<16xi32>], vector<16xf32>,
        tpu.vector_store_idx %arg9[%and3A_308, %add3A_95], %gather3A_339 : memref<32x512xf32, #tpu.memory_space<vmem>>[vector<16xi32>, vector<16xi32>], vector<16xf32>,
        %gather3A_340 = tpu.vector_load_idx %arg7[%add3A_98, %and3A_308] : memref<512x32xf32, #tpu.memory_space<vmem>>[vector<16xi32>, vector<16xi32>], vector<16xf32>,
        tpu.vector_store_idx %arg9[%and3A_308, %add3A_98], %gather3A_340 : memref<32x512xf32, #tpu.memory_space<vmem>>[vector<16xi32>, vector<16xi32>], vector<16xf32>,
      }
      %scan3A_140 = arith.constant 8 : i32
      %dma_start3A_141 = arith.constant 0 : i32
      %dma_start3A_142 = tpu.memref_slice %arg4[%mul3A_129, %dma_start3A_141, %mul3A_2] : memref<50x32x16384xf32, #tpu.memory_space<hbm>> -> memref<1x32x512xf32, #tpu.memory_space<hbm>>
      %dma_start3A_143 = tpu.memref_squeeze %dma_start3A_142 : memref<1x32x512xf32, #tpu.memory_space<hbm>> -> memref<32x512xf32, #tpu.memory_space<hbm>>
      %dma_start3A_144 = arith.constant 0 : i32
      %dma_start3A_145 = tpu.memref_slice %arg4[%mul3A_129, %dma_start3A_144, %mul3A_2] : memref<50x32x16384xf32, #tpu.memory_space<hbm>> -> memref<1x32x512xf32, #tpu.memory_space<hbm>>
      %dma_start3A_146 = tpu.memref_squeeze %dma_start3A_145 : memref<1x32x512xf32, #tpu.memory_space<hbm>> -> memref<32x512xf32, #tpu.memory_space<hbm>>
      tpu.enqueue_dma source(%arg9 : memref<32x512xf32, #tpu.memory_space<vmem>>) target(%dma_start3A_146 : memref<32x512xf32, #tpu.memory_space<hbm>>) target_semaphore(%arg13 : memref<!tpu.dma_semaphore, #tpu.memory_space<semaphore_mem>>)
      %lt3A = arith.constant 24 : i32
      %lt3A_147 = arith.cmpi slt, %scan3A_127, %lt3A : i32
      %convert_element_type3A_148 = arith.extui %lt3A_147 : i1 to i32
      %cond3A_149 = arith.constant 0 : i32
      %cond3A_150 = arith.cmpi ne, %convert_element_type3A_148, %cond3A_149 : i32
      scf.if %cond3A_150 {
        %add3A_178 = arith.constant 2 : i32
        %add3A_179 = arith.addi %mul3A_129, %add3A_178 : i32
        %mul3A_180 = arith.constant 16384 : i32
        %mul3A_181 = arith.muli %add3A_179, %mul3A_180 : i32
        %add3A_182 = arith.addi %mul3A_181, %mul3A_2 : i32
        %multiple_of3A_183 = tpu.assume_multiple %add3A_182, 8 : i32
        "tpu.region"() ({
          %run_scoped3A = tpu.sem_alloc : memref<!tpu.dma_semaphore, #tpu.memory_space<semaphore_mem>>
          %dma_start3A_187 = tpu.memref_slice %arg2[%multiple_of3A_183] : memref<819200xi32, #tpu.memory_space<hbm>> -> memref<512xi32, #tpu.memory_space<hbm>>
          %dma_start3A_188 = tpu.memref_slice %arg2[%multiple_of3A_183] : memref<819200xi32, #tpu.memory_space<hbm>> -> memref<512xi32, #tpu.memory_space<hbm>>
          tpu.enqueue_dma source(%dma_start3A_188 : memref<512xi32, #tpu.memory_space<hbm>>) target(%arg5 : memref<512xi32, #tpu.memory_space<vmem>>) target_semaphore(%run_scoped3A : memref<!tpu.dma_semaphore, #tpu.memory_space<semaphore_mem>>)
          %dma_wait3A_189 = tpu.memref_slice %arg2[%multiple_of3A_183] : memref<819200xi32, #tpu.memory_space<hbm>> -> memref<512xi32, #tpu.memory_space<hbm>>
          %dma_wait3A_190 = tpu.memref_slice %arg2[%multiple_of3A_183] : memref<819200xi32, #tpu.memory_space<hbm>> -> memref<512xi32, #tpu.memory_space<hbm>>
          tpu.wait_dma2 semaphore(%run_scoped3A : memref<!tpu.dma_semaphore, #tpu.memory_space<semaphore_mem>>) src(%dma_wait3A_190 : memref<512xi32, #tpu.memory_space<hbm>>) dst(%arg5 : memref<512xi32, #tpu.memory_space<vmem>>)
          tpu.yield
        }) : () -> ()
        %dma_start3A_184 = arith.constant 0 : i32
        %dma_start3A_185 = arith.constant 0 : i32
        %dma_start3A_186 = tpu.memref_slice %arg3[%dma_start3A_184, %dma_start3A_185] : memref<1000000x32xf32, #tpu.memory_space<hbm>> -> memref<1000000x32xf32, #tpu.memory_space<hbm>>
        tpu.enqueue_indirect_dma source(%dma_start3A_186 : memref<1000000x32xf32, #tpu.memory_space<hbm>>) target(%arg7 : memref<512x32xf32, #tpu.memory_space<vmem>>) offsets(%arg5 : memref<512xi32, #tpu.memory_space<vmem>>) semaphore(%arg11 : memref<!tpu.dma_semaphore, #tpu.memory_space<semaphore_mem>>)
      } else {
      }
      %dma_wait3A_151 = arith.constant 0 : i32
      %dma_wait3A_152 = arith.constant 0 : i32
      %dma_wait3A_153 = tpu.memref_slice %arg3[%dma_wait3A_151, %dma_wait3A_152] : memref<1000000x32xf32, #tpu.memory_space<hbm>> -> memref<1000000x32xf32, #tpu.memory_space<hbm>>
      tpu.wait_indirect_dma semaphore(%arg12 : memref<!tpu.dma_semaphore, #tpu.memory_space<semaphore_mem>>) src(%dma_wait3A_153 : memref<1000000x32xf32, #tpu.memory_space<hbm>>) dst(%arg8 : memref<512x32xf32, #tpu.memory_space<vmem>>)
      %gt3A_154 = arith.constant 0 : i32
      %gt3A_155 = arith.cmpi sgt, %scan3A_127, %gt3A_154 : i32
      %convert_element_type3A_156 = arith.extui %gt3A_155 : i1 to i32
      %cond3A_157 = arith.constant 0 : i32
      %cond3A_158 = arith.cmpi ne, %convert_element_type3A_156, %cond3A_157 : i32
      scf.if %cond3A_158 {
        %sub3A = arith.constant 1 : i32
        %sub3A_178 = arith.subi %mul3A_129, %sub3A : i32
        %dma_wait3A_179 = arith.constant 0 : i32
        %dma_wait3A_180 = tpu.memref_slice %arg4[%sub3A_178, %dma_wait3A_179, %mul3A_2] : memref<50x32x16384xf32, #tpu.memory_space<hbm>> -> memref<1x32x512xf32, #tpu.memory_space<hbm>>
        %dma_wait3A_181 = tpu.memref_squeeze %dma_wait3A_180 : memref<1x32x512xf32, #tpu.memory_space<hbm>> -> memref<32x512xf32, #tpu.memory_space<hbm>>
        %dma_wait3A_182 = arith.constant 0 : i32
        %dma_wait3A_183 = tpu.memref_slice %arg4[%sub3A_178, %dma_wait3A_182, %mul3A_2] : memref<50x32x16384xf32, #tpu.memory_space<hbm>> -> memref<1x32x512xf32, #tpu.memory_space<hbm>>
        %dma_wait3A_184 = tpu.memref_squeeze %dma_wait3A_183 : memref<1x32x512xf32, #tpu.memory_space<hbm>> -> memref<32x512xf32, #tpu.memory_space<hbm>>
        tpu.wait_dma2 semaphore(%arg14 : memref<!tpu.dma_semaphore, #tpu.memory_space<semaphore_mem>>) src(%arg10 : memref<32x512xf32, #tpu.memory_space<vmem>>) dst(%dma_wait3A_184 : memref<32x512xf32, #tpu.memory_space<hbm>>)
      } else {
      }
      %add3A_159 = arith.constant 1 : i32
      %add3A_160 = arith.addi %mul3A_129, %add3A_159 : i32
      %scan3A_161 = arith.constant 0 : i32
      %scan3A_162 = arith.constant 0 : i32
      %scan3A_163 = arith.constant 8 : i32
      %scan3A_164 = arith.addi %scan3A_162, %scan3A_163 : i32
      %scan3A_165 = arith.constant 1 : i32
      scf.for %scan3A_178 = %scan3A_162 to %scan3A_164 step %scan3A_165  : i32 {
        %mul3A_179 = arith.constant 4 : i32
        %mul3A_180 = arith.muli %scan3A_178, %mul3A_179 : i32
        %add3A_181 = arith.constant 0 : i32
        %add3A_182 = arith.addi %mul3A_180, %add3A_181 : i32
        %add3A_183 = vector.broadcast %add3A_182 : i32 to vector<16xi32>
        %add3A_184 = arith.addi %add3A_183, %iota3A : vector<16xi32>
        %and3A = arith.constant 31 : i32
        %and3A_185 = vector.broadcast %and3A : i32 to vector<16xi32>
        %and3A_186 = arith.andi %add3A_184, %and3A_185 : vector<16xi32>
        %gather3A = tpu.vector_load_idx %arg8[%add3A_5, %and3A_186] : memref<512x32xf32, #tpu.memory_space<vmem>>[vector<16xi32>, vector<16xi32>], vector<16xf32>,
        tpu.vector_store_idx %arg10[%and3A_186, %add3A_5], %gather3A : memref<32x512xf32, #tpu.memory_space<vmem>>[vector<16xi32>, vector<16xi32>], vector<16xf32>,
        %gather3A_187 = tpu.vector_load_idx %arg8[%add3A_8, %and3A_186] : memref<512x32xf32, #tpu.memory_space<vmem>>[vector<16xi32>, vector<16xi32>], vector<16xf32>,
        tpu.vector_store_idx %arg10[%and3A_186, %add3A_8], %gather3A_187 : memref<32x512xf32, #tpu.memory_space<vmem>>[vector<16xi32>, vector<16xi32>], vector<16xf32>,
        %gather3A_188 = tpu.vector_load_idx %arg8[%add3A_11, %and3A_186] : memref<512x32xf32, #tpu.memory_space<vmem>>[vector<16xi32>, vector<16xi32>], vector<16xf32>,
        tpu.vector_store_idx %arg10[%and3A_186, %add3A_11], %gather3A_188 : memref<32x512xf32, #tpu.memory_space<vmem>>[vector<16xi32>, vector<16xi32>], vector<16xf32>,
        %gather3A_189 = tpu.vector_load_idx %arg8[%add3A_14, %and3A_186] : memref<512x32xf32, #tpu.memory_space<vmem>>[vector<16xi32>, vector<16xi32>], vector<16xf32>,
        tpu.vector_store_idx %arg10[%and3A_186, %add3A_14], %gather3A_189 : memref<32x512xf32, #tpu.memory_space<vmem>>[vector<16xi32>, vector<16xi32>], vector<16xf32>,
        %gather3A_190 = tpu.vector_load_idx %arg8[%add3A_17, %and3A_186] : memref<512x32xf32, #tpu.memory_space<vmem>>[vector<16xi32>, vector<16xi32>], vector<16xf32>,
        tpu.vector_store_idx %arg10[%and3A_186, %add3A_17], %gather3A_190 : memref<32x512xf32, #tpu.memory_space<vmem>>[vector<16xi32>, vector<16xi32>], vector<16xf32>,
        %gather3A_191 = tpu.vector_load_idx %arg8[%add3A_20, %and3A_186] : memref<512x32xf32, #tpu.memory_space<vmem>>[vector<16xi32>, vector<16xi32>], vector<16xf32>,
        tpu.vector_store_idx %arg10[%and3A_186, %add3A_20], %gather3A_191 : memref<32x512xf32, #tpu.memory_space<vmem>>[vector<16xi32>, vector<16xi32>], vector<16xf32>,
        %gather3A_192 = tpu.vector_load_idx %arg8[%add3A_23, %and3A_186] : memref<512x32xf32, #tpu.memory_space<vmem>>[vector<16xi32>, vector<16xi32>], vector<16xf32>,
        tpu.vector_store_idx %arg10[%and3A_186, %add3A_23], %gather3A_192 : memref<32x512xf32, #tpu.memory_space<vmem>>[vector<16xi32>, vector<16xi32>], vector<16xf32>,
        %gather3A_193 = tpu.vector_load_idx %arg8[%add3A_26, %and3A_186] : memref<512x32xf32, #tpu.memory_space<vmem>>[vector<16xi32>, vector<16xi32>], vector<16xf32>,
        tpu.vector_store_idx %arg10[%and3A_186, %add3A_26], %gather3A_193 : memref<32x512xf32, #tpu.memory_space<vmem>>[vector<16xi32>, vector<16xi32>], vector<16xf32>,
        %gather3A_194 = tpu.vector_load_idx %arg8[%add3A_29, %and3A_186] : memref<512x32xf32, #tpu.memory_space<vmem>>[vector<16xi32>, vector<16xi32>], vector<16xf32>,
        tpu.vector_store_idx %arg10[%and3A_186, %add3A_29], %gather3A_194 : memref<32x512xf32, #tpu.memory_space<vmem>>[vector<16xi32>, vector<16xi32>], vector<16xf32>,
        %gather3A_195 = tpu.vector_load_idx %arg8[%add3A_32, %and3A_186] : memref<512x32xf32, #tpu.memory_space<vmem>>[vector<16xi32>, vector<16xi32>], vector<16xf32>,
        tpu.vector_store_idx %arg10[%and3A_186, %add3A_32], %gather3A_195 : memref<32x512xf32, #tpu.memory_space<vmem>>[vector<16xi32>, vector<16xi32>], vector<16xf32>,
        %gather3A_196 = tpu.vector_load_idx %arg8[%add3A_35, %and3A_186] : memref<512x32xf32, #tpu.memory_space<vmem>>[vector<16xi32>, vector<16xi32>], vector<16xf32>,
        tpu.vector_store_idx %arg10[%and3A_186, %add3A_35], %gather3A_196 : memref<32x512xf32, #tpu.memory_space<vmem>>[vector<16xi32>, vector<16xi32>], vector<16xf32>,
        %gather3A_197 = tpu.vector_load_idx %arg8[%add3A_38, %and3A_186] : memref<512x32xf32, #tpu.memory_space<vmem>>[vector<16xi32>, vector<16xi32>], vector<16xf32>,
        tpu.vector_store_idx %arg10[%and3A_186, %add3A_38], %gather3A_197 : memref<32x512xf32, #tpu.memory_space<vmem>>[vector<16xi32>, vector<16xi32>], vector<16xf32>,
        %gather3A_198 = tpu.vector_load_idx %arg8[%add3A_41, %and3A_186] : memref<512x32xf32, #tpu.memory_space<vmem>>[vector<16xi32>, vector<16xi32>], vector<16xf32>,
        tpu.vector_store_idx %arg10[%and3A_186, %add3A_41], %gather3A_198 : memref<32x512xf32, #tpu.memory_space<vmem>>[vector<16xi32>, vector<16xi32>], vector<16xf32>,
        %gather3A_199 = tpu.vector_load_idx %arg8[%add3A_44, %and3A_186] : memref<512x32xf32, #tpu.memory_space<vmem>>[vector<16xi32>, vector<16xi32>], vector<16xf32>,
        tpu.vector_store_idx %arg10[%and3A_186, %add3A_44], %gather3A_199 : memref<32x512xf32, #tpu.memory_space<vmem>>[vector<16xi32>, vector<16xi32>], vector<16xf32>,
        %gather3A_200 = tpu.vector_load_idx %arg8[%add3A_47, %and3A_186] : memref<512x32xf32, #tpu.memory_space<vmem>>[vector<16xi32>, vector<16xi32>], vector<16xf32>,
        tpu.vector_store_idx %arg10[%and3A_186, %add3A_47], %gather3A_200 : memref<32x512xf32, #tpu.memory_space<vmem>>[vector<16xi32>, vector<16xi32>], vector<16xf32>,
        %gather3A_201 = tpu.vector_load_idx %arg8[%add3A_50, %and3A_186] : memref<512x32xf32, #tpu.memory_space<vmem>>[vector<16xi32>, vector<16xi32>], vector<16xf32>,
        tpu.vector_store_idx %arg10[%and3A_186, %add3A_50], %gather3A_201 : memref<32x512xf32, #tpu.memory_space<vmem>>[vector<16xi32>, vector<16xi32>], vector<16xf32>,
        %gather3A_202 = tpu.vector_load_idx %arg8[%add3A_53, %and3A_186] : memref<512x32xf32, #tpu.memory_space<vmem>>[vector<16xi32>, vector<16xi32>], vector<16xf32>,
        tpu.vector_store_idx %arg10[%and3A_186, %add3A_53], %gather3A_202 : memref<32x512xf32, #tpu.memory_space<vmem>>[vector<16xi32>, vector<16xi32>], vector<16xf32>,
        %gather3A_203 = tpu.vector_load_idx %arg8[%add3A_56, %and3A_186] : memref<512x32xf32, #tpu.memory_space<vmem>>[vector<16xi32>, vector<16xi32>], vector<16xf32>,
        tpu.vector_store_idx %arg10[%and3A_186, %add3A_56], %gather3A_203 : memref<32x512xf32, #tpu.memory_space<vmem>>[vector<16xi32>, vector<16xi32>], vector<16xf32>,
        %gather3A_204 = tpu.vector_load_idx %arg8[%add3A_59, %and3A_186] : memref<512x32xf32, #tpu.memory_space<vmem>>[vector<16xi32>, vector<16xi32>], vector<16xf32>,
        tpu.vector_store_idx %arg10[%and3A_186, %add3A_59], %gather3A_204 : memref<32x512xf32, #tpu.memory_space<vmem>>[vector<16xi32>, vector<16xi32>], vector<16xf32>,
        %gather3A_205 = tpu.vector_load_idx %arg8[%add3A_62, %and3A_186] : memref<512x32xf32, #tpu.memory_space<vmem>>[vector<16xi32>, vector<16xi32>], vector<16xf32>,
        tpu.vector_store_idx %arg10[%and3A_186, %add3A_62], %gather3A_205 : memref<32x512xf32, #tpu.memory_space<vmem>>[vector<16xi32>, vector<16xi32>], vector<16xf32>,
        %gather3A_206 = tpu.vector_load_idx %arg8[%add3A_65, %and3A_186] : memref<512x32xf32, #tpu.memory_space<vmem>>[vector<16xi32>, vector<16xi32>], vector<16xf32>,
        tpu.vector_store_idx %arg10[%and3A_186, %add3A_65], %gather3A_206 : memref<32x512xf32, #tpu.memory_space<vmem>>[vector<16xi32>, vector<16xi32>], vector<16xf32>,
        %gather3A_207 = tpu.vector_load_idx %arg8[%add3A_68, %and3A_186] : memref<512x32xf32, #tpu.memory_space<vmem>>[vector<16xi32>, vector<16xi32>], vector<16xf32>,
        tpu.vector_store_idx %arg10[%and3A_186, %add3A_68], %gather3A_207 : memref<32x512xf32, #tpu.memory_space<vmem>>[vector<16xi32>, vector<16xi32>], vector<16xf32>,
        %gather3A_208 = tpu.vector_load_idx %arg8[%add3A_71, %and3A_186] : memref<512x32xf32, #tpu.memory_space<vmem>>[vector<16xi32>, vector<16xi32>], vector<16xf32>,
        tpu.vector_store_idx %arg10[%and3A_186, %add3A_71], %gather3A_208 : memref<32x512xf32, #tpu.memory_space<vmem>>[vector<16xi32>, vector<16xi32>], vector<16xf32>,
        %gather3A_209 = tpu.vector_load_idx %arg8[%add3A_74, %and3A_186] : memref<512x32xf32, #tpu.memory_space<vmem>>[vector<16xi32>, vector<16xi32>], vector<16xf32>,
        tpu.vector_store_idx %arg10[%and3A_186, %add3A_74], %gather3A_209 : memref<32x512xf32, #tpu.memory_space<vmem>>[vector<16xi32>, vector<16xi32>], vector<16xf32>,
        %gather3A_210 = tpu.vector_load_idx %arg8[%add3A_77, %and3A_186] : memref<512x32xf32, #tpu.memory_space<vmem>>[vector<16xi32>, vector<16xi32>], vector<16xf32>,
        tpu.vector_store_idx %arg10[%and3A_186, %add3A_77], %gather3A_210 : memref<32x512xf32, #tpu.memory_space<vmem>>[vector<16xi32>, vector<16xi32>], vector<16xf32>,
        %gather3A_211 = tpu.vector_load_idx %arg8[%add3A_80, %and3A_186] : memref<512x32xf32, #tpu.memory_space<vmem>>[vector<16xi32>, vector<16xi32>], vector<16xf32>,
        tpu.vector_store_idx %arg10[%and3A_186, %add3A_80], %gather3A_211 : memref<32x512xf32, #tpu.memory_space<vmem>>[vector<16xi32>, vector<16xi32>], vector<16xf32>,
        %gather3A_212 = tpu.vector_load_idx %arg8[%add3A_83, %and3A_186] : memref<512x32xf32, #tpu.memory_space<vmem>>[vector<16xi32>, vector<16xi32>], vector<16xf32>,
        tpu.vector_store_idx %arg10[%and3A_186, %add3A_83], %gather3A_212 : memref<32x512xf32, #tpu.memory_space<vmem>>[vector<16xi32>, vector<16xi32>], vector<16xf32>,
        %gather3A_213 = tpu.vector_load_idx %arg8[%add3A_86, %and3A_186] : memref<512x32xf32, #tpu.memory_space<vmem>>[vector<16xi32>, vector<16xi32>], vector<16xf32>,
        tpu.vector_store_idx %arg10[%and3A_186, %add3A_86], %gather3A_213 : memref<32x512xf32, #tpu.memory_space<vmem>>[vector<16xi32>, vector<16xi32>], vector<16xf32>,
        %gather3A_214 = tpu.vector_load_idx %arg8[%add3A_89, %and3A_186] : memref<512x32xf32, #tpu.memory_space<vmem>>[vector<16xi32>, vector<16xi32>], vector<16xf32>,
        tpu.vector_store_idx %arg10[%and3A_186, %add3A_89], %gather3A_214 : memref<32x512xf32, #tpu.memory_space<vmem>>[vector<16xi32>, vector<16xi32>], vector<16xf32>,
        %gather3A_215 = tpu.vector_load_idx %arg8[%add3A_92, %and3A_186] : memref<512x32xf32, #tpu.memory_space<vmem>>[vector<16xi32>, vector<16xi32>], vector<16xf32>,
        tpu.vector_store_idx %arg10[%and3A_186, %add3A_92], %gather3A_215 : memref<32x512xf32, #tpu.memory_space<vmem>>[vector<16xi32>, vector<16xi32>], vector<16xf32>,
        %gather3A_216 = tpu.vector_load_idx %arg8[%add3A_95, %and3A_186] : memref<512x32xf32, #tpu.memory_space<vmem>>[vector<16xi32>, vector<16xi32>], vector<16xf32>,
        tpu.vector_store_idx %arg10[%and3A_186, %add3A_95], %gather3A_216 : memref<32x512xf32, #tpu.memory_space<vmem>>[vector<16xi32>, vector<16xi32>], vector<16xf32>,
        %gather3A_217 = tpu.vector_load_idx %arg8[%add3A_98, %and3A_186] : memref<512x32xf32, #tpu.memory_space<vmem>>[vector<16xi32>, vector<16xi32>], vector<16xf32>,
        tpu.vector_store_idx %arg10[%and3A_186, %add3A_98], %gather3A_217 : memref<32x512xf32, #tpu.memory_space<vmem>>[vector<16xi32>, vector<16xi32>], vector<16xf32>,
        %mul3A_218 = arith.constant 4 : i32
        %mul3A_219 = arith.muli %scan3A_178, %mul3A_218 : i32
        %add3A_220 = arith.constant 1 : i32
        %add3A_221 = arith.addi %mul3A_219, %add3A_220 : i32
        %add3A_222 = vector.broadcast %add3A_221 : i32 to vector<16xi32>
        %add3A_223 = arith.addi %add3A_222, %iota3A : vector<16xi32>
        %and3A_224 = arith.constant 31 : i32
        %and3A_225 = vector.broadcast %and3A_224 : i32 to vector<16xi32>
        %and3A_226 = arith.andi %add3A_223, %and3A_225 : vector<16xi32>
        %gather3A_227 = tpu.vector_load_idx %arg8[%add3A_5, %and3A_226] : memref<512x32xf32, #tpu.memory_space<vmem>>[vector<16xi32>, vector<16xi32>], vector<16xf32>,
        tpu.vector_store_idx %arg10[%and3A_226, %add3A_5], %gather3A_227 : memref<32x512xf32, #tpu.memory_space<vmem>>[vector<16xi32>, vector<16xi32>], vector<16xf32>,
        %gather3A_228 = tpu.vector_load_idx %arg8[%add3A_8, %and3A_226] : memref<512x32xf32, #tpu.memory_space<vmem>>[vector<16xi32>, vector<16xi32>], vector<16xf32>,
        tpu.vector_store_idx %arg10[%and3A_226, %add3A_8], %gather3A_228 : memref<32x512xf32, #tpu.memory_space<vmem>>[vector<16xi32>, vector<16xi32>], vector<16xf32>,
        %gather3A_229 = tpu.vector_load_idx %arg8[%add3A_11, %and3A_226] : memref<512x32xf32, #tpu.memory_space<vmem>>[vector<16xi32>, vector<16xi32>], vector<16xf32>,
        tpu.vector_store_idx %arg10[%and3A_226, %add3A_11], %gather3A_229 : memref<32x512xf32, #tpu.memory_space<vmem>>[vector<16xi32>, vector<16xi32>], vector<16xf32>,
        %gather3A_230 = tpu.vector_load_idx %arg8[%add3A_14, %and3A_226] : memref<512x32xf32, #tpu.memory_space<vmem>>[vector<16xi32>, vector<16xi32>], vector<16xf32>,
        tpu.vector_store_idx %arg10[%and3A_226, %add3A_14], %gather3A_230 : memref<32x512xf32, #tpu.memory_space<vmem>>[vector<16xi32>, vector<16xi32>], vector<16xf32>,
        %gather3A_231 = tpu.vector_load_idx %arg8[%add3A_17, %and3A_226] : memref<512x32xf32, #tpu.memory_space<vmem>>[vector<16xi32>, vector<16xi32>], vector<16xf32>,
        tpu.vector_store_idx %arg10[%and3A_226, %add3A_17], %gather3A_231 : memref<32x512xf32, #tpu.memory_space<vmem>>[vector<16xi32>, vector<16xi32>], vector<16xf32>,
        %gather3A_232 = tpu.vector_load_idx %arg8[%add3A_20, %and3A_226] : memref<512x32xf32, #tpu.memory_space<vmem>>[vector<16xi32>, vector<16xi32>], vector<16xf32>,
        tpu.vector_store_idx %arg10[%and3A_226, %add3A_20], %gather3A_232 : memref<32x512xf32, #tpu.memory_space<vmem>>[vector<16xi32>, vector<16xi32>], vector<16xf32>,
        %gather3A_233 = tpu.vector_load_idx %arg8[%add3A_23, %and3A_226] : memref<512x32xf32, #tpu.memory_space<vmem>>[vector<16xi32>, vector<16xi32>], vector<16xf32>,
        tpu.vector_store_idx %arg10[%and3A_226, %add3A_23], %gather3A_233 : memref<32x512xf32, #tpu.memory_space<vmem>>[vector<16xi32>, vector<16xi32>], vector<16xf32>,
        %gather3A_234 = tpu.vector_load_idx %arg8[%add3A_26, %and3A_226] : memref<512x32xf32, #tpu.memory_space<vmem>>[vector<16xi32>, vector<16xi32>], vector<16xf32>,
        tpu.vector_store_idx %arg10[%and3A_226, %add3A_26], %gather3A_234 : memref<32x512xf32, #tpu.memory_space<vmem>>[vector<16xi32>, vector<16xi32>], vector<16xf32>,
        %gather3A_235 = tpu.vector_load_idx %arg8[%add3A_29, %and3A_226] : memref<512x32xf32, #tpu.memory_space<vmem>>[vector<16xi32>, vector<16xi32>], vector<16xf32>,
        tpu.vector_store_idx %arg10[%and3A_226, %add3A_29], %gather3A_235 : memref<32x512xf32, #tpu.memory_space<vmem>>[vector<16xi32>, vector<16xi32>], vector<16xf32>,
        %gather3A_236 = tpu.vector_load_idx %arg8[%add3A_32, %and3A_226] : memref<512x32xf32, #tpu.memory_space<vmem>>[vector<16xi32>, vector<16xi32>], vector<16xf32>,
        tpu.vector_store_idx %arg10[%and3A_226, %add3A_32], %gather3A_236 : memref<32x512xf32, #tpu.memory_space<vmem>>[vector<16xi32>, vector<16xi32>], vector<16xf32>,
        %gather3A_237 = tpu.vector_load_idx %arg8[%add3A_35, %and3A_226] : memref<512x32xf32, #tpu.memory_space<vmem>>[vector<16xi32>, vector<16xi32>], vector<16xf32>,
        tpu.vector_store_idx %arg10[%and3A_226, %add3A_35], %gather3A_237 : memref<32x512xf32, #tpu.memory_space<vmem>>[vector<16xi32>, vector<16xi32>], vector<16xf32>,
        %gather3A_238 = tpu.vector_load_idx %arg8[%add3A_38, %and3A_226] : memref<512x32xf32, #tpu.memory_space<vmem>>[vector<16xi32>, vector<16xi32>], vector<16xf32>,
        tpu.vector_store_idx %arg10[%and3A_226, %add3A_38], %gather3A_238 : memref<32x512xf32, #tpu.memory_space<vmem>>[vector<16xi32>, vector<16xi32>], vector<16xf32>,
        %gather3A_239 = tpu.vector_load_idx %arg8[%add3A_41, %and3A_226] : memref<512x32xf32, #tpu.memory_space<vmem>>[vector<16xi32>, vector<16xi32>], vector<16xf32>,
        tpu.vector_store_idx %arg10[%and3A_226, %add3A_41], %gather3A_239 : memref<32x512xf32, #tpu.memory_space<vmem>>[vector<16xi32>, vector<16xi32>], vector<16xf32>,
        %gather3A_240 = tpu.vector_load_idx %arg8[%add3A_44, %and3A_226] : memref<512x32xf32, #tpu.memory_space<vmem>>[vector<16xi32>, vector<16xi32>], vector<16xf32>,
        tpu.vector_store_idx %arg10[%and3A_226, %add3A_44], %gather3A_240 : memref<32x512xf32, #tpu.memory_space<vmem>>[vector<16xi32>, vector<16xi32>], vector<16xf32>,
        %gather3A_241 = tpu.vector_load_idx %arg8[%add3A_47, %and3A_226] : memref<512x32xf32, #tpu.memory_space<vmem>>[vector<16xi32>, vector<16xi32>], vector<16xf32>,
        tpu.vector_store_idx %arg10[%and3A_226, %add3A_47], %gather3A_241 : memref<32x512xf32, #tpu.memory_space<vmem>>[vector<16xi32>, vector<16xi32>], vector<16xf32>,
        %gather3A_242 = tpu.vector_load_idx %arg8[%add3A_50, %and3A_226] : memref<512x32xf32, #tpu.memory_space<vmem>>[vector<16xi32>, vector<16xi32>], vector<16xf32>,
        tpu.vector_store_idx %arg10[%and3A_226, %add3A_50], %gather3A_242 : memref<32x512xf32, #tpu.memory_space<vmem>>[vector<16xi32>, vector<16xi32>], vector<16xf32>,
        %gather3A_243 = tpu.vector_load_idx %arg8[%add3A_53, %and3A_226] : memref<512x32xf32, #tpu.memory_space<vmem>>[vector<16xi32>, vector<16xi32>], vector<16xf32>,
        tpu.vector_store_idx %arg10[%and3A_226, %add3A_53], %gather3A_243 : memref<32x512xf32, #tpu.memory_space<vmem>>[vector<16xi32>, vector<16xi32>], vector<16xf32>,
        %gather3A_244 = tpu.vector_load_idx %arg8[%add3A_56, %and3A_226] : memref<512x32xf32, #tpu.memory_space<vmem>>[vector<16xi32>, vector<16xi32>], vector<16xf32>,
        tpu.vector_store_idx %arg10[%and3A_226, %add3A_56], %gather3A_244 : memref<32x512xf32, #tpu.memory_space<vmem>>[vector<16xi32>, vector<16xi32>], vector<16xf32>,
        %gather3A_245 = tpu.vector_load_idx %arg8[%add3A_59, %and3A_226] : memref<512x32xf32, #tpu.memory_space<vmem>>[vector<16xi32>, vector<16xi32>], vector<16xf32>,
        tpu.vector_store_idx %arg10[%and3A_226, %add3A_59], %gather3A_245 : memref<32x512xf32, #tpu.memory_space<vmem>>[vector<16xi32>, vector<16xi32>], vector<16xf32>,
        %gather3A_246 = tpu.vector_load_idx %arg8[%add3A_62, %and3A_226] : memref<512x32xf32, #tpu.memory_space<vmem>>[vector<16xi32>, vector<16xi32>], vector<16xf32>,
        tpu.vector_store_idx %arg10[%and3A_226, %add3A_62], %gather3A_246 : memref<32x512xf32, #tpu.memory_space<vmem>>[vector<16xi32>, vector<16xi32>], vector<16xf32>,
        %gather3A_247 = tpu.vector_load_idx %arg8[%add3A_65, %and3A_226] : memref<512x32xf32, #tpu.memory_space<vmem>>[vector<16xi32>, vector<16xi32>], vector<16xf32>,
        tpu.vector_store_idx %arg10[%and3A_226, %add3A_65], %gather3A_247 : memref<32x512xf32, #tpu.memory_space<vmem>>[vector<16xi32>, vector<16xi32>], vector<16xf32>,
        %gather3A_248 = tpu.vector_load_idx %arg8[%add3A_68, %and3A_226] : memref<512x32xf32, #tpu.memory_space<vmem>>[vector<16xi32>, vector<16xi32>], vector<16xf32>,
        tpu.vector_store_idx %arg10[%and3A_226, %add3A_68], %gather3A_248 : memref<32x512xf32, #tpu.memory_space<vmem>>[vector<16xi32>, vector<16xi32>], vector<16xf32>,
        %gather3A_249 = tpu.vector_load_idx %arg8[%add3A_71, %and3A_226] : memref<512x32xf32, #tpu.memory_space<vmem>>[vector<16xi32>, vector<16xi32>], vector<16xf32>,
        tpu.vector_store_idx %arg10[%and3A_226, %add3A_71], %gather3A_249 : memref<32x512xf32, #tpu.memory_space<vmem>>[vector<16xi32>, vector<16xi32>], vector<16xf32>,
        %gather3A_250 = tpu.vector_load_idx %arg8[%add3A_74, %and3A_226] : memref<512x32xf32, #tpu.memory_space<vmem>>[vector<16xi32>, vector<16xi32>], vector<16xf32>,
        tpu.vector_store_idx %arg10[%and3A_226, %add3A_74], %gather3A_250 : memref<32x512xf32, #tpu.memory_space<vmem>>[vector<16xi32>, vector<16xi32>], vector<16xf32>,
        %gather3A_251 = tpu.vector_load_idx %arg8[%add3A_77, %and3A_226] : memref<512x32xf32, #tpu.memory_space<vmem>>[vector<16xi32>, vector<16xi32>], vector<16xf32>,
        tpu.vector_store_idx %arg10[%and3A_226, %add3A_77], %gather3A_251 : memref<32x512xf32, #tpu.memory_space<vmem>>[vector<16xi32>, vector<16xi32>], vector<16xf32>,
        %gather3A_252 = tpu.vector_load_idx %arg8[%add3A_80, %and3A_226] : memref<512x32xf32, #tpu.memory_space<vmem>>[vector<16xi32>, vector<16xi32>], vector<16xf32>,
        tpu.vector_store_idx %arg10[%and3A_226, %add3A_80], %gather3A_252 : memref<32x512xf32, #tpu.memory_space<vmem>>[vector<16xi32>, vector<16xi32>], vector<16xf32>,
        %gather3A_253 = tpu.vector_load_idx %arg8[%add3A_83, %and3A_226] : memref<512x32xf32, #tpu.memory_space<vmem>>[vector<16xi32>, vector<16xi32>], vector<16xf32>,
        tpu.vector_store_idx %arg10[%and3A_226, %add3A_83], %gather3A_253 : memref<32x512xf32, #tpu.memory_space<vmem>>[vector<16xi32>, vector<16xi32>], vector<16xf32>,
        %gather3A_254 = tpu.vector_load_idx %arg8[%add3A_86, %and3A_226] : memref<512x32xf32, #tpu.memory_space<vmem>>[vector<16xi32>, vector<16xi32>], vector<16xf32>,
        tpu.vector_store_idx %arg10[%and3A_226, %add3A_86], %gather3A_254 : memref<32x512xf32, #tpu.memory_space<vmem>>[vector<16xi32>, vector<16xi32>], vector<16xf32>,
        %gather3A_255 = tpu.vector_load_idx %arg8[%add3A_89, %and3A_226] : memref<512x32xf32, #tpu.memory_space<vmem>>[vector<16xi32>, vector<16xi32>], vector<16xf32>,
        tpu.vector_store_idx %arg10[%and3A_226, %add3A_89], %gather3A_255 : memref<32x512xf32, #tpu.memory_space<vmem>>[vector<16xi32>, vector<16xi32>], vector<16xf32>,
        %gather3A_256 = tpu.vector_load_idx %arg8[%add3A_92, %and3A_226] : memref<512x32xf32, #tpu.memory_space<vmem>>[vector<16xi32>, vector<16xi32>], vector<16xf32>,
        tpu.vector_store_idx %arg10[%and3A_226, %add3A_92], %gather3A_256 : memref<32x512xf32, #tpu.memory_space<vmem>>[vector<16xi32>, vector<16xi32>], vector<16xf32>,
        %gather3A_257 = tpu.vector_load_idx %arg8[%add3A_95, %and3A_226] : memref<512x32xf32, #tpu.memory_space<vmem>>[vector<16xi32>, vector<16xi32>], vector<16xf32>,
        tpu.vector_store_idx %arg10[%and3A_226, %add3A_95], %gather3A_257 : memref<32x512xf32, #tpu.memory_space<vmem>>[vector<16xi32>, vector<16xi32>], vector<16xf32>,
        %gather3A_258 = tpu.vector_load_idx %arg8[%add3A_98, %and3A_226] : memref<512x32xf32, #tpu.memory_space<vmem>>[vector<16xi32>, vector<16xi32>], vector<16xf32>,
        tpu.vector_store_idx %arg10[%and3A_226, %add3A_98], %gather3A_258 : memref<32x512xf32, #tpu.memory_space<vmem>>[vector<16xi32>, vector<16xi32>], vector<16xf32>,
        %mul3A_259 = arith.constant 4 : i32
        %mul3A_260 = arith.muli %scan3A_178, %mul3A_259 : i32
        %add3A_261 = arith.constant 2 : i32
        %add3A_262 = arith.addi %mul3A_260, %add3A_261 : i32
        %add3A_263 = vector.broadcast %add3A_262 : i32 to vector<16xi32>
        %add3A_264 = arith.addi %add3A_263, %iota3A : vector<16xi32>
        %and3A_265 = arith.constant 31 : i32
        %and3A_266 = vector.broadcast %and3A_265 : i32 to vector<16xi32>
        %and3A_267 = arith.andi %add3A_264, %and3A_266 : vector<16xi32>
        %gather3A_268 = tpu.vector_load_idx %arg8[%add3A_5, %and3A_267] : memref<512x32xf32, #tpu.memory_space<vmem>>[vector<16xi32>, vector<16xi32>], vector<16xf32>,
        tpu.vector_store_idx %arg10[%and3A_267, %add3A_5], %gather3A_268 : memref<32x512xf32, #tpu.memory_space<vmem>>[vector<16xi32>, vector<16xi32>], vector<16xf32>,
        %gather3A_269 = tpu.vector_load_idx %arg8[%add3A_8, %and3A_267] : memref<512x32xf32, #tpu.memory_space<vmem>>[vector<16xi32>, vector<16xi32>], vector<16xf32>,
        tpu.vector_store_idx %arg10[%and3A_267, %add3A_8], %gather3A_269 : memref<32x512xf32, #tpu.memory_space<vmem>>[vector<16xi32>, vector<16xi32>], vector<16xf32>,
        %gather3A_270 = tpu.vector_load_idx %arg8[%add3A_11, %and3A_267] : memref<512x32xf32, #tpu.memory_space<vmem>>[vector<16xi32>, vector<16xi32>], vector<16xf32>,
        tpu.vector_store_idx %arg10[%and3A_267, %add3A_11], %gather3A_270 : memref<32x512xf32, #tpu.memory_space<vmem>>[vector<16xi32>, vector<16xi32>], vector<16xf32>,
        %gather3A_271 = tpu.vector_load_idx %arg8[%add3A_14, %and3A_267] : memref<512x32xf32, #tpu.memory_space<vmem>>[vector<16xi32>, vector<16xi32>], vector<16xf32>,
        tpu.vector_store_idx %arg10[%and3A_267, %add3A_14], %gather3A_271 : memref<32x512xf32, #tpu.memory_space<vmem>>[vector<16xi32>, vector<16xi32>], vector<16xf32>,
        %gather3A_272 = tpu.vector_load_idx %arg8[%add3A_17, %and3A_267] : memref<512x32xf32, #tpu.memory_space<vmem>>[vector<16xi32>, vector<16xi32>], vector<16xf32>,
        tpu.vector_store_idx %arg10[%and3A_267, %add3A_17], %gather3A_272 : memref<32x512xf32, #tpu.memory_space<vmem>>[vector<16xi32>, vector<16xi32>], vector<16xf32>,
        %gather3A_273 = tpu.vector_load_idx %arg8[%add3A_20, %and3A_267] : memref<512x32xf32, #tpu.memory_space<vmem>>[vector<16xi32>, vector<16xi32>], vector<16xf32>,
        tpu.vector_store_idx %arg10[%and3A_267, %add3A_20], %gather3A_273 : memref<32x512xf32, #tpu.memory_space<vmem>>[vector<16xi32>, vector<16xi32>], vector<16xf32>,
        %gather3A_274 = tpu.vector_load_idx %arg8[%add3A_23, %and3A_267] : memref<512x32xf32, #tpu.memory_space<vmem>>[vector<16xi32>, vector<16xi32>], vector<16xf32>,
        tpu.vector_store_idx %arg10[%and3A_267, %add3A_23], %gather3A_274 : memref<32x512xf32, #tpu.memory_space<vmem>>[vector<16xi32>, vector<16xi32>], vector<16xf32>,
        %gather3A_275 = tpu.vector_load_idx %arg8[%add3A_26, %and3A_267] : memref<512x32xf32, #tpu.memory_space<vmem>>[vector<16xi32>, vector<16xi32>], vector<16xf32>,
        tpu.vector_store_idx %arg10[%and3A_267, %add3A_26], %gather3A_275 : memref<32x512xf32, #tpu.memory_space<vmem>>[vector<16xi32>, vector<16xi32>], vector<16xf32>,
        %gather3A_276 = tpu.vector_load_idx %arg8[%add3A_29, %and3A_267] : memref<512x32xf32, #tpu.memory_space<vmem>>[vector<16xi32>, vector<16xi32>], vector<16xf32>,
        tpu.vector_store_idx %arg10[%and3A_267, %add3A_29], %gather3A_276 : memref<32x512xf32, #tpu.memory_space<vmem>>[vector<16xi32>, vector<16xi32>], vector<16xf32>,
        %gather3A_277 = tpu.vector_load_idx %arg8[%add3A_32, %and3A_267] : memref<512x32xf32, #tpu.memory_space<vmem>>[vector<16xi32>, vector<16xi32>], vector<16xf32>,
        tpu.vector_store_idx %arg10[%and3A_267, %add3A_32], %gather3A_277 : memref<32x512xf32, #tpu.memory_space<vmem>>[vector<16xi32>, vector<16xi32>], vector<16xf32>,
        %gather3A_278 = tpu.vector_load_idx %arg8[%add3A_35, %and3A_267] : memref<512x32xf32, #tpu.memory_space<vmem>>[vector<16xi32>, vector<16xi32>], vector<16xf32>,
        tpu.vector_store_idx %arg10[%and3A_267, %add3A_35], %gather3A_278 : memref<32x512xf32, #tpu.memory_space<vmem>>[vector<16xi32>, vector<16xi32>], vector<16xf32>,
        %gather3A_279 = tpu.vector_load_idx %arg8[%add3A_38, %and3A_267] : memref<512x32xf32, #tpu.memory_space<vmem>>[vector<16xi32>, vector<16xi32>], vector<16xf32>,
        tpu.vector_store_idx %arg10[%and3A_267, %add3A_38], %gather3A_279 : memref<32x512xf32, #tpu.memory_space<vmem>>[vector<16xi32>, vector<16xi32>], vector<16xf32>,
        %gather3A_280 = tpu.vector_load_idx %arg8[%add3A_41, %and3A_267] : memref<512x32xf32, #tpu.memory_space<vmem>>[vector<16xi32>, vector<16xi32>], vector<16xf32>,
        tpu.vector_store_idx %arg10[%and3A_267, %add3A_41], %gather3A_280 : memref<32x512xf32, #tpu.memory_space<vmem>>[vector<16xi32>, vector<16xi32>], vector<16xf32>,
        %gather3A_281 = tpu.vector_load_idx %arg8[%add3A_44, %and3A_267] : memref<512x32xf32, #tpu.memory_space<vmem>>[vector<16xi32>, vector<16xi32>], vector<16xf32>,
        tpu.vector_store_idx %arg10[%and3A_267, %add3A_44], %gather3A_281 : memref<32x512xf32, #tpu.memory_space<vmem>>[vector<16xi32>, vector<16xi32>], vector<16xf32>,
        %gather3A_282 = tpu.vector_load_idx %arg8[%add3A_47, %and3A_267] : memref<512x32xf32, #tpu.memory_space<vmem>>[vector<16xi32>, vector<16xi32>], vector<16xf32>,
        tpu.vector_store_idx %arg10[%and3A_267, %add3A_47], %gather3A_282 : memref<32x512xf32, #tpu.memory_space<vmem>>[vector<16xi32>, vector<16xi32>], vector<16xf32>,
        %gather3A_283 = tpu.vector_load_idx %arg8[%add3A_50, %and3A_267] : memref<512x32xf32, #tpu.memory_space<vmem>>[vector<16xi32>, vector<16xi32>], vector<16xf32>,
        tpu.vector_store_idx %arg10[%and3A_267, %add3A_50], %gather3A_283 : memref<32x512xf32, #tpu.memory_space<vmem>>[vector<16xi32>, vector<16xi32>], vector<16xf32>,
        %gather3A_284 = tpu.vector_load_idx %arg8[%add3A_53, %and3A_267] : memref<512x32xf32, #tpu.memory_space<vmem>>[vector<16xi32>, vector<16xi32>], vector<16xf32>,
        tpu.vector_store_idx %arg10[%and3A_267, %add3A_53], %gather3A_284 : memref<32x512xf32, #tpu.memory_space<vmem>>[vector<16xi32>, vector<16xi32>], vector<16xf32>,
        %gather3A_285 = tpu.vector_load_idx %arg8[%add3A_56, %and3A_267] : memref<512x32xf32, #tpu.memory_space<vmem>>[vector<16xi32>, vector<16xi32>], vector<16xf32>,
        tpu.vector_store_idx %arg10[%and3A_267, %add3A_56], %gather3A_285 : memref<32x512xf32, #tpu.memory_space<vmem>>[vector<16xi32>, vector<16xi32>], vector<16xf32>,
        %gather3A_286 = tpu.vector_load_idx %arg8[%add3A_59, %and3A_267] : memref<512x32xf32, #tpu.memory_space<vmem>>[vector<16xi32>, vector<16xi32>], vector<16xf32>,
        tpu.vector_store_idx %arg10[%and3A_267, %add3A_59], %gather3A_286 : memref<32x512xf32, #tpu.memory_space<vmem>>[vector<16xi32>, vector<16xi32>], vector<16xf32>,
        %gather3A_287 = tpu.vector_load_idx %arg8[%add3A_62, %and3A_267] : memref<512x32xf32, #tpu.memory_space<vmem>>[vector<16xi32>, vector<16xi32>], vector<16xf32>,
        tpu.vector_store_idx %arg10[%and3A_267, %add3A_62], %gather3A_287 : memref<32x512xf32, #tpu.memory_space<vmem>>[vector<16xi32>, vector<16xi32>], vector<16xf32>,
        %gather3A_288 = tpu.vector_load_idx %arg8[%add3A_65, %and3A_267] : memref<512x32xf32, #tpu.memory_space<vmem>>[vector<16xi32>, vector<16xi32>], vector<16xf32>,
        tpu.vector_store_idx %arg10[%and3A_267, %add3A_65], %gather3A_288 : memref<32x512xf32, #tpu.memory_space<vmem>>[vector<16xi32>, vector<16xi32>], vector<16xf32>,
        %gather3A_289 = tpu.vector_load_idx %arg8[%add3A_68, %and3A_267] : memref<512x32xf32, #tpu.memory_space<vmem>>[vector<16xi32>, vector<16xi32>], vector<16xf32>,
        tpu.vector_store_idx %arg10[%and3A_267, %add3A_68], %gather3A_289 : memref<32x512xf32, #tpu.memory_space<vmem>>[vector<16xi32>, vector<16xi32>], vector<16xf32>,
        %gather3A_290 = tpu.vector_load_idx %arg8[%add3A_71, %and3A_267] : memref<512x32xf32, #tpu.memory_space<vmem>>[vector<16xi32>, vector<16xi32>], vector<16xf32>,
        tpu.vector_store_idx %arg10[%and3A_267, %add3A_71], %gather3A_290 : memref<32x512xf32, #tpu.memory_space<vmem>>[vector<16xi32>, vector<16xi32>], vector<16xf32>,
        %gather3A_291 = tpu.vector_load_idx %arg8[%add3A_74, %and3A_267] : memref<512x32xf32, #tpu.memory_space<vmem>>[vector<16xi32>, vector<16xi32>], vector<16xf32>,
        tpu.vector_store_idx %arg10[%and3A_267, %add3A_74], %gather3A_291 : memref<32x512xf32, #tpu.memory_space<vmem>>[vector<16xi32>, vector<16xi32>], vector<16xf32>,
        %gather3A_292 = tpu.vector_load_idx %arg8[%add3A_77, %and3A_267] : memref<512x32xf32, #tpu.memory_space<vmem>>[vector<16xi32>, vector<16xi32>], vector<16xf32>,
        tpu.vector_store_idx %arg10[%and3A_267, %add3A_77], %gather3A_292 : memref<32x512xf32, #tpu.memory_space<vmem>>[vector<16xi32>, vector<16xi32>], vector<16xf32>,
        %gather3A_293 = tpu.vector_load_idx %arg8[%add3A_80, %and3A_267] : memref<512x32xf32, #tpu.memory_space<vmem>>[vector<16xi32>, vector<16xi32>], vector<16xf32>,
        tpu.vector_store_idx %arg10[%and3A_267, %add3A_80], %gather3A_293 : memref<32x512xf32, #tpu.memory_space<vmem>>[vector<16xi32>, vector<16xi32>], vector<16xf32>,
        %gather3A_294 = tpu.vector_load_idx %arg8[%add3A_83, %and3A_267] : memref<512x32xf32, #tpu.memory_space<vmem>>[vector<16xi32>, vector<16xi32>], vector<16xf32>,
        tpu.vector_store_idx %arg10[%and3A_267, %add3A_83], %gather3A_294 : memref<32x512xf32, #tpu.memory_space<vmem>>[vector<16xi32>, vector<16xi32>], vector<16xf32>,
        %gather3A_295 = tpu.vector_load_idx %arg8[%add3A_86, %and3A_267] : memref<512x32xf32, #tpu.memory_space<vmem>>[vector<16xi32>, vector<16xi32>], vector<16xf32>,
        tpu.vector_store_idx %arg10[%and3A_267, %add3A_86], %gather3A_295 : memref<32x512xf32, #tpu.memory_space<vmem>>[vector<16xi32>, vector<16xi32>], vector<16xf32>,
        %gather3A_296 = tpu.vector_load_idx %arg8[%add3A_89, %and3A_267] : memref<512x32xf32, #tpu.memory_space<vmem>>[vector<16xi32>, vector<16xi32>], vector<16xf32>,
        tpu.vector_store_idx %arg10[%and3A_267, %add3A_89], %gather3A_296 : memref<32x512xf32, #tpu.memory_space<vmem>>[vector<16xi32>, vector<16xi32>], vector<16xf32>,
        %gather3A_297 = tpu.vector_load_idx %arg8[%add3A_92, %and3A_267] : memref<512x32xf32, #tpu.memory_space<vmem>>[vector<16xi32>, vector<16xi32>], vector<16xf32>,
        tpu.vector_store_idx %arg10[%and3A_267, %add3A_92], %gather3A_297 : memref<32x512xf32, #tpu.memory_space<vmem>>[vector<16xi32>, vector<16xi32>], vector<16xf32>,
        %gather3A_298 = tpu.vector_load_idx %arg8[%add3A_95, %and3A_267] : memref<512x32xf32, #tpu.memory_space<vmem>>[vector<16xi32>, vector<16xi32>], vector<16xf32>,
        tpu.vector_store_idx %arg10[%and3A_267, %add3A_95], %gather3A_298 : memref<32x512xf32, #tpu.memory_space<vmem>>[vector<16xi32>, vector<16xi32>], vector<16xf32>,
        %gather3A_299 = tpu.vector_load_idx %arg8[%add3A_98, %and3A_267] : memref<512x32xf32, #tpu.memory_space<vmem>>[vector<16xi32>, vector<16xi32>], vector<16xf32>,
        tpu.vector_store_idx %arg10[%and3A_267, %add3A_98], %gather3A_299 : memref<32x512xf32, #tpu.memory_space<vmem>>[vector<16xi32>, vector<16xi32>], vector<16xf32>,
        %mul3A_300 = arith.constant 4 : i32
        %mul3A_301 = arith.muli %scan3A_178, %mul3A_300 : i32
        %add3A_302 = arith.constant 3 : i32
        %add3A_303 = arith.addi %mul3A_301, %add3A_302 : i32
        %add3A_304 = vector.broadcast %add3A_303 : i32 to vector<16xi32>
        %add3A_305 = arith.addi %add3A_304, %iota3A : vector<16xi32>
        %and3A_306 = arith.constant 31 : i32
        %and3A_307 = vector.broadcast %and3A_306 : i32 to vector<16xi32>
        %and3A_308 = arith.andi %add3A_305, %and3A_307 : vector<16xi32>
        %gather3A_309 = tpu.vector_load_idx %arg8[%add3A_5, %and3A_308] : memref<512x32xf32, #tpu.memory_space<vmem>>[vector<16xi32>, vector<16xi32>], vector<16xf32>,
        tpu.vector_store_idx %arg10[%and3A_308, %add3A_5], %gather3A_309 : memref<32x512xf32, #tpu.memory_space<vmem>>[vector<16xi32>, vector<16xi32>], vector<16xf32>,
        %gather3A_310 = tpu.vector_load_idx %arg8[%add3A_8, %and3A_308] : memref<512x32xf32, #tpu.memory_space<vmem>>[vector<16xi32>, vector<16xi32>], vector<16xf32>,
        tpu.vector_store_idx %arg10[%and3A_308, %add3A_8], %gather3A_310 : memref<32x512xf32, #tpu.memory_space<vmem>>[vector<16xi32>, vector<16xi32>], vector<16xf32>,
        %gather3A_311 = tpu.vector_load_idx %arg8[%add3A_11, %and3A_308] : memref<512x32xf32, #tpu.memory_space<vmem>>[vector<16xi32>, vector<16xi32>], vector<16xf32>,
        tpu.vector_store_idx %arg10[%and3A_308, %add3A_11], %gather3A_311 : memref<32x512xf32, #tpu.memory_space<vmem>>[vector<16xi32>, vector<16xi32>], vector<16xf32>,
        %gather3A_312 = tpu.vector_load_idx %arg8[%add3A_14, %and3A_308] : memref<512x32xf32, #tpu.memory_space<vmem>>[vector<16xi32>, vector<16xi32>], vector<16xf32>,
        tpu.vector_store_idx %arg10[%and3A_308, %add3A_14], %gather3A_312 : memref<32x512xf32, #tpu.memory_space<vmem>>[vector<16xi32>, vector<16xi32>], vector<16xf32>,
        %gather3A_313 = tpu.vector_load_idx %arg8[%add3A_17, %and3A_308] : memref<512x32xf32, #tpu.memory_space<vmem>>[vector<16xi32>, vector<16xi32>], vector<16xf32>,
        tpu.vector_store_idx %arg10[%and3A_308, %add3A_17], %gather3A_313 : memref<32x512xf32, #tpu.memory_space<vmem>>[vector<16xi32>, vector<16xi32>], vector<16xf32>,
        %gather3A_314 = tpu.vector_load_idx %arg8[%add3A_20, %and3A_308] : memref<512x32xf32, #tpu.memory_space<vmem>>[vector<16xi32>, vector<16xi32>], vector<16xf32>,
        tpu.vector_store_idx %arg10[%and3A_308, %add3A_20], %gather3A_314 : memref<32x512xf32, #tpu.memory_space<vmem>>[vector<16xi32>, vector<16xi32>], vector<16xf32>,
        %gather3A_315 = tpu.vector_load_idx %arg8[%add3A_23, %and3A_308] : memref<512x32xf32, #tpu.memory_space<vmem>>[vector<16xi32>, vector<16xi32>], vector<16xf32>,
        tpu.vector_store_idx %arg10[%and3A_308, %add3A_23], %gather3A_315 : memref<32x512xf32, #tpu.memory_space<vmem>>[vector<16xi32>, vector<16xi32>], vector<16xf32>,
        %gather3A_316 = tpu.vector_load_idx %arg8[%add3A_26, %and3A_308] : memref<512x32xf32, #tpu.memory_space<vmem>>[vector<16xi32>, vector<16xi32>], vector<16xf32>,
        tpu.vector_store_idx %arg10[%and3A_308, %add3A_26], %gather3A_316 : memref<32x512xf32, #tpu.memory_space<vmem>>[vector<16xi32>, vector<16xi32>], vector<16xf32>,
        %gather3A_317 = tpu.vector_load_idx %arg8[%add3A_29, %and3A_308] : memref<512x32xf32, #tpu.memory_space<vmem>>[vector<16xi32>, vector<16xi32>], vector<16xf32>,
        tpu.vector_store_idx %arg10[%and3A_308, %add3A_29], %gather3A_317 : memref<32x512xf32, #tpu.memory_space<vmem>>[vector<16xi32>, vector<16xi32>], vector<16xf32>,
        %gather3A_318 = tpu.vector_load_idx %arg8[%add3A_32, %and3A_308] : memref<512x32xf32, #tpu.memory_space<vmem>>[vector<16xi32>, vector<16xi32>], vector<16xf32>,
        tpu.vector_store_idx %arg10[%and3A_308, %add3A_32], %gather3A_318 : memref<32x512xf32, #tpu.memory_space<vmem>>[vector<16xi32>, vector<16xi32>], vector<16xf32>,
        %gather3A_319 = tpu.vector_load_idx %arg8[%add3A_35, %and3A_308] : memref<512x32xf32, #tpu.memory_space<vmem>>[vector<16xi32>, vector<16xi32>], vector<16xf32>,
        tpu.vector_store_idx %arg10[%and3A_308, %add3A_35], %gather3A_319 : memref<32x512xf32, #tpu.memory_space<vmem>>[vector<16xi32>, vector<16xi32>], vector<16xf32>,
        %gather3A_320 = tpu.vector_load_idx %arg8[%add3A_38, %and3A_308] : memref<512x32xf32, #tpu.memory_space<vmem>>[vector<16xi32>, vector<16xi32>], vector<16xf32>,
        tpu.vector_store_idx %arg10[%and3A_308, %add3A_38], %gather3A_320 : memref<32x512xf32, #tpu.memory_space<vmem>>[vector<16xi32>, vector<16xi32>], vector<16xf32>,
        %gather3A_321 = tpu.vector_load_idx %arg8[%add3A_41, %and3A_308] : memref<512x32xf32, #tpu.memory_space<vmem>>[vector<16xi32>, vector<16xi32>], vector<16xf32>,
        tpu.vector_store_idx %arg10[%and3A_308, %add3A_41], %gather3A_321 : memref<32x512xf32, #tpu.memory_space<vmem>>[vector<16xi32>, vector<16xi32>], vector<16xf32>,
        %gather3A_322 = tpu.vector_load_idx %arg8[%add3A_44, %and3A_308] : memref<512x32xf32, #tpu.memory_space<vmem>>[vector<16xi32>, vector<16xi32>], vector<16xf32>,
        tpu.vector_store_idx %arg10[%and3A_308, %add3A_44], %gather3A_322 : memref<32x512xf32, #tpu.memory_space<vmem>>[vector<16xi32>, vector<16xi32>], vector<16xf32>,
        %gather3A_323 = tpu.vector_load_idx %arg8[%add3A_47, %and3A_308] : memref<512x32xf32, #tpu.memory_space<vmem>>[vector<16xi32>, vector<16xi32>], vector<16xf32>,
        tpu.vector_store_idx %arg10[%and3A_308, %add3A_47], %gather3A_323 : memref<32x512xf32, #tpu.memory_space<vmem>>[vector<16xi32>, vector<16xi32>], vector<16xf32>,
        %gather3A_324 = tpu.vector_load_idx %arg8[%add3A_50, %and3A_308] : memref<512x32xf32, #tpu.memory_space<vmem>>[vector<16xi32>, vector<16xi32>], vector<16xf32>,
        tpu.vector_store_idx %arg10[%and3A_308, %add3A_50], %gather3A_324 : memref<32x512xf32, #tpu.memory_space<vmem>>[vector<16xi32>, vector<16xi32>], vector<16xf32>,
        %gather3A_325 = tpu.vector_load_idx %arg8[%add3A_53, %and3A_308] : memref<512x32xf32, #tpu.memory_space<vmem>>[vector<16xi32>, vector<16xi32>], vector<16xf32>,
        tpu.vector_store_idx %arg10[%and3A_308, %add3A_53], %gather3A_325 : memref<32x512xf32, #tpu.memory_space<vmem>>[vector<16xi32>, vector<16xi32>], vector<16xf32>,
        %gather3A_326 = tpu.vector_load_idx %arg8[%add3A_56, %and3A_308] : memref<512x32xf32, #tpu.memory_space<vmem>>[vector<16xi32>, vector<16xi32>], vector<16xf32>,
        tpu.vector_store_idx %arg10[%and3A_308, %add3A_56], %gather3A_326 : memref<32x512xf32, #tpu.memory_space<vmem>>[vector<16xi32>, vector<16xi32>], vector<16xf32>,
        %gather3A_327 = tpu.vector_load_idx %arg8[%add3A_59, %and3A_308] : memref<512x32xf32, #tpu.memory_space<vmem>>[vector<16xi32>, vector<16xi32>], vector<16xf32>,
        tpu.vector_store_idx %arg10[%and3A_308, %add3A_59], %gather3A_327 : memref<32x512xf32, #tpu.memory_space<vmem>>[vector<16xi32>, vector<16xi32>], vector<16xf32>,
        %gather3A_328 = tpu.vector_load_idx %arg8[%add3A_62, %and3A_308] : memref<512x32xf32, #tpu.memory_space<vmem>>[vector<16xi32>, vector<16xi32>], vector<16xf32>,
        tpu.vector_store_idx %arg10[%and3A_308, %add3A_62], %gather3A_328 : memref<32x512xf32, #tpu.memory_space<vmem>>[vector<16xi32>, vector<16xi32>], vector<16xf32>,
        %gather3A_329 = tpu.vector_load_idx %arg8[%add3A_65, %and3A_308] : memref<512x32xf32, #tpu.memory_space<vmem>>[vector<16xi32>, vector<16xi32>], vector<16xf32>,
        tpu.vector_store_idx %arg10[%and3A_308, %add3A_65], %gather3A_329 : memref<32x512xf32, #tpu.memory_space<vmem>>[vector<16xi32>, vector<16xi32>], vector<16xf32>,
        %gather3A_330 = tpu.vector_load_idx %arg8[%add3A_68, %and3A_308] : memref<512x32xf32, #tpu.memory_space<vmem>>[vector<16xi32>, vector<16xi32>], vector<16xf32>,
        tpu.vector_store_idx %arg10[%and3A_308, %add3A_68], %gather3A_330 : memref<32x512xf32, #tpu.memory_space<vmem>>[vector<16xi32>, vector<16xi32>], vector<16xf32>,
        %gather3A_331 = tpu.vector_load_idx %arg8[%add3A_71, %and3A_308] : memref<512x32xf32, #tpu.memory_space<vmem>>[vector<16xi32>, vector<16xi32>], vector<16xf32>,
        tpu.vector_store_idx %arg10[%and3A_308, %add3A_71], %gather3A_331 : memref<32x512xf32, #tpu.memory_space<vmem>>[vector<16xi32>, vector<16xi32>], vector<16xf32>,
        %gather3A_332 = tpu.vector_load_idx %arg8[%add3A_74, %and3A_308] : memref<512x32xf32, #tpu.memory_space<vmem>>[vector<16xi32>, vector<16xi32>], vector<16xf32>,
        tpu.vector_store_idx %arg10[%and3A_308, %add3A_74], %gather3A_332 : memref<32x512xf32, #tpu.memory_space<vmem>>[vector<16xi32>, vector<16xi32>], vector<16xf32>,
        %gather3A_333 = tpu.vector_load_idx %arg8[%add3A_77, %and3A_308] : memref<512x32xf32, #tpu.memory_space<vmem>>[vector<16xi32>, vector<16xi32>], vector<16xf32>,
        tpu.vector_store_idx %arg10[%and3A_308, %add3A_77], %gather3A_333 : memref<32x512xf32, #tpu.memory_space<vmem>>[vector<16xi32>, vector<16xi32>], vector<16xf32>,
        %gather3A_334 = tpu.vector_load_idx %arg8[%add3A_80, %and3A_308] : memref<512x32xf32, #tpu.memory_space<vmem>>[vector<16xi32>, vector<16xi32>], vector<16xf32>,
        tpu.vector_store_idx %arg10[%and3A_308, %add3A_80], %gather3A_334 : memref<32x512xf32, #tpu.memory_space<vmem>>[vector<16xi32>, vector<16xi32>], vector<16xf32>,
        %gather3A_335 = tpu.vector_load_idx %arg8[%add3A_83, %and3A_308] : memref<512x32xf32, #tpu.memory_space<vmem>>[vector<16xi32>, vector<16xi32>], vector<16xf32>,
        tpu.vector_store_idx %arg10[%and3A_308, %add3A_83], %gather3A_335 : memref<32x512xf32, #tpu.memory_space<vmem>>[vector<16xi32>, vector<16xi32>], vector<16xf32>,
        %gather3A_336 = tpu.vector_load_idx %arg8[%add3A_86, %and3A_308] : memref<512x32xf32, #tpu.memory_space<vmem>>[vector<16xi32>, vector<16xi32>], vector<16xf32>,
        tpu.vector_store_idx %arg10[%and3A_308, %add3A_86], %gather3A_336 : memref<32x512xf32, #tpu.memory_space<vmem>>[vector<16xi32>, vector<16xi32>], vector<16xf32>,
        %gather3A_337 = tpu.vector_load_idx %arg8[%add3A_89, %and3A_308] : memref<512x32xf32, #tpu.memory_space<vmem>>[vector<16xi32>, vector<16xi32>], vector<16xf32>,
        tpu.vector_store_idx %arg10[%and3A_308, %add3A_89], %gather3A_337 : memref<32x512xf32, #tpu.memory_space<vmem>>[vector<16xi32>, vector<16xi32>], vector<16xf32>,
        %gather3A_338 = tpu.vector_load_idx %arg8[%add3A_92, %and3A_308] : memref<512x32xf32, #tpu.memory_space<vmem>>[vector<16xi32>, vector<16xi32>], vector<16xf32>,
        tpu.vector_store_idx %arg10[%and3A_308, %add3A_92], %gather3A_338 : memref<32x512xf32, #tpu.memory_space<vmem>>[vector<16xi32>, vector<16xi32>], vector<16xf32>,
        %gather3A_339 = tpu.vector_load_idx %arg8[%add3A_95, %and3A_308] : memref<512x32xf32, #tpu.memory_space<vmem>>[vector<16xi32>, vector<16xi32>], vector<16xf32>,
        tpu.vector_store_idx %arg10[%and3A_308, %add3A_95], %gather3A_339 : memref<32x512xf32, #tpu.memory_space<vmem>>[vector<16xi32>, vector<16xi32>], vector<16xf32>,
        %gather3A_340 = tpu.vector_load_idx %arg8[%add3A_98, %and3A_308] : memref<512x32xf32, #tpu.memory_space<vmem>>[vector<16xi32>, vector<16xi32>], vector<16xf32>,
        tpu.vector_store_idx %arg10[%and3A_308, %add3A_98], %gather3A_340 : memref<32x512xf32, #tpu.memory_space<vmem>>[vector<16xi32>, vector<16xi32>], vector<16xf32>,
      }
      %scan3A_166 = arith.constant 8 : i32
      %dma_start3A_167 = arith.constant 0 : i32
      %dma_start3A_168 = tpu.memref_slice %arg4[%add3A_160, %dma_start3A_167, %mul3A_2] : memref<50x32x16384xf32, #tpu.memory_space<hbm>> -> memref<1x32x512xf32, #tpu.memory_space<hbm>>
      %dma_start3A_169 = tpu.memref_squeeze %dma_start3A_168 : memref<1x32x512xf32, #tpu.memory_space<hbm>> -> memref<32x512xf32, #tpu.memory_space<hbm>>
      %dma_start3A_170 = arith.constant 0 : i32
      %dma_start3A_171 = tpu.memref_slice %arg4[%add3A_160, %dma_start3A_170, %mul3A_2] : memref<50x32x16384xf32, #tpu.memory_space<hbm>> -> memref<1x32x512xf32, #tpu.memory_space<hbm>>
      %dma_start3A_172 = tpu.memref_squeeze %dma_start3A_171 : memref<1x32x512xf32, #tpu.memory_space<hbm>> -> memref<32x512xf32, #tpu.memory_space<hbm>>
      tpu.enqueue_dma source(%arg10 : memref<32x512xf32, #tpu.memory_space<vmem>>) target(%dma_start3A_172 : memref<32x512xf32, #tpu.memory_space<hbm>>) target_semaphore(%arg14 : memref<!tpu.dma_semaphore, #tpu.memory_space<semaphore_mem>>)
      %lt3A_173 = arith.constant 24 : i32
      %lt3A_174 = arith.cmpi slt, %scan3A_127, %lt3A_173 : i32
      %convert_element_type3A_175 = arith.extui %lt3A_174 : i1 to i32
      %cond3A_176 = arith.constant 0 : i32
      %cond3A_177 = arith.cmpi ne, %convert_element_type3A_175, %cond3A_176 : i32
      scf.if %cond3A_177 {
        %add3A_178 = arith.constant 3 : i32
        %add3A_179 = arith.addi %mul3A_129, %add3A_178 : i32
        %mul3A_180 = arith.constant 16384 : i32
        %mul3A_181 = arith.muli %add3A_179, %mul3A_180 : i32
        %add3A_182 = arith.addi %mul3A_181, %mul3A_2 : i32
        %multiple_of3A_183 = tpu.assume_multiple %add3A_182, 8 : i32
        "tpu.region"() ({
          %run_scoped3A = tpu.sem_alloc : memref<!tpu.dma_semaphore, #tpu.memory_space<semaphore_mem>>
          %dma_start3A_187 = tpu.memref_slice %arg2[%multiple_of3A_183] : memref<819200xi32, #tpu.memory_space<hbm>> -> memref<512xi32, #tpu.memory_space<hbm>>
          %dma_start3A_188 = tpu.memref_slice %arg2[%multiple_of3A_183] : memref<819200xi32, #tpu.memory_space<hbm>> -> memref<512xi32, #tpu.memory_space<hbm>>
          tpu.enqueue_dma source(%dma_start3A_188 : memref<512xi32, #tpu.memory_space<hbm>>) target(%arg6 : memref<512xi32, #tpu.memory_space<vmem>>) target_semaphore(%run_scoped3A : memref<!tpu.dma_semaphore, #tpu.memory_space<semaphore_mem>>)
          %dma_wait3A_189 = tpu.memref_slice %arg2[%multiple_of3A_183] : memref<819200xi32, #tpu.memory_space<hbm>> -> memref<512xi32, #tpu.memory_space<hbm>>
          %dma_wait3A_190 = tpu.memref_slice %arg2[%multiple_of3A_183] : memref<819200xi32, #tpu.memory_space<hbm>> -> memref<512xi32, #tpu.memory_space<hbm>>
          tpu.wait_dma2 semaphore(%run_scoped3A : memref<!tpu.dma_semaphore, #tpu.memory_space<semaphore_mem>>) src(%dma_wait3A_190 : memref<512xi32, #tpu.memory_space<hbm>>) dst(%arg6 : memref<512xi32, #tpu.memory_space<vmem>>)
          tpu.yield
        }) : () -> ()
        %dma_start3A_184 = arith.constant 0 : i32
        %dma_start3A_185 = arith.constant 0 : i32
        %dma_start3A_186 = tpu.memref_slice %arg3[%dma_start3A_184, %dma_start3A_185] : memref<1000000x32xf32, #tpu.memory_space<hbm>> -> memref<1000000x32xf32, #tpu.memory_space<hbm>>
        tpu.enqueue_indirect_dma source(%dma_start3A_186 : memref<1000000x32xf32, #tpu.memory_space<hbm>>) target(%arg8 : memref<512x32xf32, #tpu.memory_space<vmem>>) offsets(%arg6 : memref<512xi32, #tpu.memory_space<vmem>>) semaphore(%arg12 : memref<!tpu.dma_semaphore, #tpu.memory_space<semaphore_mem>>)
      } else {
      }
    }
    %scan3A_113 = arith.constant 25 : i32
    %dma_wait3A = arith.constant 48 : i32
    %dma_wait3A_114 = arith.constant 0 : i32
    %dma_wait3A_115 = tpu.memref_slice %arg4[%dma_wait3A, %dma_wait3A_114, %mul3A_2] : memref<50x32x16384xf32, #tpu.memory_space<hbm>> -> memref<1x32x512xf32, #tpu.memory_space<hbm>>
    %dma_wait3A_116 = tpu.memref_squeeze %dma_wait3A_115 : memref<1x32x512xf32, #tpu.memory_space<hbm>> -> memref<32x512xf32, #tpu.memory_space<hbm>>
    %dma_wait3A_117 = arith.constant 0 : i32
    %dma_wait3A_118 = tpu.memref_slice %arg4[%dma_wait3A, %dma_wait3A_117, %mul3A_2] : memref<50x32x16384xf32, #tpu.memory_space<hbm>> -> memref<1x32x512xf32, #tpu.memory_space<hbm>>
    %dma_wait3A_119 = tpu.memref_squeeze %dma_wait3A_118 : memref<1x32x512xf32, #tpu.memory_space<hbm>> -> memref<32x512xf32, #tpu.memory_space<hbm>>
    tpu.wait_dma2 semaphore(%arg13 : memref<!tpu.dma_semaphore, #tpu.memory_space<semaphore_mem>>) src(%arg9 : memref<32x512xf32, #tpu.memory_space<vmem>>) dst(%dma_wait3A_119 : memref<32x512xf32, #tpu.memory_space<hbm>>)
    %dma_wait3A_120 = arith.constant 49 : i32
    %dma_wait3A_121 = arith.constant 0 : i32
    %dma_wait3A_122 = tpu.memref_slice %arg4[%dma_wait3A_120, %dma_wait3A_121, %mul3A_2] : memref<50x32x16384xf32, #tpu.memory_space<hbm>> -> memref<1x32x512xf32, #tpu.memory_space<hbm>>
    %dma_wait3A_123 = tpu.memref_squeeze %dma_wait3A_122 : memref<1x32x512xf32, #tpu.memory_space<hbm>> -> memref<32x512xf32, #tpu.memory_space<hbm>>
    %dma_wait3A_124 = arith.constant 0 : i32
    %dma_wait3A_125 = tpu.memref_slice %arg4[%dma_wait3A_120, %dma_wait3A_124, %mul3A_2] : memref<50x32x16384xf32, #tpu.memory_space<hbm>> -> memref<1x32x512xf32, #tpu.memory_space<hbm>>
    %dma_wait3A_126 = tpu.memref_squeeze %dma_wait3A_125 : memref<1x32x512xf32, #tpu.memory_space<hbm>> -> memref<32x512xf32, #tpu.memory_space<hbm>>
    tpu.wait_dma2 semaphore(%arg14 : memref<!tpu.dma_semaphore, #tpu.memory_space<semaphore_mem>>) src(%arg10 : memref<32x512xf32, #tpu.memory_space<vmem>>) dst(%dma_wait3A_126 : memref<32x512xf32, #tpu.memory_space<hbm>>)
    return
  }
}

</mosaic_0001>

<sc_bundles>
// kernel: _gather_rows_t.3.cloned.1.call-start
scs
__scs_entry_jumppad:
0x0: {  	(pc) =	sbr.rel $0x88, $3  }
0x1: {  	(tag) =	ssettag $0x0;
	lr =	simm.s32 $0x1  }
0x2: {  	[smem:$0x3F9F] =	sst lr;
	_ =	strace $0xD0000000  }
0x3: {  	_ = 	snop  }
0x4: {  	_ = 	snop  }
0x5: {  	_ = 	snop  }
0x6: {  	_ = 	snop  }
0x7: {  	_ = 	snop  }
__scs_overlays_trampoline_lowered:
0x8: {  	[smem:$0x3FAE] =	sst s0  }
0x9: {  	[smem:$0x3FAF] =	sst s1  }
0xa: {  	[smem:$0x3FB0] =	sst s2  }
0xb: {  	[smem:$0x3FB1] =	sst s3  }
0xc: {  	[smem:$0x3FB2] =	sst s4  }
0xd: {  	[smem:$0x3FB3] =	sst s5  }
0xe: {  	[smem:$0x3FB4] =	sst s6  }
0xf: {  	[smem:$0x3FB5] =	sst s7  }
0x10: {  	[smem:$0x3FB6] =	sst s8  }
0x11: {  	[smem:$0x3FB7] =	sst s9;
	s0 =	simm.s32 @!p0 $0x0  }
0x12: {  	s1 =	sld [smem:$0x3F9D];
	s0 =	simm.s32 @p0 $0x1  }
0x13: {  	[smem:$0x3FB8] =	sst s0;
	s0 =	simm.s32 @!p1 $0x0  }
0x14: {  	s2 =	sld [smem:$0x3F9C];
	s0 =	simm.s32 @p1 $0x1  }
0x15: {  	[smem:$0x3FB9] =	sst s0;
	s0 =	simm.s32 @!p2 $0x0  }
0x16: {  	s3 =	sld [smem:$0x3FDB];
	s0 =	simm.s32 @p2 $0x1  }
0x17: {  	s4 =	simm.s32 $0x1BF5;
	[smem:$0x3FBB] =	sst s0  }
0x18: {  	s0 =	sld [smem:$0x3F9E];
	_ =	swait.ge [sflag:s4], $0x0  }
0x19: {  	s7 =	sld [smem:$0x3F9F]  }
0x1a: {  	s8 =	sadd.s32 $0xFFFFE003, lr  }
0x1b: {  	s9 =	sadd.s32 $0xFFFFFEF7, lr;
	s5 =	simm.s32 $0xFFFFFFFF;
	p2 =	slt.u32 s8, $0xFFFFF086  }
0x1c: {  	p1 =	slt.u32 s9, $0xF7A;
	s5 =	simm.s32 @!p2 $0x0  }
0x1d: {  	s5 =	simm.s32 @p1 $0x1;
	p0 =	seq.s32 s7, s2  }
0x1e: {  	s7 =	smul.u32 @!p0 $0xF7A, s2;
	p2 =	seq.s32 @!p0 s5, $0x0  }
0x1f: {  	s9 =	smul.u32 $0xF7A, s1;
	s8 =	simm.s32 @!p0 $0x1BF5;
	p2 =	por !p2, p0  }
0x20: {  	[sflag:s8] =	ssyncset.s32 @!p0 $0xFFFFF086;
	s6 =	sadd.s32 @!p0 s3, s7;
	s7 =	simm.s32 @!p0 $0x108  }
0x21: {  	s3 =	sadd.s32 s3, s9;
	s6 =	sadd.s32 @!p0 $0x88, s6;
	s7 =	simm.s32 @p2 $0x1082  }
0x22: {  	[simem:s7], [sflag:s8] =	dma.local @!p0 [hbm:s6], $0xF7A  }
0x23: {  	s9 =	sor.u32 $0xD0000000, s2;
	s6 =	simm.s32 $0x108;
	_ =	swait.ge @!p0 [sflag:s8], $0x0  }
0x24: {  	s3 =	sadd.s32 $0x88, s3;
	s6 =	simm.s32 @!p1 $0x1082;
	[sflag:s4] =	ssyncset.s32 $0xFFFFF086  }
0x25: {  	[simem:s6], [sflag:s4] =	dma.local [hbm:s3], $0xF7A  }
0x26: {  	[smem:$0x3F9F] =	sst s1;
	(tag) =	ssettag s2;
	_ =	strace s9  }
0x27: {  	s1 =	sld [smem:$0x3FAF]  }
0x28: {  	s2 =	sld [smem:$0x3FB0]  }
0x29: {  	s4 =	sld [smem:$0x3FB2]  }
0x2a: {  	p0 =	seq.s32 s5, $0x0;
	s5 =	sld [smem:$0x3FB3]  }
0x2b: {  	s6 =	sld [smem:$0x3FB4]  }
0x2c: {  	s7 =	sld [smem:$0x3FB5]  }
0x2d: {  	s3 =	simm.s32 $0x108;
	s8 =	sld [smem:$0x3FB6]  }
0x2e: {  	s3 =	simm.s32 @!p0 $0x1082;
	s9 =	sld [smem:$0x3FB7]  }
0x2f: {  	lr =	sadd.s32 s0, s3;
	s0 =	sld [smem:$0x3FAE]  }
0x30: {  	s3 =	sld [smem:$0x3FB1]  }
0x31: {  	[smem:$0x3FBA] =	sst s10  }
0x32: {  	s10 =	sld [smem:$0x3FB8];
	_ =	sdelay $0x3  }
0x33: {  	p0 =	seq.s32 s10, $0x1;
	s10 =	sld [smem:$0x3FBA];
	_ =	sdelay $0x3  }
0x34: {  	[smem:$0x3FBA] =	sst s10  }
0x35: {  	s10 =	sld [smem:$0x3FB9];
	_ =	sdelay $0x3  }
0x36: {  	p1 =	seq.s32 s10, $0x1;
	s10 =	sld [smem:$0x3FBA];
	_ =	sdelay $0x3  }
0x37: {  	[smem:$0x3FBA] =	sst s10  }
0x38: {  	s10 =	sld [smem:$0x3FBB]  }
0x39: {  	_ = 	snop;
	(pc) =	sbr.ind lr, $3  }
0x3a: {  	_ = 	snop  }
0x3b: {  	_ = 	snop  }
0x3c: {  	p2 =	seq.s32 s10, $0x1;
	s10 =	sld [smem:$0x3FBA]  }
0x3d: {  	_ =	shalt  }
0x3e: {  	_ =	shalt  }
0x3f: {  	_ =	shalt  }
0x40: {  	_ =	shalt  }
0x41: {  	_ =	shalt  }
0x42: {  	_ =	shalt  }
0x43: {  	_ =	shalt  }
0x44: {  	_ =	shalt  }
0x45: {  	_ =	shalt  }
0x46: {  	_ =	shalt  }
0x47: {  	_ =	shalt  }
0x48: {  	_ =	shalt  }
0x49: {  	_ =	shalt  }
0x4a: {  	_ =	shalt  }
0x4b: {  	_ =	shalt  }
0x4c: {  	_ =	shalt  }
0x4d: {  	_ =	shalt  }
0x4e: {  	_ =	shalt  }
0x4f: {  	_ =	shalt  }
0x50: {  	_ =	shalt  }
0x51: {  	_ =	shalt  }
0x52: {  	_ =	shalt  }
0x53: {  	_ =	shalt  }
0x54: {  	_ =	shalt  }
0x55: {  	_ =	shalt  }
0x56: {  	_ =	shalt  }
0x57: {  	_ =	shalt  }
0x58: {  	_ =	shalt  }
0x59: {  	_ =	shalt  }
0x5a: {  	_ =	shalt  }
0x5b: {  	_ =	shalt  }
0x5c: {  	_ =	shalt  }
0x5d: {  	_ =	shalt  }
0x5e: {  	_ =	shalt  }
0x5f: {  	_ =	shalt  }
0x60: {  	_ =	shalt  }
0x61: {  	_ =	shalt  }
0x62: {  	_ =	shalt  }
0x63: {  	_ =	shalt  }
0x64: {  	_ =	shalt  }
0x65: {  	_ =	shalt  }
0x66: {  	_ =	shalt  }
0x67: {  	_ =	shalt  }
0x68: {  	_ =	shalt  }
0x69: {  	_ =	shalt  }
0x6a: {  	_ =	shalt  }
0x6b: {  	_ =	shalt  }
0x6c: {  	_ =	shalt  }
0x6d: {  	_ =	shalt  }
0x6e: {  	_ =	shalt  }
0x6f: {  	_ =	shalt  }
0x70: {  	_ =	shalt  }
0x71: {  	_ =	shalt  }
0x72: {  	_ =	shalt  }
0x73: {  	_ =	shalt  }
0x74: {  	_ =	shalt  }
0x75: {  	_ =	shalt  }
0x76: {  	_ =	shalt  }
0x77: {  	_ =	shalt  }
0x78: {  	_ =	shalt  }
0x79: {  	_ =	shalt  }
0x7a: {  	_ =	shalt  }
0x7b: {  	_ =	shalt  }
0x7c: {  	_ =	shalt  }
0x7d: {  	_ =	shalt  }
0x7e: {  	_ =	shalt  }
0x7f: {  	_ =	shalt  }
0x80: {  	_ =	shalt  }
0x81: {  	_ =	shalt  }
0x82: {  	_ =	shalt  }
0x83: {  	_ =	shalt  }
0x84: {  	_ =	shalt  }
0x85: {  	_ =	shalt  }
0x86: {  	_ =	shalt  }
0x87: {  	_ =	shalt  }
.Lfunc_end0:
.L_simem_size_0:
called_computation_lowered:
.L_overlay_start_0:
0x88: {  	s2 =	sld [smem:$0x3FD9]  }
0x89: {  	s3 =	sld [smem:$0x3FFE];
	_ =	sdelay $0x1  }
0x8a: {  	s1 =	srdreg.scid  }
0x8b: {  	s0 =	sand.u32 $0x1, s1  }
0x8c: {  	s17 =	sshll.u32 s0, $0xA;
	s2 =	sadd.s32 s3, s2  }
0x8d: {  	s2 =	sadd.s32 s2, s17  }
0x8e: {  	[smem:$0x3FC6] =	sst s2  }
0x8f: {  	_ = 	snop  }
0x90: {  	s2 =	sld [smem:$0x3FC9];
	(tm) =	ssettm $0x1  }
0x91: {  	s18 =	sld [smem:$0x3FFB];
	_ =	sdelay $0x3  }
0x92: {  	_ =	strace s18  }
0x93: {  	s3 =	sld [smem:$0x3FFC];
	_ =	sdelay $0x3  }
0x94: {  	_ =	strace s3  }
0x95: {  	s3 =	sld [smem:$0x3FFD];
	_ =	sdelay $0x3  }
0x96: {  	_ =	strace s3  }
0x97: {  	_ =	strace $0x8FFFFFFF  }
0x98: {  	s19 =	sld [smem:$0x3FDB];
	_ =	sdelay $0x1  }
0x99: {  	s4 =	simm.s32 $_scs_section_size  }
0x9a: {  	s5 =	simm.s32 $_size__tile_overlayer_lowered;
	s6 =	simm.s32 $_tile_overlayer_lowered  }
0x9b: {  	s22 =	simm.s32 $0x1BFF;
	s21 =	sshll.u32 s6, $0x1;
	s3 =	sadd.s32 s4, s19  }
0x9c: {  	s7 =	simm.s32 $0x0;
	s20 =	sshll.u32 s5, $0x1;
	s5 =	sadd.s32 s21, s3  }
0x9d: {  	[timem:s7], [sflag:s22] =	dma.local [hbm:s5], s20  }
0x9e: {  	_ =	swait.ge [sflag:s22], s20  }
0x9f: {  	s4 =	ssub.s32 $0x0, s20;
	[sflag:s22] =	ssyncset.done $0x0  }
0xa0: {  	[sflag:s22] =	ssyncadd.s32 s4;
	_ =	sdelay $0x1  }
0xa1: {  	s23 =	simm.s32 $0x1B8B  }
0xa2: {  	_ =	swait.ge [sflag:s23], $0x1  }
0xa3: {  	[sflag:s23] =	ssyncset.done $0x0  }
0xa4: {  	s25 =	simm.s32 $0x1B8E;
	s24 =	sld [smem:$0x3FFE];
	[sflag:s23] =	ssyncadd.s32 $0xFFFFFFFF  }
0xa5: {  	s26 =	simm.s32 $execute0_lowered;
	[smem:$0x3FD2] =	sst s25  }
0xa6: {  	s5 =	sshll.u32 s26, $0x1;
	_ =	strace $0x80000046;
	[dreg:$0x1] =	wrdreg $0xFFFFFFFF  }
0xa7: {  	s28 =	simm.s32 $_size_execute0_lowered;
	s3 =	sadd.s32 s3, s5;
	[dreg:$0x0] =	wrdreg $0x0  }
0xa8: {  	s5 =	sshll.u32 s28, $0x1;
	[dreg:$0x2] =	wrdreg s3  }
0xa9: {  	[dreg:$0x3] =	wrdreg s5  }
0xaa: {  	[dreg:$0x4] =	wrdreg $0xC0  }
0xab: {  	_ =	task [dreg:s7], $0x5FFFF  }
0xac: {  	[dreg:$0x1] =	wrdreg $0xFFFFFFFF  }
0xad: {  	[dreg:$0x0] =	wrdreg $0x60  }
0xae: {  	[dreg:$0x2] =	wrdreg s2  }
0xaf: {  	[dreg:$0x3] =	wrdreg s24  }
0xb0: {  	[dreg:$0x4] =	wrdreg $0x9  }
0xb1: {  	_ =	task.clear_ibuf [dreg:s7], $0x5FFFF;
	_ =	strace $0x90000046  }
0xb2: {  	s29 =	simm.s32 $0x9;
	_ =	strace $0x80000048  }
0xb3: {  	_ =	swait.ge [sflag:s29], $0x1  }
0xb4: {  	[sflag:s29] =	ssyncadd.s32 $0xFFFFFFFF  }
0xb5: {  	_ =	strace $0x90000048  }
0xb6: {  	_ =	sfence  }
0xb7: {  	s30 =	sld [smem:$0x0];
	_ =	sdelay $0x2  }
0xb8: {  	s31 =	sshll.u32 s1, $0xD;
	s1 =	sshrl.u32 s1, $0x2  }
0xb9: {  	s3 =	sand.u32 $0x4000, s31;
	s1 =	sadd.s32 s1, s30  }
0xba: {  	s0 =	sor.u32 s3, s0;
	s1 =	sshll.u32 s1, $0x11  }
0xbb: {  	s0 =	sor.u32 s1, s0  }
0xbc: {  	s0 =	sadd.s32 $0x8F2B, s0  }
0xbd: {  	[sflag:s0] =	ssyncadd.remote.s32 $0x1  }
0xbe: {  	_ =	sfence.sel $0xFFFF  }
0xbf: {  	[dreg:$0x0] =	wrdreg $0xFFFFFFFF;
	(pc) =	sbr.abs _section_cstart, $3  }
0xc0: {  	[dreg:$0x1] =	wrdreg $0xFFFFFFFF  }
0xc1: {  	_ =	task.clear_ibuf [dreg:s7], $0x2FFFF;
	_ =	strace $0x9FFFFFFF  }
0xc2: {  	(tm) =	ssettm $0x7FFFFFFF  }
0xc3: {  	_ =	shalt  }
tec
execute0_lowered:
.L_overlay_start_1:
0x0: {  	(tag) =	ssettag $0x1  }
0x1: {  	v0 =	vlaneseq.u32  }
0x2: {  	v6 =	vor.u32 $0x20, v0  }
0x3: {  	v8 =	vor.u32 $0x30, v0;
	[tilespmem:$0x1FC20] =	vst v6  }
0x4: {  	v10 =	vor.u32 $0x40, v0;
	[tilespmem:$0x1FC40] =	vst v8  }
0x5: {  	v12 =	vor.u32 $0x50, v0;
	[tilespmem:$0x1FC60] =	vst v10  }
0x6: {  	v14 =	vor.u32 $0x60, v0;
	[tilespmem:$0x1FC80] =	vst v12  }
0x7: {  	v16 =	vor.u32 $0x70, v0;
	[tilespmem:$0x1FCA0] =	vst v14  }
0x8: {  	v18 =	vor.u32 $0x80, v0;
	[tilespmem:$0x1FCC0] =	vst v16  }
0x9: {  	v20 =	vor.u32 $0x90, v0;
	[tilespmem:$0x1FCE0] =	vst v18  }
0xa: {  	v22 =	vor.u32 $0xA0, v0;
	[tilespmem:$0x1FD00] =	vst v20  }
0xb: {  	v24 =	vor.u32 $0xB0, v0;
	[tilespmem:$0x1FD20] =	vst v22  }
0xc: {  	v26 =	vor.u32 $0xC0, v0;
	[tilespmem:$0x1FD40] =	vst v24  }
0xd: {  	v28 =	vor.u32 $0xD0, v0;
	[tilespmem:$0x1FD60] =	vst v26  }
0xe: {  	v30 =	vor.u32 $0xE0, v0;
	[tilespmem:$0x1FD80] =	vst v28  }
0xf: {  	v32 =	vor.u32 $0xF0, v0;
	[tilespmem:$0x1FDA0] =	vst v30  }
0x10: {  	v2 =	vmul.u32 $0x20, v0;
	v34 =	vor.u32 $0x100, v0;
	[tilespmem:$0x1FDC0] =	vst v32  }
0x11: {  	v36 =	vor.u32 $0x110, v0;
	[tilespmem:$0x1FDE0] =	vst v34  }
0x12: {  	[tilespmem:$0x1FE00] =	vst v36;
	v1 =	vor.u32 $0x400, v2  }
0x13: {  	v7 =	vor.u32 $0x600, v2;
	[tilespmem:$0x1FC10] =	vst v1  }
0x14: {  	v9 =	vor.u32 $0x800, v2;
	[tilespmem:$0x1FC30] =	vst v7  }
0x15: {  	v11 =	vor.u32 $0xA00, v2;
	[tilespmem:$0x1FC50] =	vst v9  }
0x16: {  	v13 =	vor.u32 $0xC00, v2;
	[tilespmem:$0x1FC70] =	vst v11  }
0x17: {  	v15 =	vor.u32 $0xE00, v2;
	[tilespmem:$0x1FC90] =	vst v13  }
0x18: {  	v17 =	vor.u32 $0x1000, v2;
	[tilespmem:$0x1FCB0] =	vst v15  }
0x19: {  	v19 =	vor.u32 $0x1200, v2;
	[tilespmem:$0x1FCD0] =	vst v17  }
0x1a: {  	v21 =	vor.u32 $0x1400, v2;
	[tilespmem:$0x1FCF0] =	vst v19  }
0x1b: {  	v23 =	vor.u32 $0x1600, v2;
	[tilespmem:$0x1FD10] =	vst v21  }
0x1c: {  	v25 =	vor.u32 $0x1800, v2;
	[tilespmem:$0x1FD30] =	vst v23  }
0x1d: {  	v27 =	vor.u32 $0x1A00, v2;
	[tilespmem:$0x1FD50] =	vst v25  }
0x1e: {  	v29 =	vor.u32 $0x1C00, v2;
	[tilespmem:$0x1FD70] =	vst v27  }
0x1f: {  	v31 =	vor.u32 $0x1E00, v2;
	[tilespmem:$0x1FD90] =	vst v29  }
0x20: {  	v33 =	vor.u32 $0x2000, v2;
	[tilespmem:$0x1FDB0] =	vst v31  }
0x21: {  	s0 =	rddreg [dreg:$0x0];
	v35 =	vor.u32 $0x2200, v2;
	[tilespmem:$0x1FDD0] =	vst v33  }
0x22: {  	s11 =	rddreg [dreg:$0x1];
	s3 =	simm.s32 $0x0;
	v37 =	vor.u32 $0x2400, v2;
	[tilespmem:$0x1FDF0] =	vst v35  }
0x23: {  	[smem:$0x7FF] =	sst s3;
	v38 =	vor.u32 $0x120, v0;
	[tilespmem:$0x1FE10] =	vst v37  }
0x24: {  	s1 =	rddreg [dreg:$0x2];
	v39 =	vor.u32 $0x2600, v2;
	_ =	strace $0x80000047;
	[tilespmem:$0x1FE20] =	vst v38  }
0x25: {  	v40 =	vor.u32 $0x130, v0;
	[tilespmem:$0x1FE30] =	vst v39  }
0x26: {  	v41 =	vor.u32 $0x2800, v2;
	[tilespmem:$0x1FE40] =	vst v40  }
0x27: {  	v42 =	vor.u32 $0x140, v0;
	[tilespmem:$0x1FE50] =	vst v41  }
0x28: {  	v43 =	vor.u32 $0x2A00, v2;
	[tilespmem:$0x1FE60] =	vst v42  }
0x29: {  	v44 =	vor.u32 $0x150, v0;
	[tilespmem:$0x1FE70] =	vst v43  }
0x2a: {  	v45 =	vor.u32 $0x2C00, v2;
	[tilespmem:$0x1FE80] =	vst v44  }
0x2b: {  	v46 =	vor.u32 $0x160, v0;
	[tilespmem:$0x1FE90] =	vst v45  }
0x2c: {  	v47 =	vor.u32 $0x2E00, v2;
	[tilespmem:$0x1FEA0] =	vst v46  }
0x2d: {  	v48 =	vor.u32 $0x170, v0;
	[tilespmem:$0x1FEB0] =	vst v47  }
0x2e: {  	v49 =	vor.u32 $0x3000, v2;
	[tilespmem:$0x1FEC0] =	vst v48  }
0x2f: {  	v50 =	vor.u32 $0x180, v0;
	[tilespmem:$0x1FED0] =	vst v49  }
0x30: {  	v51 =	vor.u32 $0x3200, v2;
	[tilespmem:$0x1FEE0] =	vst v50  }
0x31: {  	v52 =	vor.u32 $0x190, v0;
	[tilespmem:$0x1FEF0] =	vst v51  }
0x32: {  	v53 =	vor.u32 $0x3400, v2;
	[tilespmem:$0x1FF00] =	vst v52  }
0x33: {  	v54 =	vor.u32 $0x1A0, v0;
	[tilespmem:$0x1FF10] =	vst v53  }
0x34: {  	v55 =	vor.u32 $0x3600, v2;
	[tilespmem:$0x1FF20] =	vst v54  }
0x35: {  	v56 =	vor.u32 $0x1B0, v0;
	[tilespmem:$0x1FF30] =	vst v55  }
0x36: {  	v57 =	vor.u32 $0x3800, v2;
	[tilespmem:$0x1FF40] =	vst v56  }
0x37: {  	s4 =	srdreg.scid;
	v58 =	vor.u32 $0x1C0, v0;
	[tilespmem:$0x1FF50] =	vst v57  }
0x38: {  	s2 =	stileid.u32;
	s13 =	simm.s32 $0x5;
	s14 =	simm.s32 $0x200;
	v59 =	vor.u32 $0x3A00, v2;
	[tilespmem:$0x1FF60] =	vst v58  }
0x39: {  	s15 =	simm.s32 $0x400;
	s16 =	simm.s32 $0x4400;
	s17 =	simm.s32 $0x1;
	v60 =	vor.u32 $0x1D0, v0;
	[tilespmem:$0x1FF70] =	vst v59  }
0x3a: {  	s18 =	simm.s32 $0x8400;
	s19 =	simm.s32 $0x4000;
	s20 =	simm.s32 $0x2;
	v61 =	vor.u32 $0x3C00, v2;
	[tilespmem:$0x1FF80] =	vst v60  }
0x3b: {  	s21 =	simm.s32 $0x4;
	s22 =	simm.s32 $0xC400;
	s23 =	simm.s32 $0x3;
	v62 =	vor.u32 $0x1E0, v0;
	[tilespmem:$0x1FF90] =	vst v61  }
0x3c: {  	s24 =	simm.s32 $0x0;
	s6 =	sand.u32 $0x1, s4;
	s31 =	sshll.u32 s2, $0xA;
	v63 =	vor.u32 $0x3E00, v2;
	[tilespmem:$0x1FFA0] =	vst v62  }
.Ltmp0:
0x3d: {  	v5 =	vor.u32 $0x10, v0;
	s5 =	sshll.u32 s6, $0x9;
	s8 =	ssub.s32 $0x2, s6;
	[tilespmem:$0x1FFB0] =	vst v63;
	(pc) =	sbr.rel .LBB2_1-.Ltmp0, $4  }
0x3e: {  	v3 =	vor.u32 $0x1F0, v0;
	s6 =	sadd.s32 $0x400, s11;
	s4 =	sor.u32 s5, s31;
	s5 =	sadd.s32 $0xF42800, s11;
	[tilespmem:$0x1FFC0] =	vst v5  }
0x3f: {  	s9 =	sshrl.u32 s8, $0x1;
	s11 =	sadd.s32 $0x10400, s11;
	s7 =	sshrl.u32 s4, $0x3;
	[tilespmem:$0x1FFD0] =	vst v3  }
0x40: {  	v4 =	vor.u32 $0x200, v2;
	s12 =	ssub.s32 s8, s9;
	s9 =	sor.u32 $0x8000, s4;
	s7 =	sadd.s32 s0, s7;
	[tilespmem:$0x1FFE0] =	vst v2  }
0x41: {  	s10 =	sor.u32 $0xC000, s4;
	s12 =	smax.u32 s12, $0x1;
	[tilespmem:$0x1FFF0] =	vst v4;
	s8 =	sadd.s32 $0x800, s7  }
.LBB2_12:
0x42: {  	s24 =	sadd.s32 $0x1, s24  }
0x43: {  	_ =	swait.ge [sflag:s23], $0x4000;
	p0 =	sne.s32 s24, s12  }
.Ltmp1:
0x44: {  	[sflag:s23] =	ssyncset.done $0x0;
	(pc) =	sbr.rel @!p0 .LBB2_13-.Ltmp1, $4  }
0x45: {  	[sflag:s23] =	ssyncadd.s32 $0xFFFFC000  }
0x46: {  	_ =	swait.ge [sflag:s21], $0x4000  }
0x47: {  	[sflag:s21] =	ssyncset.done $0x0  }
0x48: {  	[sflag:s21] =	ssyncadd.s32 $0xFFFFC000  }
.LBB2_1:
0x49: {  	[tilespmem:s3], [sflag:$0x5] =	stream.linear.gather [hbm4b:s7+s3], $0x200, $0x38;
	[tilespmem:$0x10400] =	vst v63  }
0x4a: {  	_ =	swait.ge [sflag:s13], $0x200  }
0x4b: {  	[sflag:s13] =	ssyncset.done $0x0  }
0x4c: {  	[sflag:s13] =	ssyncadd.s32 $0xFFFFFE00  }
0x4d: {  	[tilespmem:s15], [sflag:$0x1] =	stream.indirect.gather [hbm4b:s5+s14], $0x20, s3, s14, $0xb8;
	[tilespmem:$0x10400] =	vst v63  }
0x4e: {  	_ = 	snop  }
0x4f: {  	[tilespmem:s14], [sflag:$0x5] =	stream.linear.gather [hbm4b:s8+s3], $0x200, $0x38;
	[tilespmem:$0x10400] =	vst v63  }
0x50: {  	_ =	swait.ge [sflag:s13], $0x200  }
0x51: {  	[sflag:s13] =	ssyncset.done $0x0  }
0x52: {  	s25 =	simm.s32 $0x0;
	[sflag:s13] =	ssyncadd.s32 $0xFFFFFE00  }
0x53: {  	[tilespmem:s16], [sflag:$0x2] =	stream.indirect.gather [hbm4b:s5+s14], $0x20, s14, s14, $0xb8;
	[tilespmem:$0x10400] =	vst v63  }
.LBB2_2:
0x54: {  	_ =	swait.ge [sflag:s17], $0x4000  }
0x55: {  	p0 =	seq.s32 s25, $0x0;
	[sflag:s17] =	ssyncset.done $0x0  }
0x56: {  	s28 =	simm.s32 @!p0 $0x3;
	[sflag:s17] =	ssyncadd.s32 $0xFFFFC000  }
0x57: {  	_ =	swait.ge @!p0 [sflag:s28], $0x4000  }
0x58: {  	[sflag:s28] =	ssyncset.done @!p0 $0x0  }
0x59: {  	s26 =	sshll.u32 s25, $0xF;
	[sflag:s28] =	ssyncadd.s32 @!p0 $0xFFFFC000;
	s28 =	simm.s32 $0x0  }
.LBB2_3:
0x5a: {  	v2 =	vld [tilespmem:$0x1FFE0];
	_ =	sdelay $0x1  }
0x5b: {  	v0 =	vlaneseq.u32  }
0x5c: {  	v0 =	vadd.s32 s28, v0  }
0x5d: {  	v1 =	vand.u32 $0x1F, v0  }
0x5e: {  	v2 =	vor.u32 v2, v1  }
0x5f: {  	v4 =	vld [tilespmem:$0x1FFF0];
	_ =	sdelay $0x1  }
0x60: {  	v0 =	vshll.u32 v0, $0x9  }
0x61: {  	v3 =	vlaneseq.u32;
	v0 =	vand.u32 $0x3E00, v0  }
0x62: {  	v3 =	vor.u32 v3, v0;
	v2 =	vld.idx.msk [tilespmem:v2+s15+$0x0], $0xffff  }
0x63: {  	v33 =	vld [tilespmem:$0x1FFC0];
	v4 =	vor.u32 v4, v1  }
0x64: {  	v55 =	vld [tilespmem:$0x1FC10];
	_ =	sdelay $0x2  }
0x65: {  	[tilespmem:v3+s18+$0x0] =	vst.idx.msk $0xffff, v2  }
0x66: {  	v3 =	vor.u32 v33, v0;
	v2 =	vld.idx.msk [tilespmem:v4+s15+$0x0], $0xffff  }
0x67: {  	v63 =	vld [tilespmem:$0x1FC20];
	v34 =	vor.u32 v55, v1  }
0x68: {  	v62 =	vld [tilespmem:$0x1FC30];
	_ =	sdelay $0x2  }
0x69: {  	[tilespmem:v3+s18+$0x0] =	vst.idx.msk $0xffff, v2  }
0x6a: {  	v35 =	vor.u32 v63, v0;
	v2 =	vld.idx.msk [tilespmem:v34+s15+$0x0], $0xffff  }
0x6b: {  	v61 =	vld [tilespmem:$0x1FC40];
	v36 =	vor.u32 v62, v1  }
0x6c: {  	v60 =	vld [tilespmem:$0x1FC50];
	_ =	sdelay $0x2  }
0x6d: {  	[tilespmem:v35+s18+$0x0] =	vst.idx.msk $0xffff, v2  }
0x6e: {  	v37 =	vor.u32 v61, v0;
	v2 =	vld.idx.msk [tilespmem:v36+s15+$0x0], $0xffff  }
0x6f: {  	v59 =	vld [tilespmem:$0x1FC60];
	v38 =	vor.u32 v60, v1  }
0x70: {  	v58 =	vld [tilespmem:$0x1FC70];
	_ =	sdelay $0x2  }
0x71: {  	[tilespmem:v37+s18+$0x0] =	vst.idx.msk $0xffff, v2  }
0x72: {  	v39 =	vor.u32 v59, v0;
	v2 =	vld.idx.msk [tilespmem:v38+s15+$0x0], $0xffff  }
0x73: {  	v57 =	vld [tilespmem:$0x1FC80];
	v40 =	vor.u32 v58, v1  }
0x74: {  	v56 =	vld [tilespmem:$0x1FC90];
	_ =	sdelay $0x2  }
0x75: {  	[tilespmem:v39+s18+$0x0] =	vst.idx.msk $0xffff, v2  }
0x76: {  	v41 =	vor.u32 v57, v0;
	v2 =	vld.idx.msk [tilespmem:v40+s15+$0x0], $0xffff  }
0x77: {  	v54 =	vld [tilespmem:$0x1FCA0];
	v42 =	vor.u32 v56, v1  }
0x78: {  	v53 =	vld [tilespmem:$0x1FCB0];
	_ =	sdelay $0x2  }
0x79: {  	[tilespmem:v41+s18+$0x0] =	vst.idx.msk $0xffff, v2  }
0x7a: {  	v43 =	vor.u32 v54, v0;
	v2 =	vld.idx.msk [tilespmem:v42+s15+$0x0], $0xffff  }
0x7b: {  	v52 =	vld [tilespmem:$0x1FCC0];
	v44 =	vor.u32 v53, v1  }
0x7c: {  	v51 =	vld [tilespmem:$0x1FCD0];
	_ =	sdelay $0x2  }
0x7d: {  	[tilespmem:v43+s18+$0x0] =	vst.idx.msk $0xffff, v2  }
0x7e: {  	v45 =	vor.u32 v52, v0;
	v2 =	vld.idx.msk [tilespmem:v44+s15+$0x0], $0xffff  }
0x7f: {  	v50 =	vld [tilespmem:$0x1FCE0];
	v46 =	vor.u32 v51, v1;
	_ =	sdelay $0x3  }
0x80: {  	v49 =	vld [tilespmem:$0x1FCF0];
	[tilespmem:v45+s18+$0x0] =	vst.idx.msk $0xffff, v2  }
0x81: {  	v47 =	vor.u32 v50, v0;
	v2 =	vld.idx.msk [tilespmem:v46+s15+$0x0], $0xffff;
	_ =	sdelay $0x3  }
0x82: {  	v48 =	vld [tilespmem:$0x1FD00];
	v8 =	vor.u32 v49, v1  }
0x83: {  	[tilespmem:v47+s18+$0x0] =	vst.idx.msk $0xffff, v2;
	v47 =	vld [tilespmem:$0x1FD10];
	_ =	sdelay $0x3  }
0x84: {  	v9 =	vor.u32 v48, v0;
	v2 =	vld.idx.msk [tilespmem:v8+s15+$0x0], $0xffff  }
0x85: {  	v46 =	vld [tilespmem:$0x1FD20];
	v10 =	vor.u32 v47, v1  }
0x86: {  	v45 =	vld [tilespmem:$0x1FD30];
	_ =	sdelay $0x2  }
0x87: {  	[tilespmem:v9+s18+$0x0] =	vst.idx.msk $0xffff, v2  }
0x88: {  	v11 =	vor.u32 v46, v0;
	v2 =	vld.idx.msk [tilespmem:v10+s15+$0x0], $0xffff  }
0x89: {  	v44 =	vld [tilespmem:$0x1FD40];
	v12 =	vor.u32 v45, v1  }
0x8a: {  	v43 =	vld [tilespmem:$0x1FD50];
	_ =	sdelay $0x2  }
0x8b: {  	[tilespmem:v11+s18+$0x0] =	vst.idx.msk $0xffff, v2  }
0x8c: {  	v13 =	vor.u32 v44, v0;
	v2 =	vld.idx.msk [tilespmem:v12+s15+$0x0], $0xffff  }
0x8d: {  	v42 =	vld [tilespmem:$0x1FD60];
	v14 =	vor.u32 v43, v1  }
0x8e: {  	v41 =	vld [tilespmem:$0x1FD70];
	_ =	sdelay $0x2  }
0x8f: {  	[tilespmem:v13+s18+$0x0] =	vst.idx.msk $0xffff, v2  }
0x90: {  	v15 =	vor.u32 v42, v0;
	v2 =	vld.idx.msk [tilespmem:v14+s15+$0x0], $0xffff  }
0x91: {  	v40 =	vld [tilespmem:$0x1FD80];
	v16 =	vor.u32 v41, v1  }
0x92: {  	v39 =	vld [tilespmem:$0x1FD90];
	_ =	sdelay $0x2  }
0x93: {  	[tilespmem:v15+s18+$0x0] =	vst.idx.msk $0xffff, v2  }
0x94: {  	v17 =	vor.u32 v40, v0;
	v2 =	vld.idx.msk [tilespmem:v16+s15+$0x0], $0xffff  }
0x95: {  	v38 =	vld [tilespmem:$0x1FDA0];
	v18 =	vor.u32 v39, v1  }
0x96: {  	v37 =	vld [tilespmem:$0x1FDB0];
	_ =	sdelay $0x2  }
0x97: {  	[tilespmem:v17+s18+$0x0] =	vst.idx.msk $0xffff, v2  }
0x98: {  	v19 =	vor.u32 v38, v0;
	v2 =	vld.idx.msk [tilespmem:v18+s15+$0x0], $0xffff  }
0x99: {  	v20 =	vor.u32 v37, v1;
	v13 =	vld [tilespmem:$0x1FDC0]  }
0x9a: {  	v14 =	vld [tilespmem:$0x1FDD0];
	_ =	sdelay $0x2  }
0x9b: {  	[tilespmem:v19+s18+$0x0] =	vst.idx.msk $0xffff, v2  }
0x9c: {  	v21 =	vor.u32 v13, v0;
	v2 =	vld.idx.msk [tilespmem:v20+s15+$0x0], $0xffff  }
0x9d: {  	v22 =	vor.u32 v14, v1;
	v15 =	vld [tilespmem:$0x1FDE0]  }
0x9e: {  	v16 =	vld [tilespmem:$0x1FDF0];
	_ =	sdelay $0x2  }
0x9f: {  	[tilespmem:v21+s18+$0x0] =	vst.idx.msk $0xffff, v2  }
0xa0: {  	v23 =	vor.u32 v15, v0;
	v2 =	vld.idx.msk [tilespmem:v22+s15+$0x0], $0xffff  }
0xa1: {  	v24 =	vor.u32 v16, v1;
	v17 =	vld [tilespmem:$0x1FE00]  }
0xa2: {  	v18 =	vld [tilespmem:$0x1FE10];
	_ =	sdelay $0x2  }
0xa3: {  	[tilespmem:v23+s18+$0x0] =	vst.idx.msk $0xffff, v2  }
0xa4: {  	v25 =	vor.u32 v17, v0;
	v2 =	vld.idx.msk [tilespmem:v24+s15+$0x0], $0xffff  }
0xa5: {  	v26 =	vor.u32 v18, v1;
	v19 =	vld [tilespmem:$0x1FE20]  }
0xa6: {  	v20 =	vld [tilespmem:$0x1FE30];
	_ =	sdelay $0x2  }
0xa7: {  	[tilespmem:v25+s18+$0x0] =	vst.idx.msk $0xffff, v2  }
0xa8: {  	v27 =	vor.u32 v19, v0;
	v2 =	vld.idx.msk [tilespmem:v26+s15+$0x0], $0xffff  }
0xa9: {  	v28 =	vor.u32 v20, v1;
	v21 =	vld [tilespmem:$0x1FE40]  }
0xaa: {  	v22 =	vld [tilespmem:$0x1FE50];
	_ =	sdelay $0x2  }
0xab: {  	[tilespmem:v27+s18+$0x0] =	vst.idx.msk $0xffff, v2  }
0xac: {  	v29 =	vor.u32 v21, v0;
	v2 =	vld.idx.msk [tilespmem:v28+s15+$0x0], $0xffff  }
0xad: {  	v30 =	vor.u32 v22, v1;
	v23 =	vld [tilespmem:$0x1FE60]  }
0xae: {  	v24 =	vld [tilespmem:$0x1FE70];
	_ =	sdelay $0x2  }
0xaf: {  	[tilespmem:v29+s18+$0x0] =	vst.idx.msk $0xffff, v2  }
0xb0: {  	v31 =	vor.u32 v23, v0;
	v2 =	vld.idx.msk [tilespmem:v30+s15+$0x0], $0xffff  }
0xb1: {  	v32 =	vor.u32 v24, v1;
	v25 =	vld [tilespmem:$0x1FE80]  }
0xb2: {  	v26 =	vld [tilespmem:$0x1FE90];
	_ =	sdelay $0x2  }
0xb3: {  	[tilespmem:v31+s18+$0x0] =	vst.idx.msk $0xffff, v2  }
0xb4: {  	v33 =	vor.u32 v25, v0;
	v2 =	vld.idx.msk [tilespmem:v32+s15+$0x0], $0xffff  }
0xb5: {  	v34 =	vor.u32 v26, v1;
	v27 =	vld [tilespmem:$0x1FEA0]  }
0xb6: {  	v28 =	vld [tilespmem:$0x1FEB0];
	_ =	sdelay $0x2  }
0xb7: {  	[tilespmem:v33+s18+$0x0] =	vst.idx.msk $0xffff, v2  }
0xb8: {  	v35 =	vor.u32 v27, v0;
	v2 =	vld.idx.msk [tilespmem:v34+s15+$0x0], $0xffff  }
0xb9: {  	v36 =	vor.u32 v28, v1;
	v29 =	vld [tilespmem:$0x1FEC0]  }
0xba: {  	v30 =	vld [tilespmem:$0x1FED0];
	_ =	sdelay $0x2  }
0xbb: {  	[tilespmem:v35+s18+$0x0] =	vst.idx.msk $0xffff, v2  }
0xbc: {  	v8 =	vor.u32 v29, v0;
	v2 =	vld.idx.msk [tilespmem:v36+s15+$0x0], $0xffff  }
0xbd: {  	v9 =	vor.u32 v30, v1;
	v31 =	vld [tilespmem:$0x1FEE0]  }
0xbe: {  	v32 =	vld [tilespmem:$0x1FEF0];
	_ =	sdelay $0x2  }
0xbf: {  	[tilespmem:v8+s18+$0x0] =	vst.idx.msk $0xffff, v2  }
0xc0: {  	v10 =	vor.u32 v31, v0;
	v2 =	vld.idx.msk [tilespmem:v9+s15+$0x0], $0xffff  }
0xc1: {  	v11 =	vor.u32 v32, v1;
	v33 =	vld [tilespmem:$0x1FF00]  }
0xc2: {  	v34 =	vld [tilespmem:$0x1FF10];
	_ =	sdelay $0x2  }
0xc3: {  	[tilespmem:v10+s18+$0x0] =	vst.idx.msk $0xffff, v2  }
0xc4: {  	v12 =	vor.u32 v33, v0;
	v2 =	vld.idx.msk [tilespmem:v11+s15+$0x0], $0xffff  }
0xc5: {  	v35 =	vor.u32 v34, v1;
	_ =	sdelay $0x3  }
0xc6: {  	[tilespmem:v12+s18+$0x0] =	vst.idx.msk $0xffff, v2  }
0xc7: {  	v2 =	vld.idx.msk [tilespmem:v35+s15+$0x0], $0xffff  }
0xc8: {  	v35 =	vld [tilespmem:$0x1FF20]  }
0xc9: {  	v8 =	vld [tilespmem:$0x1FF30];
	_ =	sdelay $0x3  }
0xca: {  	v36 =	vor.u32 v35, v0  }
0xcb: {  	v9 =	vld [tilespmem:$0x1FF40];
	v12 =	vor.u32 v8, v1  }
0xcc: {  	v10 =	vld [tilespmem:$0x1FF50];
	_ =	sdelay $0x2  }
0xcd: {  	[tilespmem:v36+s18+$0x0] =	vst.idx.msk $0xffff, v2  }
0xce: {  	v36 =	vor.u32 v9, v0;
	v2 =	vld.idx.msk [tilespmem:v12+s15+$0x0], $0xffff  }
0xcf: {  	v11 =	vld [tilespmem:$0x1FF60];
	v12 =	vor.u32 v10, v1  }
0xd0: {  	v7 =	vld [tilespmem:$0x1FF70];
	_ =	sdelay $0x2  }
0xd1: {  	[tilespmem:v36+s18+$0x0] =	vst.idx.msk $0xffff, v2  }
0xd2: {  	v36 =	vor.u32 v11, v0;
	v2 =	vld.idx.msk [tilespmem:v12+s15+$0x0], $0xffff  }
0xd3: {  	v12 =	vor.u32 v7, v1;
	_ =	sdelay $0x3  }
0xd4: {  	[tilespmem:v36+s18+$0x0] =	vst.idx.msk $0xffff, v2  }
0xd5: {  	v2 =	vld.idx.msk [tilespmem:v12+s15+$0x0], $0xffff  }
0xd6: {  	v12 =	vld [tilespmem:$0x1FF80]  }
0xd7: {  	v6 =	vld [tilespmem:$0x1FF90];
	_ =	sdelay $0x3  }
0xd8: {  	v3 =	vor.u32 v12, v0  }
0xd9: {  	v36 =	vor.u32 v6, v1  }
0xda: {  	v5 =	vld [tilespmem:$0x1FFA0];
	_ =	sdelay $0x2  }
0xdb: {  	[tilespmem:v3+s18+$0x0] =	vst.idx.msk $0xffff, v2  }
0xdc: {  	v2 =	vld.idx.msk [tilespmem:v36+s15+$0x0], $0xffff  }
0xdd: {  	v3 =	vor.u32 v5, v0;
	v36 =	vld [tilespmem:$0x1FFB0];
	_ =	sdelay $0x4  }
0xde: {  	s29 =	sadd.s32 $0x1, s28;
	v4 =	vlaneseq.u32;
	v1 =	vor.u32 v36, v1;
	[tilespmem:v3+s18+$0x0] =	vst.idx.msk $0xffff, v2;
	v3 =	vld [tilespmem:$0x1FFD0]  }
0xdf: {  	v2 =	vadd.s32 s29, v4;
	v4 =	vld [tilespmem:$0x1FFE0];
	_ =	sdelay $0x3  }
0xe0: {  	v1 =	vld.idx.msk [tilespmem:v1+s15+$0x0], $0xffff;
	v0 =	vor.u32 v3, v0;
	v3 =	vand.u32 $0x1F, v2  }
0xe1: {  	v4 =	vor.u32 v4, v3;
	_ =	sdelay $0x3  }
0xe2: {  	v2 =	vshll.u32 v2, $0x9;
	[tilespmem:v0+s18+$0x0] =	vst.idx.msk $0xffff, v1  }
0xe3: {  	v0 =	vand.u32 $0x3E00, v2;
	v1 =	vld.idx.msk [tilespmem:v4+s15+$0x0], $0xffff;
	v4 =	vlaneseq.u32  }
0xe4: {  	v2 =	vor.u32 v4, v0;
	v4 =	vld [tilespmem:$0x1FFF0];
	_ =	sdelay $0x4  }
0xe5: {  	v4 =	vor.u32 v4, v3;
	_ =	sdelay $0x3  }
0xe6: {  	[tilespmem:v2+s18+$0x0] =	vst.idx.msk $0xffff, v1  }
0xe7: {  	v1 =	vld.idx.msk [tilespmem:v4+s15+$0x0], $0xffff  }
0xe8: {  	v4 =	vld [tilespmem:$0x1FFC0];
	_ =	sdelay $0x4  }
0xe9: {  	v2 =	vor.u32 v4, v0  }
0xea: {  	v4 =	vor.u32 v55, v3;
	_ =	sdelay $0x3  }
0xeb: {  	[tilespmem:v2+s18+$0x0] =	vst.idx.msk $0xffff, v1  }
0xec: {  	v2 =	vor.u32 v63, v0;
	v1 =	vld.idx.msk [tilespmem:v4+s15+$0x0], $0xffff  }
0xed: {  	v4 =	vor.u32 v62, v3;
	_ =	sdelay $0x3  }
0xee: {  	[tilespmem:v2+s18+$0x0] =	vst.idx.msk $0xffff, v1  }
0xef: {  	v2 =	vor.u32 v61, v0;
	v1 =	vld.idx.msk [tilespmem:v4+s15+$0x0], $0xffff  }
0xf0: {  	v4 =	vor.u32 v60, v3;
	_ =	sdelay $0x3  }
0xf1: {  	[tilespmem:v2+s18+$0x0] =	vst.idx.msk $0xffff, v1  }
0xf2: {  	v2 =	vor.u32 v59, v0;
	v1 =	vld.idx.msk [tilespmem:v4+s15+$0x0], $0xffff  }
0xf3: {  	v4 =	vor.u32 v58, v3;
	_ =	sdelay $0x3  }
0xf4: {  	[tilespmem:v2+s18+$0x0] =	vst.idx.msk $0xffff, v1  }
0xf5: {  	v2 =	vor.u32 v57, v0;
	v1 =	vld.idx.msk [tilespmem:v4+s15+$0x0], $0xffff  }
0xf6: {  	v4 =	vor.u32 v56, v3;
	_ =	sdelay $0x3  }
0xf7: {  	[tilespmem:v2+s18+$0x0] =	vst.idx.msk $0xffff, v1  }
0xf8: {  	v2 =	vor.u32 v54, v0;
	v1 =	vld.idx.msk [tilespmem:v4+s15+$0x0], $0xffff  }
0xf9: {  	v4 =	vor.u32 v53, v3;
	_ =	sdelay $0x3  }
0xfa: {  	[tilespmem:v2+s18+$0x0] =	vst.idx.msk $0xffff, v1  }
0xfb: {  	v2 =	vor.u32 v52, v0;
	v1 =	vld.idx.msk [tilespmem:v4+s15+$0x0], $0xffff  }
0xfc: {  	v4 =	vor.u32 v51, v3;
	_ =	sdelay $0x3  }
0xfd: {  	[tilespmem:v2+s18+$0x0] =	vst.idx.msk $0xffff, v1  }
0xfe: {  	v2 =	vor.u32 v50, v0;
	v1 =	vld.idx.msk [tilespmem:v4+s15+$0x0], $0xffff  }
0xff: {  	v4 =	vor.u32 v49, v3;
	_ =	sdelay $0x3  }
0x100: {  	[tilespmem:v2+s18+$0x0] =	vst.idx.msk $0xffff, v1  }
0x101: {  	v2 =	vor.u32 v48, v0;
	v1 =	vld.idx.msk [tilespmem:v4+s15+$0x0], $0xffff  }
0x102: {  	v4 =	vor.u32 v47, v3;
	_ =	sdelay $0x3  }
0x103: {  	[tilespmem:v2+s18+$0x0] =	vst.idx.msk $0xffff, v1  }
0x104: {  	v2 =	vor.u32 v46, v0;
	v1 =	vld.idx.msk [tilespmem:v4+s15+$0x0], $0xffff  }
0x105: {  	v4 =	vor.u32 v45, v3;
	_ =	sdelay $0x3  }
0x106: {  	[tilespmem:v2+s18+$0x0] =	vst.idx.msk $0xffff, v1  }
0x107: {  	v2 =	vor.u32 v44, v0;
	v1 =	vld.idx.msk [tilespmem:v4+s15+$0x0], $0xffff  }
0x108: {  	v4 =	vor.u32 v43, v3;
	_ =	sdelay $0x3  }
0x109: {  	[tilespmem:v2+s18+$0x0] =	vst.idx.msk $0xffff, v1  }
0x10a: {  	v2 =	vor.u32 v42, v0;
	v1 =	vld.idx.msk [tilespmem:v4+s15+$0x0], $0xffff  }
0x10b: {  	v4 =	vor.u32 v41, v3;
	_ =	sdelay $0x3  }
0x10c: {  	[tilespmem:v2+s18+$0x0] =	vst.idx.msk $0xffff, v1  }
0x10d: {  	v2 =	vor.u32 v40, v0;
	v1 =	vld.idx.msk [tilespmem:v4+s15+$0x0], $0xffff  }
0x10e: {  	v4 =	vor.u32 v39, v3;
	_ =	sdelay $0x3  }
0x10f: {  	[tilespmem:v2+s18+$0x0] =	vst.idx.msk $0xffff, v1  }
0x110: {  	v2 =	vor.u32 v38, v0;
	v1 =	vld.idx.msk [tilespmem:v4+s15+$0x0], $0xffff  }
0x111: {  	v4 =	vor.u32 v37, v3;
	_ =	sdelay $0x3  }
0x112: {  	[tilespmem:v2+s18+$0x0] =	vst.idx.msk $0xffff, v1  }
0x113: {  	v2 =	vor.u32 v13, v0;
	v1 =	vld.idx.msk [tilespmem:v4+s15+$0x0], $0xffff  }
0x114: {  	v4 =	vor.u32 v14, v3;
	_ =	sdelay $0x3  }
0x115: {  	[tilespmem:v2+s18+$0x0] =	vst.idx.msk $0xffff, v1  }
0x116: {  	v2 =	vor.u32 v15, v0;
	v1 =	vld.idx.msk [tilespmem:v4+s15+$0x0], $0xffff  }
0x117: {  	v4 =	vor.u32 v16, v3;
	_ =	sdelay $0x3  }
0x118: {  	[tilespmem:v2+s18+$0x0] =	vst.idx.msk $0xffff, v1  }
0x119: {  	v2 =	vor.u32 v17, v0;
	v1 =	vld.idx.msk [tilespmem:v4+s15+$0x0], $0xffff  }
0x11a: {  	v4 =	vor.u32 v18, v3;
	_ =	sdelay $0x3  }
0x11b: {  	[tilespmem:v2+s18+$0x0] =	vst.idx.msk $0xffff, v1  }
0x11c: {  	v2 =	vor.u32 v19, v0;
	v1 =	vld.idx.msk [tilespmem:v4+s15+$0x0], $0xffff  }
0x11d: {  	v4 =	vor.u32 v20, v3;
	_ =	sdelay $0x3  }
0x11e: {  	[tilespmem:v2+s18+$0x0] =	vst.idx.msk $0xffff, v1  }
0x11f: {  	v2 =	vor.u32 v21, v0;
	v1 =	vld.idx.msk [tilespmem:v4+s15+$0x0], $0xffff  }
0x120: {  	v4 =	vor.u32 v22, v3;
	_ =	sdelay $0x3  }
0x121: {  	[tilespmem:v2+s18+$0x0] =	vst.idx.msk $0xffff, v1  }
0x122: {  	v2 =	vor.u32 v23, v0;
	v1 =	vld.idx.msk [tilespmem:v4+s15+$0x0], $0xffff  }
0x123: {  	v4 =	vor.u32 v24, v3;
	_ =	sdelay $0x3  }
0x124: {  	[tilespmem:v2+s18+$0x0] =	vst.idx.msk $0xffff, v1  }
0x125: {  	v2 =	vor.u32 v25, v0;
	v1 =	vld.idx.msk [tilespmem:v4+s15+$0x0], $0xffff  }
0x126: {  	v4 =	vor.u32 v26, v3;
	_ =	sdelay $0x3  }
0x127: {  	[tilespmem:v2+s18+$0x0] =	vst.idx.msk $0xffff, v1  }
0x128: {  	v2 =	vor.u32 v27, v0;
	v1 =	vld.idx.msk [tilespmem:v4+s15+$0x0], $0xffff  }
0x129: {  	v4 =	vor.u32 v28, v3;
	_ =	sdelay $0x3  }
0x12a: {  	[tilespmem:v2+s18+$0x0] =	vst.idx.msk $0xffff, v1  }
0x12b: {  	v2 =	vor.u32 v29, v0;
	v1 =	vld.idx.msk [tilespmem:v4+s15+$0x0], $0xffff  }
0x12c: {  	v4 =	vor.u32 v30, v3;
	_ =	sdelay $0x3  }
0x12d: {  	[tilespmem:v2+s18+$0x0] =	vst.idx.msk $0xffff, v1  }
0x12e: {  	v2 =	vor.u32 v31, v0;
	v1 =	vld.idx.msk [tilespmem:v4+s15+$0x0], $0xffff  }
0x12f: {  	v4 =	vor.u32 v32, v3;
	_ =	sdelay $0x3  }
0x130: {  	[tilespmem:v2+s18+$0x0] =	vst.idx.msk $0xffff, v1  }
0x131: {  	v2 =	vor.u32 v33, v0;
	v1 =	vld.idx.msk [tilespmem:v4+s15+$0x0], $0xffff  }
0x132: {  	v4 =	vor.u32 v34, v3;
	_ =	sdelay $0x3  }
0x133: {  	[tilespmem:v2+s18+$0x0] =	vst.idx.msk $0xffff, v1  }
0x134: {  	v2 =	vor.u32 v35, v0;
	v1 =	vld.idx.msk [tilespmem:v4+s15+$0x0], $0xffff  }
0x135: {  	v4 =	vor.u32 v8, v3;
	_ =	sdelay $0x3  }
0x136: {  	[tilespmem:v2+s18+$0x0] =	vst.idx.msk $0xffff, v1  }
0x137: {  	v2 =	vor.u32 v9, v0;
	v1 =	vld.idx.msk [tilespmem:v4+s15+$0x0], $0xffff  }
0x138: {  	v4 =	vor.u32 v10, v3;
	_ =	sdelay $0x3  }
0x139: {  	[tilespmem:v2+s18+$0x0] =	vst.idx.msk $0xffff, v1  }
0x13a: {  	v2 =	vor.u32 v11, v0;
	v1 =	vld.idx.msk [tilespmem:v4+s15+$0x0], $0xffff  }
0x13b: {  	v4 =	vor.u32 v7, v3;
	_ =	sdelay $0x3  }
0x13c: {  	[tilespmem:v2+s18+$0x0] =	vst.idx.msk $0xffff, v1  }
0x13d: {  	v2 =	vor.u32 v12, v0;
	v1 =	vld.idx.msk [tilespmem:v4+s15+$0x0], $0xffff  }
0x13e: {  	v4 =	vor.u32 v6, v3;
	_ =	sdelay $0x3  }
0x13f: {  	[tilespmem:v2+s18+$0x0] =	vst.idx.msk $0xffff, v1  }
0x140: {  	v2 =	vor.u32 v5, v0;
	v1 =	vld.idx.msk [tilespmem:v4+s15+$0x0], $0xffff  }
0x141: {  	v3 =	vor.u32 v36, v3;
	_ =	sdelay $0x3  }
0x142: {  	[tilespmem:v2+s18+$0x0] =	vst.idx.msk $0xffff, v1  }
0x143: {  	v2 =	vld.idx.msk [tilespmem:v3+s15+$0x0], $0xffff  }
0x144: {  	s30 =	sadd.s32 $0x2, s28;
	v4 =	vlaneseq.u32;
	v3 =	vld [tilespmem:$0x1FFD0]  }
0x145: {  	v1 =	vadd.s32 s30, v4;
	v4 =	vld [tilespmem:$0x1FFE0];
	_ =	sdelay $0x3  }
0x146: {  	v0 =	vor.u32 v3, v0;
	v3 =	vand.u32 $0x1F, v1  }
0x147: {  	v4 =	vor.u32 v4, v3;
	_ =	sdelay $0x3  }
0x148: {  	v1 =	vshll.u32 v1, $0x9;
	[tilespmem:v0+s18+$0x0] =	vst.idx.msk $0xffff, v2  }
0x149: {  	v0 =	vand.u32 $0x3E00, v1;
	v1 =	vld.idx.msk [tilespmem:v4+s15+$0x0], $0xffff;
	v4 =	vlaneseq.u32  }
0x14a: {  	v2 =	vor.u32 v4, v0;
	v4 =	vld [tilespmem:$0x1FFF0];
	_ =	sdelay $0x4  }
0x14b: {  	v4 =	vor.u32 v4, v3;
	_ =	sdelay $0x3  }
0x14c: {  	[tilespmem:v2+s18+$0x0] =	vst.idx.msk $0xffff, v1  }
0x14d: {  	v1 =	vld.idx.msk [tilespmem:v4+s15+$0x0], $0xffff  }
0x14e: {  	v4 =	vld [tilespmem:$0x1FFC0];
	_ =	sdelay $0x4  }
0x14f: {  	v2 =	vor.u32 v4, v0  }
0x150: {  	v55 =	vor.u32 v55, v3;
	_ =	sdelay $0x3  }
0x151: {  	[tilespmem:v2+s18+$0x0] =	vst.idx.msk $0xffff, v1  }
0x152: {  	v2 =	vor.u32 v63, v0;
	v1 =	vld.idx.msk [tilespmem:v55+s15+$0x0], $0xffff  }
0x153: {  	v55 =	vor.u32 v62, v3;
	_ =	sdelay $0x3  }
0x154: {  	[tilespmem:v2+s18+$0x0] =	vst.idx.msk $0xffff, v1  }
0x155: {  	v2 =	vor.u32 v61, v0;
	v1 =	vld.idx.msk [tilespmem:v55+s15+$0x0], $0xffff  }
0x156: {  	v55 =	vor.u32 v60, v3;
	_ =	sdelay $0x3  }
0x157: {  	[tilespmem:v2+s18+$0x0] =	vst.idx.msk $0xffff, v1  }
0x158: {  	v2 =	vor.u32 v59, v0;
	v1 =	vld.idx.msk [tilespmem:v55+s15+$0x0], $0xffff  }
0x159: {  	v55 =	vor.u32 v58, v3;
	_ =	sdelay $0x3  }
0x15a: {  	[tilespmem:v2+s18+$0x0] =	vst.idx.msk $0xffff, v1  }
0x15b: {  	v2 =	vor.u32 v57, v0;
	v1 =	vld.idx.msk [tilespmem:v55+s15+$0x0], $0xffff  }
0x15c: {  	v55 =	vor.u32 v56, v3;
	_ =	sdelay $0x3  }
0x15d: {  	[tilespmem:v2+s18+$0x0] =	vst.idx.msk $0xffff, v1  }
0x15e: {  	v2 =	vor.u32 v54, v0;
	v1 =	vld.idx.msk [tilespmem:v55+s15+$0x0], $0xffff  }
0x15f: {  	v4 =	vor.u32 v53, v3;
	_ =	sdelay $0x3  }
0x160: {  	[tilespmem:v2+s18+$0x0] =	vst.idx.msk $0xffff, v1  }
0x161: {  	v2 =	vor.u32 v52, v0;
	v1 =	vld.idx.msk [tilespmem:v4+s15+$0x0], $0xffff  }
0x162: {  	v4 =	vor.u32 v51, v3;
	_ =	sdelay $0x3  }
0x163: {  	[tilespmem:v2+s18+$0x0] =	vst.idx.msk $0xffff, v1  }
0x164: {  	v2 =	vor.u32 v50, v0;
	v1 =	vld.idx.msk [tilespmem:v4+s15+$0x0], $0xffff  }
0x165: {  	v4 =	vor.u32 v49, v3;
	_ =	sdelay $0x3  }
0x166: {  	[tilespmem:v2+s18+$0x0] =	vst.idx.msk $0xffff, v1  }
0x167: {  	v2 =	vor.u32 v48, v0;
	v1 =	vld.idx.msk [tilespmem:v4+s15+$0x0], $0xffff  }
0x168: {  	v4 =	vor.u32 v47, v3;
	_ =	sdelay $0x3  }
0x169: {  	[tilespmem:v2+s18+$0x0] =	vst.idx.msk $0xffff, v1  }
0x16a: {  	v2 =	vor.u32 v46, v0;
	v1 =	vld.idx.msk [tilespmem:v4+s15+$0x0], $0xffff  }
0x16b: {  	v4 =	vor.u32 v45, v3;
	_ =	sdelay $0x3  }
0x16c: {  	[tilespmem:v2+s18+$0x0] =	vst.idx.msk $0xffff, v1  }
0x16d: {  	v2 =	vor.u32 v44, v0;
	v1 =	vld.idx.msk [tilespmem:v4+s15+$0x0], $0xffff  }
0x16e: {  	v4 =	vor.u32 v43, v3;
	_ =	sdelay $0x3  }
0x16f: {  	[tilespmem:v2+s18+$0x0] =	vst.idx.msk $0xffff, v1  }
0x170: {  	v2 =	vor.u32 v42, v0;
	v1 =	vld.idx.msk [tilespmem:v4+s15+$0x0], $0xffff  }
0x171: {  	v4 =	vor.u32 v41, v3;
	_ =	sdelay $0x3  }
0x172: {  	[tilespmem:v2+s18+$0x0] =	vst.idx.msk $0xffff, v1  }
0x173: {  	v2 =	vor.u32 v40, v0;
	v1 =	vld.idx.msk [tilespmem:v4+s15+$0x0], $0xffff  }
0x174: {  	v4 =	vor.u32 v39, v3;
	_ =	sdelay $0x3  }
0x175: {  	[tilespmem:v2+s18+$0x0] =	vst.idx.msk $0xffff, v1  }
0x176: {  	v2 =	vor.u32 v38, v0;
	v1 =	vld.idx.msk [tilespmem:v4+s15+$0x0], $0xffff  }
0x177: {  	v4 =	vor.u32 v37, v3;
	_ =	sdelay $0x1  }
0x178: {  	v55 =	vmov v54  }
0x179: {  	v54 =	vmovc v53;
	v53 =	vmovc v52;
	v52 =	vmov v51;
	v51 =	vmov v50;
	v50 =	vmov v49  }
0x17a: {  	v49 =	vmovc v48;
	v48 =	vmovc v47;
	v47 =	vmov v46;
	v46 =	vmov v45;
	v45 =	vmov v44;
	[tilespmem:v2+s18+$0x0] =	vst.idx.msk $0xffff, v1  }
0x17b: {  	v44 =	vmovc v43;
	v43 =	vmovc v42;
	v42 =	vmov v41;
	v41 =	vmov v40;
	v2 =	vor.u32 v13, v0;
	v1 =	vld.idx.msk [tilespmem:v4+s15+$0x0], $0xffff  }
0x17c: {  	v40 =	vmovc v39;
	v39 =	vmovc v38;
	v38 =	vmov v37;
	v37 =	vmov v13;
	v13 =	vor.u32 v14, v3;
	_ =	sdelay $0x3  }
0x17d: {  	[tilespmem:v2+s18+$0x0] =	vst.idx.msk $0xffff, v1  }
0x17e: {  	v2 =	vor.u32 v15, v0;
	v1 =	vld.idx.msk [tilespmem:v13+s15+$0x0], $0xffff  }
0x17f: {  	v13 =	vor.u32 v16, v3;
	_ =	sdelay $0x3  }
0x180: {  	[tilespmem:v2+s18+$0x0] =	vst.idx.msk $0xffff, v1  }
0x181: {  	v2 =	vor.u32 v17, v0;
	v1 =	vld.idx.msk [tilespmem:v13+s15+$0x0], $0xffff  }
0x182: {  	v13 =	vor.u32 v18, v3;
	_ =	sdelay $0x3  }
0x183: {  	[tilespmem:v2+s18+$0x0] =	vst.idx.msk $0xffff, v1  }
0x184: {  	v2 =	vor.u32 v19, v0;
	v1 =	vld.idx.msk [tilespmem:v13+s15+$0x0], $0xffff  }
0x185: {  	v13 =	vor.u32 v20, v3;
	_ =	sdelay $0x3  }
0x186: {  	[tilespmem:v2+s18+$0x0] =	vst.idx.msk $0xffff, v1  }
0x187: {  	v2 =	vor.u32 v21, v0;
	v1 =	vld.idx.msk [tilespmem:v13+s15+$0x0], $0xffff  }
0x188: {  	v13 =	vor.u32 v22, v3;
	_ =	sdelay $0x3  }
0x189: {  	[tilespmem:v2+s18+$0x0] =	vst.idx.msk $0xffff, v1  }
0x18a: {  	v2 =	vor.u32 v23, v0;
	v1 =	vld.idx.msk [tilespmem:v13+s15+$0x0], $0xffff  }
0x18b: {  	v13 =	vor.u32 v24, v3;
	_ =	sdelay $0x3  }
0x18c: {  	[tilespmem:v2+s18+$0x0] =	vst.idx.msk $0xffff, v1  }
0x18d: {  	v2 =	vor.u32 v25, v0;
	v1 =	vld.idx.msk [tilespmem:v13+s15+$0x0], $0xffff  }
0x18e: {  	v13 =	vor.u32 v26, v3;
	_ =	sdelay $0x3  }
0x18f: {  	[tilespmem:v2+s18+$0x0] =	vst.idx.msk $0xffff, v1  }
0x190: {  	v2 =	vor.u32 v27, v0;
	v1 =	vld.idx.msk [tilespmem:v13+s15+$0x0], $0xffff  }
0x191: {  	v13 =	vor.u32 v28, v3;
	_ =	sdelay $0x3  }
0x192: {  	[tilespmem:v2+s18+$0x0] =	vst.idx.msk $0xffff, v1  }
0x193: {  	v2 =	vor.u32 v29, v0;
	v1 =	vld.idx.msk [tilespmem:v13+s15+$0x0], $0xffff  }
0x194: {  	v13 =	vor.u32 v30, v3;
	_ =	sdelay $0x3  }
0x195: {  	[tilespmem:v2+s18+$0x0] =	vst.idx.msk $0xffff, v1  }
0x196: {  	v2 =	vor.u32 v31, v0;
	v1 =	vld.idx.msk [tilespmem:v13+s15+$0x0], $0xffff  }
0x197: {  	v13 =	vor.u32 v32, v3;
	_ =	sdelay $0x3  }
0x198: {  	[tilespmem:v2+s18+$0x0] =	vst.idx.msk $0xffff, v1  }
0x199: {  	v2 =	vor.u32 v33, v0;
	v1 =	vld.idx.msk [tilespmem:v13+s15+$0x0], $0xffff  }
0x19a: {  	v13 =	vor.u32 v34, v3;
	_ =	sdelay $0x3  }
0x19b: {  	[tilespmem:v2+s18+$0x0] =	vst.idx.msk $0xffff, v1  }
0x19c: {  	v2 =	vor.u32 v35, v0;
	v1 =	vld.idx.msk [tilespmem:v13+s15+$0x0], $0xffff  }
0x19d: {  	v4 =	vor.u32 v8, v3;
	_ =	sdelay $0x3  }
0x19e: {  	[tilespmem:v2+s18+$0x0] =	vst.idx.msk $0xffff, v1  }
0x19f: {  	v2 =	vor.u32 v9, v0;
	v1 =	vld.idx.msk [tilespmem:v4+s15+$0x0], $0xffff  }
0x1a0: {  	v13 =	vmov v8;
	v8 =	vor.u32 v10, v3;
	_ =	sdelay $0x3  }
0x1a1: {  	[tilespmem:v2+s18+$0x0] =	vst.idx.msk $0xffff, v1  }
0x1a2: {  	v2 =	vor.u32 v11, v0;
	v1 =	vld.idx.msk [tilespmem:v8+s15+$0x0], $0xffff  }
0x1a3: {  	v4 =	vor.u32 v7, v3;
	_ =	sdelay $0x3  }
0x1a4: {  	[tilespmem:v2+s18+$0x0] =	vst.idx.msk $0xffff, v1  }
0x1a5: {  	v2 =	vor.u32 v12, v0;
	v1 =	vld.idx.msk [tilespmem:v4+s15+$0x0], $0xffff  }
0x1a6: {  	v4 =	vor.u32 v6, v3;
	_ =	sdelay $0x3  }
0x1a7: {  	[tilespmem:v2+s18+$0x0] =	vst.idx.msk $0xffff, v1  }
0x1a8: {  	v2 =	vor.u32 v5, v0;
	v1 =	vld.idx.msk [tilespmem:v4+s15+$0x0], $0xffff  }
0x1a9: {  	v3 =	vor.u32 v36, v3;
	_ =	sdelay $0x3  }
0x1aa: {  	[tilespmem:v2+s18+$0x0] =	vst.idx.msk $0xffff, v1  }
0x1ab: {  	v2 =	vld.idx.msk [tilespmem:v3+s15+$0x0], $0xffff  }
0x1ac: {  	s31 =	sadd.s32 $0x3, s28;
	v4 =	vlaneseq.u32;
	v3 =	vld [tilespmem:$0x1FFD0]  }
0x1ad: {  	v1 =	vadd.s32 s31, v4;
	v4 =	vld [tilespmem:$0x1FFE0];
	_ =	sdelay $0x3  }
0x1ae: {  	v0 =	vor.u32 v3, v0;
	v3 =	vand.u32 $0x1F, v1  }
0x1af: {  	v4 =	vor.u32 v4, v3;
	_ =	sdelay $0x3  }
0x1b0: {  	v1 =	vshll.u32 v1, $0x9;
	[tilespmem:v0+s18+$0x0] =	vst.idx.msk $0xffff, v2  }
0x1b1: {  	v0 =	vand.u32 $0x3E00, v1;
	v1 =	vld.idx.msk [tilespmem:v4+s15+$0x0], $0xffff  }
0x1b2: {  	v4 =	vld [tilespmem:$0x1FFF0];
	_ =	sdelay $0x2  }
0x1b3: {  	v8 =	vmovc v7;
	v7 =	vmov v6;
	v6 =	vmov v5;
	v5 =	vlaneseq.u32  }
0x1b4: {  	v2 =	vor.u32 v5, v0  }
0x1b5: {  	v4 =	vor.u32 v4, v3;
	_ =	sdelay $0x3  }
0x1b6: {  	v5 =	vld [tilespmem:$0x1FFC0];
	[tilespmem:v2+s18+$0x0] =	vst.idx.msk $0xffff, v1  }
0x1b7: {  	v1 =	vld.idx.msk [tilespmem:v4+s15+$0x0], $0xffff  }
0x1b8: {  	v4 =	vld [tilespmem:$0x1FC10];
	_ =	sdelay $0x3  }
0x1b9: {  	v2 =	vor.u32 v5, v0  }
0x1ba: {  	v4 =	vor.u32 v4, v3;
	_ =	sdelay $0x3  }
0x1bb: {  	[tilespmem:v2+s18+$0x0] =	vst.idx.msk $0xffff, v1  }
0x1bc: {  	v63 =	vor.u32 v63, v0;
	v1 =	vld.idx.msk [tilespmem:v4+s15+$0x0], $0xffff  }
0x1bd: {  	v62 =	vor.u32 v62, v3;
	_ =	sdelay $0x3  }
0x1be: {  	[tilespmem:v63+s18+$0x0] =	vst.idx.msk $0xffff, v1  }
0x1bf: {  	v63 =	vor.u32 v61, v0;
	v1 =	vld.idx.msk [tilespmem:v62+s15+$0x0], $0xffff  }
0x1c0: {  	v61 =	vor.u32 v60, v3;
	_ =	sdelay $0x3  }
0x1c1: {  	[tilespmem:v63+s18+$0x0] =	vst.idx.msk $0xffff, v1  }
0x1c2: {  	v62 =	vor.u32 v59, v0;
	v1 =	vld.idx.msk [tilespmem:v61+s15+$0x0], $0xffff  }
0x1c3: {  	v63 =	vor.u32 v58, v3;
	_ =	sdelay $0x3  }
0x1c4: {  	[tilespmem:v62+s18+$0x0] =	vst.idx.msk $0xffff, v1  }
0x1c5: {  	v57 =	vor.u32 v57, v0;
	v1 =	vld.idx.msk [tilespmem:v63+s15+$0x0], $0xffff  }
0x1c6: {  	v58 =	vor.u32 v56, v3;
	_ =	sdelay $0x3  }
0x1c7: {  	[tilespmem:v57+s18+$0x0] =	vst.idx.msk $0xffff, v1  }
0x1c8: {  	v59 =	vor.u32 v55, v0;
	v1 =	vld.idx.msk [tilespmem:v58+s15+$0x0], $0xffff  }
0x1c9: {  	v60 =	vor.u32 v54, v3;
	_ =	sdelay $0x3  }
0x1ca: {  	[tilespmem:v59+s18+$0x0] =	vst.idx.msk $0xffff, v1  }
0x1cb: {  	v61 =	vor.u32 v53, v0;
	v1 =	vld.idx.msk [tilespmem:v60+s15+$0x0], $0xffff  }
0x1cc: {  	v62 =	vor.u32 v52, v3;
	_ =	sdelay $0x3  }
0x1cd: {  	[tilespmem:v61+s18+$0x0] =	vst.idx.msk $0xffff, v1  }
0x1ce: {  	v63 =	vor.u32 v51, v0;
	v1 =	vld.idx.msk [tilespmem:v62+s15+$0x0], $0xffff  }
0x1cf: {  	v50 =	vor.u32 v50, v3;
	_ =	sdelay $0x3  }
0x1d0: {  	[tilespmem:v63+s18+$0x0] =	vst.idx.msk $0xffff, v1  }
0x1d1: {  	v51 =	vor.u32 v49, v0;
	v1 =	vld.idx.msk [tilespmem:v50+s15+$0x0], $0xffff  }
0x1d2: {  	v52 =	vor.u32 v48, v3;
	_ =	sdelay $0x3  }
0x1d3: {  	[tilespmem:v51+s18+$0x0] =	vst.idx.msk $0xffff, v1  }
0x1d4: {  	v53 =	vor.u32 v47, v0;
	v1 =	vld.idx.msk [tilespmem:v52+s15+$0x0], $0xffff  }
0x1d5: {  	v54 =	vor.u32 v46, v3;
	_ =	sdelay $0x3  }
0x1d6: {  	[tilespmem:v53+s18+$0x0] =	vst.idx.msk $0xffff, v1  }
0x1d7: {  	v55 =	vor.u32 v45, v0;
	v1 =	vld.idx.msk [tilespmem:v54+s15+$0x0], $0xffff  }
0x1d8: {  	v56 =	vor.u32 v44, v3;
	_ =	sdelay $0x3  }
0x1d9: {  	[tilespmem:v55+s18+$0x0] =	vst.idx.msk $0xffff, v1  }
0x1da: {  	v57 =	vor.u32 v43, v0;
	v1 =	vld.idx.msk [tilespmem:v56+s15+$0x0], $0xffff  }
0x1db: {  	v58 =	vor.u32 v42, v3;
	_ =	sdelay $0x3  }
0x1dc: {  	[tilespmem:v57+s18+$0x0] =	vst.idx.msk $0xffff, v1  }
0x1dd: {  	v59 =	vor.u32 v41, v0;
	v1 =	vld.idx.msk [tilespmem:v58+s15+$0x0], $0xffff  }
0x1de: {  	v60 =	vor.u32 v40, v3;
	_ =	sdelay $0x3  }
0x1df: {  	[tilespmem:v59+s18+$0x0] =	vst.idx.msk $0xffff, v1  }
0x1e0: {  	v61 =	vor.u32 v39, v0;
	v1 =	vld.idx.msk [tilespmem:v60+s15+$0x0], $0xffff  }
0x1e1: {  	v62 =	vor.u32 v38, v3;
	_ =	sdelay $0x3  }
0x1e2: {  	[tilespmem:v61+s18+$0x0] =	vst.idx.msk $0xffff, v1  }
0x1e3: {  	v63 =	vor.u32 v37, v0;
	v1 =	vld.idx.msk [tilespmem:v62+s15+$0x0], $0xffff  }
0x1e4: {  	v14 =	vor.u32 v14, v3;
	_ =	sdelay $0x3  }
0x1e5: {  	[tilespmem:v63+s18+$0x0] =	vst.idx.msk $0xffff, v1  }
0x1e6: {  	v15 =	vor.u32 v15, v0;
	v1 =	vld.idx.msk [tilespmem:v14+s15+$0x0], $0xffff  }
0x1e7: {  	v16 =	vor.u32 v16, v3;
	_ =	sdelay $0x3  }
0x1e8: {  	[tilespmem:v15+s18+$0x0] =	vst.idx.msk $0xffff, v1  }
0x1e9: {  	v17 =	vor.u32 v17, v0;
	v1 =	vld.idx.msk [tilespmem:v16+s15+$0x0], $0xffff  }
0x1ea: {  	v37 =	vor.u32 v18, v3;
	_ =	sdelay $0x3  }
0x1eb: {  	[tilespmem:v17+s18+$0x0] =	vst.idx.msk $0xffff, v1  }
0x1ec: {  	v38 =	vor.u32 v19, v0;
	v1 =	vld.idx.msk [tilespmem:v37+s15+$0x0], $0xffff  }
0x1ed: {  	v39 =	vor.u32 v20, v3;
	_ =	sdelay $0x3  }
0x1ee: {  	[tilespmem:v38+s18+$0x0] =	vst.idx.msk $0xffff, v1  }
0x1ef: {  	v40 =	vor.u32 v21, v0;
	v1 =	vld.idx.msk [tilespmem:v39+s15+$0x0], $0xffff  }
0x1f0: {  	v41 =	vor.u32 v22, v3;
	_ =	sdelay $0x3  }
0x1f1: {  	[tilespmem:v40+s18+$0x0] =	vst.idx.msk $0xffff, v1  }
0x1f2: {  	v42 =	vor.u32 v23, v0;
	v1 =	vld.idx.msk [tilespmem:v41+s15+$0x0], $0xffff  }
0x1f3: {  	v43 =	vor.u32 v24, v3;
	_ =	sdelay $0x3  }
0x1f4: {  	[tilespmem:v42+s18+$0x0] =	vst.idx.msk $0xffff, v1  }
0x1f5: {  	v44 =	vor.u32 v25, v0;
	v1 =	vld.idx.msk [tilespmem:v43+s15+$0x0], $0xffff  }
0x1f6: {  	v45 =	vor.u32 v26, v3;
	_ =	sdelay $0x3  }
0x1f7: {  	[tilespmem:v44+s18+$0x0] =	vst.idx.msk $0xffff, v1  }
0x1f8: {  	v46 =	vor.u32 v27, v0;
	v1 =	vld.idx.msk [tilespmem:v45+s15+$0x0], $0xffff  }
0x1f9: {  	v47 =	vor.u32 v28, v3;
	_ =	sdelay $0x3  }
0x1fa: {  	[tilespmem:v46+s18+$0x0] =	vst.idx.msk $0xffff, v1  }
0x1fb: {  	v48 =	vor.u32 v29, v0;
	v1 =	vld.idx.msk [tilespmem:v47+s15+$0x0], $0xffff  }
0x1fc: {  	v49 =	vor.u32 v30, v3;
	_ =	sdelay $0x3  }
0x1fd: {  	[tilespmem:v48+s18+$0x0] =	vst.idx.msk $0xffff, v1  }
0x1fe: {  	v50 =	vor.u32 v31, v0;
	v1 =	vld.idx.msk [tilespmem:v49+s15+$0x0], $0xffff  }
0x1ff: {  	v51 =	vor.u32 v32, v3;
	_ =	sdelay $0x3  }
0x200: {  	[tilespmem:v50+s18+$0x0] =	vst.idx.msk $0xffff, v1  }
0x201: {  	v52 =	vor.u32 v33, v0;
	v1 =	vld.idx.msk [tilespmem:v51+s15+$0x0], $0xffff  }
0x202: {  	v53 =	vor.u32 v34, v3;
	_ =	sdelay $0x3  }
0x203: {  	[tilespmem:v52+s18+$0x0] =	vst.idx.msk $0xffff, v1  }
0x204: {  	v54 =	vor.u32 v35, v0;
	v1 =	vld.idx.msk [tilespmem:v53+s15+$0x0], $0xffff  }
0x205: {  	v55 =	vor.u32 v13, v3;
	_ =	sdelay $0x3  }
0x206: {  	[tilespmem:v54+s18+$0x0] =	vst.idx.msk $0xffff, v1  }
0x207: {  	v56 =	vor.u32 v9, v0;
	v1 =	vld.idx.msk [tilespmem:v55+s15+$0x0], $0xffff  }
0x208: {  	v57 =	vor.u32 v10, v3;
	_ =	sdelay $0x3  }
0x209: {  	[tilespmem:v56+s18+$0x0] =	vst.idx.msk $0xffff, v1  }
0x20a: {  	v58 =	vor.u32 v11, v0;
	v1 =	vld.idx.msk [tilespmem:v57+s15+$0x0], $0xffff  }
0x20b: {  	v59 =	vor.u32 v8, v3;
	_ =	sdelay $0x3  }
0x20c: {  	[tilespmem:v58+s18+$0x0] =	vst.idx.msk $0xffff, v1  }
0x20d: {  	v60 =	vor.u32 v12, v0;
	v1 =	vld.idx.msk [tilespmem:v59+s15+$0x0], $0xffff  }
0x20e: {  	v61 =	vor.u32 v7, v3;
	_ =	sdelay $0x3  }
0x20f: {  	[tilespmem:v60+s18+$0x0] =	vst.idx.msk $0xffff, v1  }
0x210: {  	v62 =	vor.u32 v6, v0;
	v1 =	vld.idx.msk [tilespmem:v61+s15+$0x0], $0xffff  }
0x211: {  	v3 =	vor.u32 v36, v3;
	v63 =	vld [tilespmem:$0x1FFD0];
	_ =	sdelay $0x3  }
0x212: {  	[tilespmem:v62+s18+$0x0] =	vst.idx.msk $0xffff, v1  }
0x213: {  	p1 =	sne.s32 s28, $0x1C;
	v0 =	vor.u32 v63, v0;
	v1 =	vld.idx.msk [tilespmem:v3+s15+$0x0], $0xffff  }
.Ltmp2:
0x214: {  	_ = 	snop;
	(pc) =	sbr.rel @p1 .LBB2_3-.Ltmp2, $2  }
0x215: {  	_ =	sdelay $0x2  }
0x216: {  	s28 =	sadd.s32 $0x4, s28;
	[tilespmem:v0+s18+$0x0] =	vst.idx.msk $0xffff, v1  }
0x217: {  	p1 =	sne.s32 s25, $0x18  }
.Ltmp3:
0x218: {  	s28 =	sshll.u32 s25, $0x14;
	(pc) =	sbr.rel @p1 .LBB2_6-.Ltmp3, $4  }
0x219: {  	s28 =	sor.u32 s4, s28  }
0x21a: {  	s28 =	sshrl.u32 s28, $0x3  }
0x21b: {  	s29 =	sadd.s32 s6, s28  }
0x21c: {  	[hbm4b:s29+s14] =	stream.strided.scatter [tilespmem:s18], [sflag:$0x3], $0x4000, s19, s14, $0x38;
	[tilespmem:$0x10400] =	vst v63  }
.Ltmp4:
0x21d: {  	(pc) =	sbr.rel .LBB2_7-.Ltmp4, $4  }
0x21e: {  	_ = 	snop  }
0x21f: {  	_ =	swait.ge [sflag:s20], $0x4000  }
0x220: {  	[sflag:s20] =	ssyncset.done $0x0  }
0x221: {  	[sflag:s20] =	ssyncadd.s32 $0xFFFFC000  }
.LBB2_6:
0x222: {  	s29 =	sadd.s32 s9, s26  }
0x223: {  	s29 =	sshrl.u32 s29, $0x3  }
0x224: {  	s29 =	sadd.s32 s0, s29  }
0x225: {  	[tilespmem:s3], [sflag:$0x5] =	stream.linear.gather [hbm4b:s29+s3], $0x200, $0x38;
	[tilespmem:$0x10400] =	vst v63  }
0x226: {  	_ =	swait.ge [sflag:s13], $0x200  }
0x227: {  	[sflag:s13] =	ssyncset.done $0x0  }
.Ltmp5:
0x228: {  	[sflag:s13] =	ssyncadd.s32 $0xFFFFFE00;
	(pc) =	sbr.rel @p0 .LBB2_8-.Ltmp5, $4  }
0x229: {  	[tilespmem:s15], [sflag:$0x1] =	stream.indirect.gather [hbm4b:s5+s14], $0x20, s3, s14, $0xb8;
	[tilespmem:$0x10400] =	vst v63  }
0x22a: {  	_ =	swait.ge [sflag:s20], $0x4000  }
0x22b: {  	[sflag:s20] =	ssyncset.done $0x0  }
0x22c: {  	[sflag:s20] =	ssyncadd.s32 $0xFFFFC000  }
.LBB2_7:
0x22d: {  	_ =	swait.ge [sflag:s21], $0x4000  }
0x22e: {  	[sflag:s21] =	ssyncset.done $0x0  }
0x22f: {  	[sflag:s21] =	ssyncadd.s32 $0xFFFFC000  }
.LBB2_8:
0x230: {  	s29 =	simm.s32 $0x0  }
.LBB2_9:
0x231: {  	v2 =	vld [tilespmem:$0x1FFE0];
	_ =	sdelay $0x1  }
0x232: {  	v0 =	vlaneseq.u32  }
0x233: {  	v0 =	vadd.s32 s29, v0  }
0x234: {  	v1 =	vand.u32 $0x1F, v0  }
0x235: {  	v2 =	vor.u32 v2, v1  }
0x236: {  	v4 =	vld [tilespmem:$0x1FFF0];
	_ =	sdelay $0x1  }
0x237: {  	v0 =	vshll.u32 v0, $0x9  }
0x238: {  	v3 =	vlaneseq.u32;
	v0 =	vand.u32 $0x3E00, v0  }
0x239: {  	v3 =	vor.u32 v3, v0;
	v2 =	vld.idx.msk [tilespmem:v2+s16+$0x0], $0xffff  }
0x23a: {  	v51 =	vld [tilespmem:$0x1FFC0];
	v4 =	vor.u32 v4, v1  }
0x23b: {  	v14 =	vld [tilespmem:$0x1FC10];
	_ =	sdelay $0x2  }
0x23c: {  	[tilespmem:v3+s22+$0x0] =	vst.idx.msk $0xffff, v2  }
0x23d: {  	v3 =	vor.u32 v51, v0;
	v2 =	vld.idx.msk [tilespmem:v4+s16+$0x0], $0xffff  }
0x23e: {  	v15 =	vld [tilespmem:$0x1FC20];
	v52 =	vor.u32 v14, v1  }
0x23f: {  	v16 =	vld [tilespmem:$0x1FC30];
	_ =	sdelay $0x2  }
0x240: {  	[tilespmem:v3+s22+$0x0] =	vst.idx.msk $0xffff, v2  }
0x241: {  	v53 =	vor.u32 v15, v0;
	v2 =	vld.idx.msk [tilespmem:v52+s16+$0x0], $0xffff  }
0x242: {  	v17 =	vld [tilespmem:$0x1FC40];
	v54 =	vor.u32 v16, v1  }
0x243: {  	v18 =	vld [tilespmem:$0x1FC50];
	_ =	sdelay $0x2  }
0x244: {  	[tilespmem:v53+s22+$0x0] =	vst.idx.msk $0xffff, v2  }
0x245: {  	v55 =	vor.u32 v17, v0;
	v2 =	vld.idx.msk [tilespmem:v54+s16+$0x0], $0xffff  }
0x246: {  	v19 =	vld [tilespmem:$0x1FC60];
	v56 =	vor.u32 v18, v1  }
0x247: {  	v20 =	vld [tilespmem:$0x1FC70];
	_ =	sdelay $0x2  }
0x248: {  	[tilespmem:v55+s22+$0x0] =	vst.idx.msk $0xffff, v2  }
0x249: {  	v57 =	vor.u32 v19, v0;
	v2 =	vld.idx.msk [tilespmem:v56+s16+$0x0], $0xffff  }
0x24a: {  	v63 =	vld [tilespmem:$0x1FC80];
	v58 =	vor.u32 v20, v1  }
0x24b: {  	v62 =	vld [tilespmem:$0x1FC90];
	_ =	sdelay $0x2  }
0x24c: {  	[tilespmem:v57+s22+$0x0] =	vst.idx.msk $0xffff, v2  }
0x24d: {  	v59 =	vor.u32 v63, v0;
	v2 =	vld.idx.msk [tilespmem:v58+s16+$0x0], $0xffff  }
0x24e: {  	v61 =	vor.u32 v62, v1;
	_ =	sdelay $0x3  }
0x24f: {  	[tilespmem:v59+s22+$0x0] =	vst.idx.msk $0xffff, v2  }
0x250: {  	v2 =	vld.idx.msk [tilespmem:v61+s16+$0x0], $0xffff  }
0x251: {  	v61 =	vld [tilespmem:$0x1FCA0]  }
0x252: {  	v60 =	vld [tilespmem:$0x1FCB0];
	_ =	sdelay $0x3  }
0x253: {  	v8 =	vor.u32 v61, v0  }
0x254: {  	v9 =	vor.u32 v60, v1;
	v59 =	vld [tilespmem:$0x1FCC0]  }
0x255: {  	v58 =	vld [tilespmem:$0x1FCD0];
	_ =	sdelay $0x2  }
0x256: {  	[tilespmem:v8+s22+$0x0] =	vst.idx.msk $0xffff, v2  }
0x257: {  	v10 =	vor.u32 v59, v0;
	v2 =	vld.idx.msk [tilespmem:v9+s16+$0x0], $0xffff  }
0x258: {  	v57 =	vld [tilespmem:$0x1FCE0];
	v11 =	vor.u32 v58, v1  }
0x259: {  	v56 =	vld [tilespmem:$0x1FCF0];
	_ =	sdelay $0x2  }
0x25a: {  	[tilespmem:v10+s22+$0x0] =	vst.idx.msk $0xffff, v2  }
0x25b: {  	v12 =	vor.u32 v57, v0;
	v2 =	vld.idx.msk [tilespmem:v11+s16+$0x0], $0xffff  }
0x25c: {  	v55 =	vld [tilespmem:$0x1FD00];
	v13 =	vor.u32 v56, v1  }
0x25d: {  	v54 =	vld [tilespmem:$0x1FD10];
	_ =	sdelay $0x2  }
0x25e: {  	[tilespmem:v12+s22+$0x0] =	vst.idx.msk $0xffff, v2  }
0x25f: {  	v21 =	vor.u32 v55, v0;
	v2 =	vld.idx.msk [tilespmem:v13+s16+$0x0], $0xffff  }
0x260: {  	v53 =	vld [tilespmem:$0x1FD20];
	v22 =	vor.u32 v54, v1  }
0x261: {  	v52 =	vld [tilespmem:$0x1FD30];
	_ =	sdelay $0x2  }
0x262: {  	[tilespmem:v21+s22+$0x0] =	vst.idx.msk $0xffff, v2  }
0x263: {  	v23 =	vor.u32 v53, v0;
	v2 =	vld.idx.msk [tilespmem:v22+s16+$0x0], $0xffff  }
0x264: {  	v51 =	vld [tilespmem:$0x1FD40];
	v24 =	vor.u32 v52, v1  }
0x265: {  	v50 =	vld [tilespmem:$0x1FD50];
	_ =	sdelay $0x2  }
0x266: {  	[tilespmem:v23+s22+$0x0] =	vst.idx.msk $0xffff, v2  }
0x267: {  	v25 =	vor.u32 v51, v0;
	v2 =	vld.idx.msk [tilespmem:v24+s16+$0x0], $0xffff  }
0x268: {  	v49 =	vld [tilespmem:$0x1FD60];
	v26 =	vor.u32 v50, v1  }
0x269: {  	v48 =	vld [tilespmem:$0x1FD70];
	_ =	sdelay $0x2  }
0x26a: {  	[tilespmem:v25+s22+$0x0] =	vst.idx.msk $0xffff, v2  }
0x26b: {  	v27 =	vor.u32 v49, v0;
	v2 =	vld.idx.msk [tilespmem:v26+s16+$0x0], $0xffff  }
0x26c: {  	v47 =	vld [tilespmem:$0x1FD80];
	v28 =	vor.u32 v48, v1  }
0x26d: {  	v46 =	vld [tilespmem:$0x1FD90];
	_ =	sdelay $0x2  }
0x26e: {  	[tilespmem:v27+s22+$0x0] =	vst.idx.msk $0xffff, v2  }
0x26f: {  	v29 =	vor.u32 v47, v0;
	v2 =	vld.idx.msk [tilespmem:v28+s16+$0x0], $0xffff  }
0x270: {  	v45 =	vld [tilespmem:$0x1FDA0];
	v30 =	vor.u32 v46, v1  }
0x271: {  	v43 =	vld [tilespmem:$0x1FDB0];
	_ =	sdelay $0x2  }
0x272: {  	[tilespmem:v29+s22+$0x0] =	vst.idx.msk $0xffff, v2  }
0x273: {  	v31 =	vor.u32 v45, v0;
	v2 =	vld.idx.msk [tilespmem:v30+s16+$0x0], $0xffff  }
0x274: {  	v42 =	vld [tilespmem:$0x1FDC0];
	v32 =	vor.u32 v43, v1  }
0x275: {  	v41 =	vld [tilespmem:$0x1FDD0];
	_ =	sdelay $0x2  }
0x276: {  	[tilespmem:v31+s22+$0x0] =	vst.idx.msk $0xffff, v2  }
0x277: {  	v33 =	vor.u32 v42, v0;
	v2 =	vld.idx.msk [tilespmem:v32+s16+$0x0], $0xffff  }
0x278: {  	v40 =	vld [tilespmem:$0x1FDE0];
	v34 =	vor.u32 v41, v1  }
0x279: {  	v39 =	vld [tilespmem:$0x1FDF0];
	_ =	sdelay $0x2  }
0x27a: {  	[tilespmem:v33+s22+$0x0] =	vst.idx.msk $0xffff, v2  }
0x27b: {  	v35 =	vor.u32 v40, v0;
	v2 =	vld.idx.msk [tilespmem:v34+s16+$0x0], $0xffff  }
0x27c: {  	v38 =	vld [tilespmem:$0x1FE00];
	v44 =	vor.u32 v39, v1  }
0x27d: {  	v37 =	vld [tilespmem:$0x1FE10];
	_ =	sdelay $0x2  }
0x27e: {  	[tilespmem:v35+s22+$0x0] =	vst.idx.msk $0xffff, v2  }
0x27f: {  	v8 =	vor.u32 v38, v0;
	v2 =	vld.idx.msk [tilespmem:v44+s16+$0x0], $0xffff  }
0x280: {  	v36 =	vld [tilespmem:$0x1FE20];
	v9 =	vor.u32 v37, v1  }
0x281: {  	v35 =	vld [tilespmem:$0x1FE30];
	_ =	sdelay $0x2  }
0x282: {  	[tilespmem:v8+s22+$0x0] =	vst.idx.msk $0xffff, v2  }
0x283: {  	v10 =	vor.u32 v36, v0;
	v2 =	vld.idx.msk [tilespmem:v9+s16+$0x0], $0xffff  }
0x284: {  	v34 =	vld [tilespmem:$0x1FE40];
	v11 =	vor.u32 v35, v1  }
0x285: {  	v33 =	vld [tilespmem:$0x1FE50];
	_ =	sdelay $0x2  }
0x286: {  	[tilespmem:v10+s22+$0x0] =	vst.idx.msk $0xffff, v2  }
0x287: {  	v12 =	vor.u32 v34, v0;
	v2 =	vld.idx.msk [tilespmem:v11+s16+$0x0], $0xffff  }
0x288: {  	v32 =	vld [tilespmem:$0x1FE60];
	v13 =	vor.u32 v33, v1  }
0x289: {  	v9 =	vld [tilespmem:$0x1FE70];
	_ =	sdelay $0x2  }
0x28a: {  	[tilespmem:v12+s22+$0x0] =	vst.idx.msk $0xffff, v2  }
0x28b: {  	v21 =	vor.u32 v32, v0;
	v2 =	vld.idx.msk [tilespmem:v13+s16+$0x0], $0xffff  }
0x28c: {  	v22 =	vor.u32 v9, v1;
	v10 =	vld [tilespmem:$0x1FE80]  }
0x28d: {  	v11 =	vld [tilespmem:$0x1FE90];
	_ =	sdelay $0x2  }
0x28e: {  	[tilespmem:v21+s22+$0x0] =	vst.idx.msk $0xffff, v2  }
0x28f: {  	v23 =	vor.u32 v10, v0;
	v2 =	vld.idx.msk [tilespmem:v22+s16+$0x0], $0xffff  }
0x290: {  	v24 =	vor.u32 v11, v1;
	v12 =	vld [tilespmem:$0x1FEA0]  }
0x291: {  	v13 =	vld [tilespmem:$0x1FEB0];
	_ =	sdelay $0x2  }
0x292: {  	[tilespmem:v23+s22+$0x0] =	vst.idx.msk $0xffff, v2  }
0x293: {  	v25 =	vor.u32 v12, v0;
	v2 =	vld.idx.msk [tilespmem:v24+s16+$0x0], $0xffff  }
0x294: {  	v26 =	vor.u32 v13, v1;
	v21 =	vld [tilespmem:$0x1FEC0]  }
0x295: {  	v22 =	vld [tilespmem:$0x1FED0];
	_ =	sdelay $0x2  }
0x296: {  	[tilespmem:v25+s22+$0x0] =	vst.idx.msk $0xffff, v2  }
0x297: {  	v27 =	vor.u32 v21, v0;
	v2 =	vld.idx.msk [tilespmem:v26+s16+$0x0], $0xffff  }
0x298: {  	v28 =	vor.u32 v22, v1;
	v23 =	vld [tilespmem:$0x1FEE0]  }
0x299: {  	v24 =	vld [tilespmem:$0x1FEF0];
	_ =	sdelay $0x2  }
0x29a: {  	[tilespmem:v27+s22+$0x0] =	vst.idx.msk $0xffff, v2  }
0x29b: {  	v29 =	vor.u32 v23, v0;
	v2 =	vld.idx.msk [tilespmem:v28+s16+$0x0], $0xffff  }
0x29c: {  	v30 =	vor.u32 v24, v1;
	v25 =	vld [tilespmem:$0x1FF00]  }
0x29d: {  	v26 =	vld [tilespmem:$0x1FF10];
	_ =	sdelay $0x2  }
0x29e: {  	[tilespmem:v29+s22+$0x0] =	vst.idx.msk $0xffff, v2  }
0x29f: {  	v31 =	vor.u32 v25, v0;
	v2 =	vld.idx.msk [tilespmem:v30+s16+$0x0], $0xffff  }
0x2a0: {  	v44 =	vor.u32 v26, v1;
	v27 =	vld [tilespmem:$0x1FF20]  }
0x2a1: {  	v28 =	vld [tilespmem:$0x1FF30];
	_ =	sdelay $0x2  }
0x2a2: {  	[tilespmem:v31+s22+$0x0] =	vst.idx.msk $0xffff, v2  }
0x2a3: {  	v8 =	vor.u32 v27, v0;
	v2 =	vld.idx.msk [tilespmem:v44+s16+$0x0], $0xffff  }
0x2a4: {  	v29 =	vld [tilespmem:$0x1FF40];
	v44 =	vor.u32 v28, v1  }
0x2a5: {  	v30 =	vld [tilespmem:$0x1FF50];
	_ =	sdelay $0x2  }
0x2a6: {  	[tilespmem:v8+s22+$0x0] =	vst.idx.msk $0xffff, v2  }
0x2a7: {  	v8 =	vor.u32 v29, v0;
	v2 =	vld.idx.msk [tilespmem:v44+s16+$0x0], $0xffff  }
0x2a8: {  	v31 =	vor.u32 v30, v1;
	_ =	sdelay $0x3  }
0x2a9: {  	[tilespmem:v8+s22+$0x0] =	vst.idx.msk $0xffff, v2  }
0x2aa: {  	v2 =	vld.idx.msk [tilespmem:v31+s16+$0x0], $0xffff  }
0x2ab: {  	v31 =	vld [tilespmem:$0x1FF60]  }
0x2ac: {  	v6 =	vld [tilespmem:$0x1FF70];
	_ =	sdelay $0x3  }
0x2ad: {  	v44 =	vor.u32 v31, v0  }
0x2ae: {  	v5 =	vld [tilespmem:$0x1FF80];
	v8 =	vor.u32 v6, v1  }
0x2af: {  	v7 =	vld [tilespmem:$0x1FF90];
	_ =	sdelay $0x2  }
0x2b0: {  	[tilespmem:v44+s22+$0x0] =	vst.idx.msk $0xffff, v2  }
0x2b1: {  	v3 =	vor.u32 v5, v0;
	v2 =	vld.idx.msk [tilespmem:v8+s16+$0x0], $0xffff  }
0x2b2: {  	v44 =	vor.u32 v7, v1  }
0x2b3: {  	v8 =	vld [tilespmem:$0x1FFA0];
	_ =	sdelay $0x2  }
0x2b4: {  	[tilespmem:v3+s22+$0x0] =	vst.idx.msk $0xffff, v2  }
0x2b5: {  	v2 =	vld.idx.msk [tilespmem:v44+s16+$0x0], $0xffff  }
0x2b6: {  	v3 =	vor.u32 v8, v0;
	v44 =	vld [tilespmem:$0x1FFB0];
	_ =	sdelay $0x4  }
0x2b7: {  	s30 =	sadd.s32 $0x1, s29;
	v4 =	vlaneseq.u32;
	v1 =	vor.u32 v44, v1;
	[tilespmem:v3+s22+$0x0] =	vst.idx.msk $0xffff, v2;
	v3 =	vld [tilespmem:$0x1FFD0]  }
0x2b8: {  	v2 =	vadd.s32 s30, v4;
	v4 =	vld [tilespmem:$0x1FFE0];
	_ =	sdelay $0x3  }
0x2b9: {  	v1 =	vld.idx.msk [tilespmem:v1+s16+$0x0], $0xffff;
	v0 =	vor.u32 v3, v0;
	v3 =	vand.u32 $0x1F, v2  }
0x2ba: {  	v4 =	vor.u32 v4, v3;
	_ =	sdelay $0x3  }
0x2bb: {  	v2 =	vshll.u32 v2, $0x9;
	[tilespmem:v0+s22+$0x0] =	vst.idx.msk $0xffff, v1  }
0x2bc: {  	v0 =	vand.u32 $0x3E00, v2;
	v1 =	vld.idx.msk [tilespmem:v4+s16+$0x0], $0xffff;
	v4 =	vlaneseq.u32  }
0x2bd: {  	v2 =	vor.u32 v4, v0;
	v4 =	vld [tilespmem:$0x1FFF0];
	_ =	sdelay $0x4  }
0x2be: {  	v4 =	vor.u32 v4, v3;
	_ =	sdelay $0x3  }
0x2bf: {  	[tilespmem:v2+s22+$0x0] =	vst.idx.msk $0xffff, v1  }
0x2c0: {  	v1 =	vld.idx.msk [tilespmem:v4+s16+$0x0], $0xffff  }
0x2c1: {  	v4 =	vld [tilespmem:$0x1FFC0];
	_ =	sdelay $0x4  }
0x2c2: {  	v2 =	vor.u32 v4, v0  }
0x2c3: {  	v4 =	vor.u32 v14, v3;
	_ =	sdelay $0x3  }
0x2c4: {  	[tilespmem:v2+s22+$0x0] =	vst.idx.msk $0xffff, v1  }
0x2c5: {  	v2 =	vor.u32 v15, v0;
	v1 =	vld.idx.msk [tilespmem:v4+s16+$0x0], $0xffff  }
0x2c6: {  	v4 =	vor.u32 v16, v3;
	_ =	sdelay $0x3  }
0x2c7: {  	[tilespmem:v2+s22+$0x0] =	vst.idx.msk $0xffff, v1  }
0x2c8: {  	v2 =	vor.u32 v17, v0;
	v1 =	vld.idx.msk [tilespmem:v4+s16+$0x0], $0xffff  }
0x2c9: {  	v4 =	vor.u32 v18, v3;
	_ =	sdelay $0x3  }
0x2ca: {  	[tilespmem:v2+s22+$0x0] =	vst.idx.msk $0xffff, v1  }
0x2cb: {  	v2 =	vor.u32 v19, v0;
	v1 =	vld.idx.msk [tilespmem:v4+s16+$0x0], $0xffff  }
0x2cc: {  	v4 =	vor.u32 v20, v3;
	_ =	sdelay $0x3  }
0x2cd: {  	[tilespmem:v2+s22+$0x0] =	vst.idx.msk $0xffff, v1  }
0x2ce: {  	v2 =	vor.u32 v63, v0;
	v1 =	vld.idx.msk [tilespmem:v4+s16+$0x0], $0xffff  }
0x2cf: {  	v4 =	vor.u32 v62, v3;
	_ =	sdelay $0x3  }
0x2d0: {  	[tilespmem:v2+s22+$0x0] =	vst.idx.msk $0xffff, v1  }
0x2d1: {  	v2 =	vor.u32 v61, v0;
	v1 =	vld.idx.msk [tilespmem:v4+s16+$0x0], $0xffff  }
0x2d2: {  	v4 =	vor.u32 v60, v3;
	_ =	sdelay $0x3  }
0x2d3: {  	[tilespmem:v2+s22+$0x0] =	vst.idx.msk $0xffff, v1  }
0x2d4: {  	v2 =	vor.u32 v59, v0;
	v1 =	vld.idx.msk [tilespmem:v4+s16+$0x0], $0xffff  }
0x2d5: {  	v4 =	vor.u32 v58, v3;
	_ =	sdelay $0x3  }
0x2d6: {  	[tilespmem:v2+s22+$0x0] =	vst.idx.msk $0xffff, v1  }
0x2d7: {  	v2 =	vor.u32 v57, v0;
	v1 =	vld.idx.msk [tilespmem:v4+s16+$0x0], $0xffff  }
0x2d8: {  	v4 =	vor.u32 v56, v3;
	_ =	sdelay $0x3  }
0x2d9: {  	[tilespmem:v2+s22+$0x0] =	vst.idx.msk $0xffff, v1  }
0x2da: {  	v2 =	vor.u32 v55, v0;
	v1 =	vld.idx.msk [tilespmem:v4+s16+$0x0], $0xffff  }
0x2db: {  	v4 =	vor.u32 v54, v3;
	_ =	sdelay $0x3  }
0x2dc: {  	[tilespmem:v2+s22+$0x0] =	vst.idx.msk $0xffff, v1  }
0x2dd: {  	v2 =	vor.u32 v53, v0;
	v1 =	vld.idx.msk [tilespmem:v4+s16+$0x0], $0xffff  }
0x2de: {  	v4 =	vor.u32 v52, v3;
	_ =	sdelay $0x3  }
0x2df: {  	[tilespmem:v2+s22+$0x0] =	vst.idx.msk $0xffff, v1  }
0x2e0: {  	v2 =	vor.u32 v51, v0;
	v1 =	vld.idx.msk [tilespmem:v4+s16+$0x0], $0xffff  }
0x2e1: {  	v4 =	vor.u32 v50, v3;
	_ =	sdelay $0x3  }
0x2e2: {  	[tilespmem:v2+s22+$0x0] =	vst.idx.msk $0xffff, v1  }
0x2e3: {  	v2 =	vor.u32 v49, v0;
	v1 =	vld.idx.msk [tilespmem:v4+s16+$0x0], $0xffff  }
0x2e4: {  	v4 =	vor.u32 v48, v3;
	_ =	sdelay $0x3  }
0x2e5: {  	[tilespmem:v2+s22+$0x0] =	vst.idx.msk $0xffff, v1  }
0x2e6: {  	v2 =	vor.u32 v47, v0;
	v1 =	vld.idx.msk [tilespmem:v4+s16+$0x0], $0xffff  }
0x2e7: {  	v4 =	vor.u32 v46, v3;
	_ =	sdelay $0x3  }
0x2e8: {  	[tilespmem:v2+s22+$0x0] =	vst.idx.msk $0xffff, v1  }
0x2e9: {  	v2 =	vor.u32 v45, v0;
	v1 =	vld.idx.msk [tilespmem:v4+s16+$0x0], $0xffff  }
0x2ea: {  	v4 =	vor.u32 v43, v3;
	_ =	sdelay $0x3  }
0x2eb: {  	[tilespmem:v2+s22+$0x0] =	vst.idx.msk $0xffff, v1  }
0x2ec: {  	v2 =	vor.u32 v42, v0;
	v1 =	vld.idx.msk [tilespmem:v4+s16+$0x0], $0xffff  }
0x2ed: {  	v4 =	vor.u32 v41, v3;
	_ =	sdelay $0x3  }
0x2ee: {  	[tilespmem:v2+s22+$0x0] =	vst.idx.msk $0xffff, v1  }
0x2ef: {  	v2 =	vor.u32 v40, v0;
	v1 =	vld.idx.msk [tilespmem:v4+s16+$0x0], $0xffff  }
0x2f0: {  	v4 =	vor.u32 v39, v3;
	_ =	sdelay $0x3  }
0x2f1: {  	[tilespmem:v2+s22+$0x0] =	vst.idx.msk $0xffff, v1  }
0x2f2: {  	v2 =	vor.u32 v38, v0;
	v1 =	vld.idx.msk [tilespmem:v4+s16+$0x0], $0xffff  }
0x2f3: {  	v4 =	vor.u32 v37, v3;
	_ =	sdelay $0x3  }
0x2f4: {  	[tilespmem:v2+s22+$0x0] =	vst.idx.msk $0xffff, v1  }
0x2f5: {  	v2 =	vor.u32 v36, v0;
	v1 =	vld.idx.msk [tilespmem:v4+s16+$0x0], $0xffff  }
0x2f6: {  	v4 =	vor.u32 v35, v3;
	_ =	sdelay $0x3  }
0x2f7: {  	[tilespmem:v2+s22+$0x0] =	vst.idx.msk $0xffff, v1  }
0x2f8: {  	v2 =	vor.u32 v34, v0;
	v1 =	vld.idx.msk [tilespmem:v4+s16+$0x0], $0xffff  }
0x2f9: {  	v4 =	vor.u32 v33, v3;
	_ =	sdelay $0x3  }
0x2fa: {  	[tilespmem:v2+s22+$0x0] =	vst.idx.msk $0xffff, v1  }
0x2fb: {  	v2 =	vor.u32 v32, v0;
	v1 =	vld.idx.msk [tilespmem:v4+s16+$0x0], $0xffff  }
0x2fc: {  	v4 =	vor.u32 v9, v3;
	_ =	sdelay $0x3  }
0x2fd: {  	[tilespmem:v2+s22+$0x0] =	vst.idx.msk $0xffff, v1  }
0x2fe: {  	v2 =	vor.u32 v10, v0;
	v1 =	vld.idx.msk [tilespmem:v4+s16+$0x0], $0xffff  }
0x2ff: {  	v4 =	vor.u32 v11, v3;
	_ =	sdelay $0x3  }
0x300: {  	[tilespmem:v2+s22+$0x0] =	vst.idx.msk $0xffff, v1  }
0x301: {  	v2 =	vor.u32 v12, v0;
	v1 =	vld.idx.msk [tilespmem:v4+s16+$0x0], $0xffff  }
0x302: {  	v4 =	vor.u32 v13, v3;
	_ =	sdelay $0x3  }
0x303: {  	[tilespmem:v2+s22+$0x0] =	vst.idx.msk $0xffff, v1  }
0x304: {  	v2 =	vor.u32 v21, v0;
	v1 =	vld.idx.msk [tilespmem:v4+s16+$0x0], $0xffff  }
0x305: {  	v4 =	vor.u32 v22, v3;
	_ =	sdelay $0x3  }
0x306: {  	[tilespmem:v2+s22+$0x0] =	vst.idx.msk $0xffff, v1  }
0x307: {  	v2 =	vor.u32 v23, v0;
	v1 =	vld.idx.msk [tilespmem:v4+s16+$0x0], $0xffff  }
0x308: {  	v4 =	vor.u32 v24, v3;
	_ =	sdelay $0x3  }
0x309: {  	[tilespmem:v2+s22+$0x0] =	vst.idx.msk $0xffff, v1  }
0x30a: {  	v2 =	vor.u32 v25, v0;
	v1 =	vld.idx.msk [tilespmem:v4+s16+$0x0], $0xffff  }
0x30b: {  	v4 =	vor.u32 v26, v3;
	_ =	sdelay $0x3  }
0x30c: {  	[tilespmem:v2+s22+$0x0] =	vst.idx.msk $0xffff, v1  }
0x30d: {  	v2 =	vor.u32 v27, v0;
	v1 =	vld.idx.msk [tilespmem:v4+s16+$0x0], $0xffff  }
0x30e: {  	v4 =	vor.u32 v28, v3;
	_ =	sdelay $0x3  }
0x30f: {  	[tilespmem:v2+s22+$0x0] =	vst.idx.msk $0xffff, v1  }
0x310: {  	v2 =	vor.u32 v29, v0;
	v1 =	vld.idx.msk [tilespmem:v4+s16+$0x0], $0xffff  }
0x311: {  	v4 =	vor.u32 v30, v3;
	_ =	sdelay $0x3  }
0x312: {  	[tilespmem:v2+s22+$0x0] =	vst.idx.msk $0xffff, v1  }
0x313: {  	v2 =	vor.u32 v31, v0;
	v1 =	vld.idx.msk [tilespmem:v4+s16+$0x0], $0xffff  }
0x314: {  	v4 =	vor.u32 v6, v3;
	_ =	sdelay $0x3  }
0x315: {  	[tilespmem:v2+s22+$0x0] =	vst.idx.msk $0xffff, v1  }
0x316: {  	v2 =	vor.u32 v5, v0;
	v1 =	vld.idx.msk [tilespmem:v4+s16+$0x0], $0xffff  }
0x317: {  	v4 =	vor.u32 v7, v3;
	_ =	sdelay $0x3  }
0x318: {  	[tilespmem:v2+s22+$0x0] =	vst.idx.msk $0xffff, v1  }
0x319: {  	v2 =	vor.u32 v8, v0;
	v1 =	vld.idx.msk [tilespmem:v4+s16+$0x0], $0xffff  }
0x31a: {  	v3 =	vor.u32 v44, v3;
	_ =	sdelay $0x3  }
0x31b: {  	[tilespmem:v2+s22+$0x0] =	vst.idx.msk $0xffff, v1  }
0x31c: {  	v2 =	vld.idx.msk [tilespmem:v3+s16+$0x0], $0xffff  }
0x31d: {  	s31 =	sadd.s32 $0x2, s29;
	v4 =	vlaneseq.u32;
	v3 =	vld [tilespmem:$0x1FFD0]  }
0x31e: {  	v1 =	vadd.s32 s31, v4;
	v4 =	vld [tilespmem:$0x1FFE0];
	_ =	sdelay $0x3  }
0x31f: {  	v0 =	vor.u32 v3, v0;
	v3 =	vand.u32 $0x1F, v1  }
0x320: {  	v4 =	vor.u32 v4, v3;
	_ =	sdelay $0x3  }
0x321: {  	v1 =	vshll.u32 v1, $0x9;
	[tilespmem:v0+s22+$0x0] =	vst.idx.msk $0xffff, v2  }
0x322: {  	v0 =	vand.u32 $0x3E00, v1;
	v1 =	vld.idx.msk [tilespmem:v4+s16+$0x0], $0xffff;
	v4 =	vlaneseq.u32  }
0x323: {  	v2 =	vor.u32 v4, v0;
	v4 =	vld [tilespmem:$0x1FFF0];
	_ =	sdelay $0x4  }
0x324: {  	v4 =	vor.u32 v4, v3;
	_ =	sdelay $0x3  }
0x325: {  	[tilespmem:v2+s22+$0x0] =	vst.idx.msk $0xffff, v1  }
0x326: {  	v1 =	vld.idx.msk [tilespmem:v4+s16+$0x0], $0xffff  }
0x327: {  	v4 =	vld [tilespmem:$0x1FFC0];
	_ =	sdelay $0x4  }
0x328: {  	v2 =	vor.u32 v4, v0  }
0x329: {  	v4 =	vor.u32 v14, v3;
	_ =	sdelay $0x3  }
0x32a: {  	[tilespmem:v2+s22+$0x0] =	vst.idx.msk $0xffff, v1  }
0x32b: {  	v2 =	vor.u32 v15, v0;
	v1 =	vld.idx.msk [tilespmem:v4+s16+$0x0], $0xffff  }
0x32c: {  	v4 =	vor.u32 v16, v3;
	_ =	sdelay $0x3  }
0x32d: {  	[tilespmem:v2+s22+$0x0] =	vst.idx.msk $0xffff, v1  }
0x32e: {  	v2 =	vor.u32 v17, v0;
	v1 =	vld.idx.msk [tilespmem:v4+s16+$0x0], $0xffff  }
0x32f: {  	v4 =	vor.u32 v18, v3;
	_ =	sdelay $0x3  }
0x330: {  	[tilespmem:v2+s22+$0x0] =	vst.idx.msk $0xffff, v1  }
0x331: {  	v2 =	vor.u32 v19, v0;
	v1 =	vld.idx.msk [tilespmem:v4+s16+$0x0], $0xffff  }
0x332: {  	v4 =	vor.u32 v20, v3;
	_ =	sdelay $0x3  }
0x333: {  	[tilespmem:v2+s22+$0x0] =	vst.idx.msk $0xffff, v1  }
0x334: {  	v2 =	vor.u32 v63, v0;
	v1 =	vld.idx.msk [tilespmem:v4+s16+$0x0], $0xffff  }
0x335: {  	v4 =	vor.u32 v62, v3;
	_ =	sdelay $0x3  }
0x336: {  	[tilespmem:v2+s22+$0x0] =	vst.idx.msk $0xffff, v1  }
0x337: {  	v2 =	vor.u32 v61, v0;
	v1 =	vld.idx.msk [tilespmem:v4+s16+$0x0], $0xffff  }
0x338: {  	v4 =	vor.u32 v60, v3;
	_ =	sdelay $0x3  }
0x339: {  	[tilespmem:v2+s22+$0x0] =	vst.idx.msk $0xffff, v1  }
0x33a: {  	v2 =	vor.u32 v59, v0;
	v1 =	vld.idx.msk [tilespmem:v4+s16+$0x0], $0xffff  }
0x33b: {  	v4 =	vor.u32 v58, v3;
	_ =	sdelay $0x3  }
0x33c: {  	[tilespmem:v2+s22+$0x0] =	vst.idx.msk $0xffff, v1  }
0x33d: {  	v2 =	vor.u32 v57, v0;
	v1 =	vld.idx.msk [tilespmem:v4+s16+$0x0], $0xffff  }
0x33e: {  	v4 =	vor.u32 v56, v3;
	_ =	sdelay $0x3  }
0x33f: {  	[tilespmem:v2+s22+$0x0] =	vst.idx.msk $0xffff, v1  }
0x340: {  	v2 =	vor.u32 v55, v0;
	v1 =	vld.idx.msk [tilespmem:v4+s16+$0x0], $0xffff  }
0x341: {  	v4 =	vor.u32 v54, v3;
	_ =	sdelay $0x3  }
0x342: {  	[tilespmem:v2+s22+$0x0] =	vst.idx.msk $0xffff, v1  }
0x343: {  	v2 =	vor.u32 v53, v0;
	v1 =	vld.idx.msk [tilespmem:v4+s16+$0x0], $0xffff  }
0x344: {  	v4 =	vor.u32 v52, v3;
	_ =	sdelay $0x3  }
0x345: {  	[tilespmem:v2+s22+$0x0] =	vst.idx.msk $0xffff, v1  }
0x346: {  	v2 =	vor.u32 v51, v0;
	v1 =	vld.idx.msk [tilespmem:v4+s16+$0x0], $0xffff  }
0x347: {  	v4 =	vor.u32 v50, v3;
	_ =	sdelay $0x3  }
0x348: {  	[tilespmem:v2+s22+$0x0] =	vst.idx.msk $0xffff, v1  }
0x349: {  	v2 =	vor.u32 v49, v0;
	v1 =	vld.idx.msk [tilespmem:v4+s16+$0x0], $0xffff  }
0x34a: {  	v4 =	vor.u32 v48, v3;
	_ =	sdelay $0x3  }
0x34b: {  	[tilespmem:v2+s22+$0x0] =	vst.idx.msk $0xffff, v1  }
0x34c: {  	v2 =	vor.u32 v47, v0;
	v1 =	vld.idx.msk [tilespmem:v4+s16+$0x0], $0xffff  }
0x34d: {  	v4 =	vor.u32 v46, v3;
	_ =	sdelay $0x3  }
0x34e: {  	[tilespmem:v2+s22+$0x0] =	vst.idx.msk $0xffff, v1  }
0x34f: {  	v2 =	vor.u32 v45, v0;
	v1 =	vld.idx.msk [tilespmem:v4+s16+$0x0], $0xffff  }
0x350: {  	v4 =	vor.u32 v43, v3;
	_ =	sdelay $0x3  }
0x351: {  	[tilespmem:v2+s22+$0x0] =	vst.idx.msk $0xffff, v1  }
0x352: {  	v2 =	vor.u32 v42, v0;
	v1 =	vld.idx.msk [tilespmem:v4+s16+$0x0], $0xffff  }
0x353: {  	v4 =	vor.u32 v41, v3;
	_ =	sdelay $0x3  }
0x354: {  	[tilespmem:v2+s22+$0x0] =	vst.idx.msk $0xffff, v1  }
0x355: {  	v2 =	vor.u32 v40, v0;
	v1 =	vld.idx.msk [tilespmem:v4+s16+$0x0], $0xffff  }
0x356: {  	v4 =	vor.u32 v39, v3;
	_ =	sdelay $0x3  }
0x357: {  	[tilespmem:v2+s22+$0x0] =	vst.idx.msk $0xffff, v1  }
0x358: {  	v2 =	vor.u32 v38, v0;
	v1 =	vld.idx.msk [tilespmem:v4+s16+$0x0], $0xffff  }
0x359: {  	v4 =	vor.u32 v37, v3;
	_ =	sdelay $0x3  }
0x35a: {  	[tilespmem:v2+s22+$0x0] =	vst.idx.msk $0xffff, v1  }
0x35b: {  	v2 =	vor.u32 v36, v0;
	v1 =	vld.idx.msk [tilespmem:v4+s16+$0x0], $0xffff  }
0x35c: {  	v4 =	vor.u32 v35, v3;
	_ =	sdelay $0x3  }
0x35d: {  	[tilespmem:v2+s22+$0x0] =	vst.idx.msk $0xffff, v1  }
0x35e: {  	v2 =	vor.u32 v34, v0;
	v1 =	vld.idx.msk [tilespmem:v4+s16+$0x0], $0xffff  }
0x35f: {  	v4 =	vor.u32 v33, v3;
	_ =	sdelay $0x3  }
0x360: {  	[tilespmem:v2+s22+$0x0] =	vst.idx.msk $0xffff, v1  }
0x361: {  	v2 =	vor.u32 v32, v0;
	v1 =	vld.idx.msk [tilespmem:v4+s16+$0x0], $0xffff  }
0x362: {  	v63 =	vmovc v62;
	v62 =	vmov v61;
	v61 =	vmov v60;
	v4 =	vor.u32 v9, v3  }
0x363: {  	v60 =	vmovc v59;
	v59 =	vmovc v58;
	v58 =	vmov v57;
	v57 =	vmov v56;
	v56 =	vmov v55  }
0x364: {  	v55 =	vmovc v54;
	v54 =	vmovc v53;
	v53 =	vmov v52;
	v52 =	vmov v51;
	v51 =	vmov v50  }
0x365: {  	v50 =	vmovc v49;
	v49 =	vmovc v48;
	v48 =	vmov v47;
	v47 =	vmov v46;
	v46 =	vmov v45  }
0x366: {  	v45 =	vmovc v43;
	v43 =	vmovc v42;
	v42 =	vmov v41;
	v41 =	vmov v40;
	v40 =	vmov v39;
	[tilespmem:v2+s22+$0x0] =	vst.idx.msk $0xffff, v1  }
0x367: {  	v39 =	vmovc v38;
	v38 =	vmovc v37;
	v37 =	vmov v36;
	v36 =	vmov v35;
	v2 =	vor.u32 v10, v0;
	v1 =	vld.idx.msk [tilespmem:v4+s16+$0x0], $0xffff  }
0x368: {  	v35 =	vmovc v34;
	v34 =	vmovc v33;
	v33 =	vmov v32;
	v32 =	vmov v9;
	v9 =	vor.u32 v11, v3;
	_ =	sdelay $0x3  }
0x369: {  	[tilespmem:v2+s22+$0x0] =	vst.idx.msk $0xffff, v1  }
0x36a: {  	v2 =	vor.u32 v12, v0;
	v1 =	vld.idx.msk [tilespmem:v9+s16+$0x0], $0xffff  }
0x36b: {  	v9 =	vor.u32 v13, v3;
	_ =	sdelay $0x3  }
0x36c: {  	[tilespmem:v2+s22+$0x0] =	vst.idx.msk $0xffff, v1  }
0x36d: {  	v2 =	vor.u32 v21, v0;
	v1 =	vld.idx.msk [tilespmem:v9+s16+$0x0], $0xffff  }
0x36e: {  	v9 =	vor.u32 v22, v3;
	_ =	sdelay $0x3  }
0x36f: {  	[tilespmem:v2+s22+$0x0] =	vst.idx.msk $0xffff, v1  }
0x370: {  	v2 =	vor.u32 v23, v0;
	v1 =	vld.idx.msk [tilespmem:v9+s16+$0x0], $0xffff  }
0x371: {  	v9 =	vor.u32 v24, v3;
	_ =	sdelay $0x3  }
0x372: {  	[tilespmem:v2+s22+$0x0] =	vst.idx.msk $0xffff, v1  }
0x373: {  	v2 =	vor.u32 v25, v0;
	v1 =	vld.idx.msk [tilespmem:v9+s16+$0x0], $0xffff  }
0x374: {  	v9 =	vor.u32 v26, v3;
	_ =	sdelay $0x3  }
0x375: {  	[tilespmem:v2+s22+$0x0] =	vst.idx.msk $0xffff, v1  }
0x376: {  	v2 =	vor.u32 v27, v0;
	v1 =	vld.idx.msk [tilespmem:v9+s16+$0x0], $0xffff  }
0x377: {  	v9 =	vor.u32 v28, v3;
	_ =	sdelay $0x3  }
0x378: {  	[tilespmem:v2+s22+$0x0] =	vst.idx.msk $0xffff, v1  }
0x379: {  	v2 =	vor.u32 v29, v0;
	v1 =	vld.idx.msk [tilespmem:v9+s16+$0x0], $0xffff  }
0x37a: {  	v9 =	vor.u32 v30, v3;
	_ =	sdelay $0x3  }
0x37b: {  	[tilespmem:v2+s22+$0x0] =	vst.idx.msk $0xffff, v1  }
0x37c: {  	v2 =	vor.u32 v31, v0;
	v1 =	vld.idx.msk [tilespmem:v9+s16+$0x0], $0xffff  }
0x37d: {  	v4 =	vor.u32 v6, v3;
	_ =	sdelay $0x3  }
0x37e: {  	[tilespmem:v2+s22+$0x0] =	vst.idx.msk $0xffff, v1  }
0x37f: {  	v2 =	vor.u32 v5, v0;
	v1 =	vld.idx.msk [tilespmem:v4+s16+$0x0], $0xffff  }
0x380: {  	v4 =	vor.u32 v7, v3;
	_ =	sdelay $0x3  }
0x381: {  	[tilespmem:v2+s22+$0x0] =	vst.idx.msk $0xffff, v1  }
0x382: {  	v2 =	vor.u32 v8, v0;
	v1 =	vld.idx.msk [tilespmem:v4+s16+$0x0], $0xffff  }
0x383: {  	v3 =	vor.u32 v44, v3;
	_ =	sdelay $0x3  }
0x384: {  	[tilespmem:v2+s22+$0x0] =	vst.idx.msk $0xffff, v1  }
0x385: {  	v2 =	vld.idx.msk [tilespmem:v3+s16+$0x0], $0xffff  }
0x386: {  	s31 =	sadd.s32 $0x3, s29;
	v4 =	vlaneseq.u32;
	v3 =	vld [tilespmem:$0x1FFD0]  }
0x387: {  	v1 =	vadd.s32 s31, v4;
	v4 =	vld [tilespmem:$0x1FFE0];
	_ =	sdelay $0x3  }
0x388: {  	v0 =	vor.u32 v3, v0;
	v3 =	vand.u32 $0x1F, v1  }
0x389: {  	v4 =	vor.u32 v4, v3;
	_ =	sdelay $0x3  }
0x38a: {  	v1 =	vshll.u32 v1, $0x9;
	[tilespmem:v0+s22+$0x0] =	vst.idx.msk $0xffff, v2  }
0x38b: {  	v0 =	vand.u32 $0x3E00, v1;
	v1 =	vld.idx.msk [tilespmem:v4+s16+$0x0], $0xffff  }
0x38c: {  	v4 =	vld [tilespmem:$0x1FFF0];
	_ =	sdelay $0x2  }
0x38d: {  	v9 =	vmov v6;
	v6 =	vmov v5;
	v5 =	vlaneseq.u32  }
0x38e: {  	v2 =	vor.u32 v5, v0  }
0x38f: {  	v5 =	vld [tilespmem:$0x1FFC0];
	v4 =	vor.u32 v4, v3;
	_ =	sdelay $0x3  }
0x390: {  	[tilespmem:v2+s22+$0x0] =	vst.idx.msk $0xffff, v1  }
0x391: {  	v2 =	vor.u32 v5, v0;
	v1 =	vld.idx.msk [tilespmem:v4+s16+$0x0], $0xffff  }
0x392: {  	v14 =	vor.u32 v14, v3;
	_ =	sdelay $0x3  }
0x393: {  	[tilespmem:v2+s22+$0x0] =	vst.idx.msk $0xffff, v1  }
0x394: {  	v15 =	vor.u32 v15, v0;
	v1 =	vld.idx.msk [tilespmem:v14+s16+$0x0], $0xffff  }
0x395: {  	v14 =	vor.u32 v16, v3;
	_ =	sdelay $0x3  }
0x396: {  	[tilespmem:v15+s22+$0x0] =	vst.idx.msk $0xffff, v1  }
0x397: {  	v15 =	vor.u32 v17, v0;
	v1 =	vld.idx.msk [tilespmem:v14+s16+$0x0], $0xffff  }
0x398: {  	v16 =	vor.u32 v18, v3;
	_ =	sdelay $0x3  }
0x399: {  	[tilespmem:v15+s22+$0x0] =	vst.idx.msk $0xffff, v1  }
0x39a: {  	v17 =	vor.u32 v19, v0;
	v1 =	vld.idx.msk [tilespmem:v16+s16+$0x0], $0xffff  }
0x39b: {  	v18 =	vor.u32 v20, v3;
	v19 =	vld [tilespmem:$0x1FC80];
	_ =	sdelay $0x3  }
0x39c: {  	[tilespmem:v17+s22+$0x0] =	vst.idx.msk $0xffff, v1  }
0x39d: {  	v2 =	vor.u32 v19, v0;
	v1 =	vld.idx.msk [tilespmem:v18+s16+$0x0], $0xffff  }
0x39e: {  	v20 =	vor.u32 v63, v3;
	_ =	sdelay $0x3  }
0x39f: {  	[tilespmem:v2+s22+$0x0] =	vst.idx.msk $0xffff, v1  }
0x3a0: {  	v63 =	vor.u32 v62, v0;
	v1 =	vld.idx.msk [tilespmem:v20+s16+$0x0], $0xffff  }
0x3a1: {  	v14 =	vor.u32 v61, v3;
	_ =	sdelay $0x3  }
0x3a2: {  	[tilespmem:v63+s22+$0x0] =	vst.idx.msk $0xffff, v1  }
0x3a3: {  	v15 =	vor.u32 v60, v0;
	v1 =	vld.idx.msk [tilespmem:v14+s16+$0x0], $0xffff  }
0x3a4: {  	v16 =	vor.u32 v59, v3;
	_ =	sdelay $0x3  }
0x3a5: {  	[tilespmem:v15+s22+$0x0] =	vst.idx.msk $0xffff, v1  }
0x3a6: {  	v17 =	vor.u32 v58, v0;
	v1 =	vld.idx.msk [tilespmem:v16+s16+$0x0], $0xffff  }
0x3a7: {  	v18 =	vor.u32 v57, v3;
	_ =	sdelay $0x3  }
0x3a8: {  	[tilespmem:v17+s22+$0x0] =	vst.idx.msk $0xffff, v1  }
0x3a9: {  	v19 =	vor.u32 v56, v0;
	v1 =	vld.idx.msk [tilespmem:v18+s16+$0x0], $0xffff  }
0x3aa: {  	v20 =	vor.u32 v55, v3;
	_ =	sdelay $0x3  }
0x3ab: {  	[tilespmem:v19+s22+$0x0] =	vst.idx.msk $0xffff, v1  }
0x3ac: {  	v55 =	vor.u32 v54, v0;
	v1 =	vld.idx.msk [tilespmem:v20+s16+$0x0], $0xffff  }
0x3ad: {  	v56 =	vor.u32 v53, v3;
	_ =	sdelay $0x3  }
0x3ae: {  	[tilespmem:v55+s22+$0x0] =	vst.idx.msk $0xffff, v1  }
0x3af: {  	v57 =	vor.u32 v52, v0;
	v1 =	vld.idx.msk [tilespmem:v56+s16+$0x0], $0xffff  }
0x3b0: {  	v58 =	vor.u32 v51, v3;
	_ =	sdelay $0x3  }
0x3b1: {  	[tilespmem:v57+s22+$0x0] =	vst.idx.msk $0xffff, v1  }
0x3b2: {  	v59 =	vor.u32 v50, v0;
	v1 =	vld.idx.msk [tilespmem:v58+s16+$0x0], $0xffff  }
0x3b3: {  	v60 =	vor.u32 v49, v3;
	_ =	sdelay $0x3  }
0x3b4: {  	[tilespmem:v59+s22+$0x0] =	vst.idx.msk $0xffff, v1  }
0x3b5: {  	v61 =	vor.u32 v48, v0;
	v1 =	vld.idx.msk [tilespmem:v60+s16+$0x0], $0xffff  }
0x3b6: {  	v62 =	vor.u32 v47, v3;
	_ =	sdelay $0x3  }
0x3b7: {  	[tilespmem:v61+s22+$0x0] =	vst.idx.msk $0xffff, v1  }
0x3b8: {  	v63 =	vor.u32 v46, v0;
	v1 =	vld.idx.msk [tilespmem:v62+s16+$0x0], $0xffff  }
0x3b9: {  	v14 =	vor.u32 v45, v3;
	_ =	sdelay $0x3  }
0x3ba: {  	[tilespmem:v63+s22+$0x0] =	vst.idx.msk $0xffff, v1  }
0x3bb: {  	v15 =	vor.u32 v43, v0;
	v1 =	vld.idx.msk [tilespmem:v14+s16+$0x0], $0xffff  }
0x3bc: {  	v16 =	vor.u32 v42, v3;
	_ =	sdelay $0x3  }
0x3bd: {  	[tilespmem:v15+s22+$0x0] =	vst.idx.msk $0xffff, v1  }
0x3be: {  	v17 =	vor.u32 v41, v0;
	v1 =	vld.idx.msk [tilespmem:v16+s16+$0x0], $0xffff  }
0x3bf: {  	v18 =	vor.u32 v40, v3;
	_ =	sdelay $0x3  }
0x3c0: {  	[tilespmem:v17+s22+$0x0] =	vst.idx.msk $0xffff, v1  }
0x3c1: {  	v19 =	vor.u32 v39, v0;
	v1 =	vld.idx.msk [tilespmem:v18+s16+$0x0], $0xffff  }
0x3c2: {  	v20 =	vor.u32 v38, v3;
	_ =	sdelay $0x3  }
0x3c3: {  	[tilespmem:v19+s22+$0x0] =	vst.idx.msk $0xffff, v1  }
0x3c4: {  	v37 =	vor.u32 v37, v0;
	v1 =	vld.idx.msk [tilespmem:v20+s16+$0x0], $0xffff  }
0x3c5: {  	v38 =	vor.u32 v36, v3;
	_ =	sdelay $0x3  }
0x3c6: {  	[tilespmem:v37+s22+$0x0] =	vst.idx.msk $0xffff, v1  }
0x3c7: {  	v39 =	vor.u32 v35, v0;
	v1 =	vld.idx.msk [tilespmem:v38+s16+$0x0], $0xffff  }
0x3c8: {  	v40 =	vor.u32 v34, v3;
	_ =	sdelay $0x3  }
0x3c9: {  	[tilespmem:v39+s22+$0x0] =	vst.idx.msk $0xffff, v1  }
0x3ca: {  	v41 =	vor.u32 v33, v0;
	v1 =	vld.idx.msk [tilespmem:v40+s16+$0x0], $0xffff  }
0x3cb: {  	v42 =	vor.u32 v32, v3;
	_ =	sdelay $0x3  }
0x3cc: {  	[tilespmem:v41+s22+$0x0] =	vst.idx.msk $0xffff, v1  }
0x3cd: {  	v43 =	vor.u32 v10, v0;
	v1 =	vld.idx.msk [tilespmem:v42+s16+$0x0], $0xffff  }
0x3ce: {  	v45 =	vor.u32 v11, v3;
	_ =	sdelay $0x3  }
0x3cf: {  	[tilespmem:v43+s22+$0x0] =	vst.idx.msk $0xffff, v1  }
0x3d0: {  	v46 =	vor.u32 v12, v0;
	v1 =	vld.idx.msk [tilespmem:v45+s16+$0x0], $0xffff  }
0x3d1: {  	v47 =	vor.u32 v13, v3;
	_ =	sdelay $0x3  }
0x3d2: {  	[tilespmem:v46+s22+$0x0] =	vst.idx.msk $0xffff, v1  }
0x3d3: {  	v48 =	vor.u32 v21, v0;
	v1 =	vld.idx.msk [tilespmem:v47+s16+$0x0], $0xffff  }
0x3d4: {  	v49 =	vor.u32 v22, v3;
	_ =	sdelay $0x3  }
0x3d5: {  	[tilespmem:v48+s22+$0x0] =	vst.idx.msk $0xffff, v1  }
0x3d6: {  	v50 =	vor.u32 v23, v0;
	v1 =	vld.idx.msk [tilespmem:v49+s16+$0x0], $0xffff  }
0x3d7: {  	v51 =	vor.u32 v24, v3;
	_ =	sdelay $0x3  }
0x3d8: {  	[tilespmem:v50+s22+$0x0] =	vst.idx.msk $0xffff, v1  }
0x3d9: {  	v52 =	vor.u32 v25, v0;
	v1 =	vld.idx.msk [tilespmem:v51+s16+$0x0], $0xffff  }
0x3da: {  	v53 =	vor.u32 v26, v3;
	_ =	sdelay $0x3  }
0x3db: {  	[tilespmem:v52+s22+$0x0] =	vst.idx.msk $0xffff, v1  }
0x3dc: {  	v54 =	vor.u32 v27, v0;
	v1 =	vld.idx.msk [tilespmem:v53+s16+$0x0], $0xffff  }
0x3dd: {  	v55 =	vor.u32 v28, v3;
	_ =	sdelay $0x3  }
0x3de: {  	[tilespmem:v54+s22+$0x0] =	vst.idx.msk $0xffff, v1  }
0x3df: {  	v56 =	vor.u32 v29, v0;
	v1 =	vld.idx.msk [tilespmem:v55+s16+$0x0], $0xffff  }
0x3e0: {  	v57 =	vor.u32 v30, v3;
	_ =	sdelay $0x3  }
0x3e1: {  	[tilespmem:v56+s22+$0x0] =	vst.idx.msk $0xffff, v1  }
0x3e2: {  	v58 =	vor.u32 v31, v0;
	v1 =	vld.idx.msk [tilespmem:v57+s16+$0x0], $0xffff  }
0x3e3: {  	v59 =	vor.u32 v9, v3;
	_ =	sdelay $0x3  }
0x3e4: {  	[tilespmem:v58+s22+$0x0] =	vst.idx.msk $0xffff, v1  }
0x3e5: {  	v60 =	vor.u32 v6, v0;
	v1 =	vld.idx.msk [tilespmem:v59+s16+$0x0], $0xffff  }
0x3e6: {  	v61 =	vor.u32 v7, v3;
	_ =	sdelay $0x3  }
0x3e7: {  	[tilespmem:v60+s22+$0x0] =	vst.idx.msk $0xffff, v1  }
0x3e8: {  	v62 =	vor.u32 v8, v0;
	v1 =	vld.idx.msk [tilespmem:v61+s16+$0x0], $0xffff  }
0x3e9: {  	v3 =	vor.u32 v44, v3;
	v63 =	vld [tilespmem:$0x1FFD0];
	_ =	sdelay $0x3  }
0x3ea: {  	[tilespmem:v62+s22+$0x0] =	vst.idx.msk $0xffff, v1  }
0x3eb: {  	p0 =	sne.s32 s29, $0x1C;
	v0 =	vor.u32 v63, v0;
	v1 =	vld.idx.msk [tilespmem:v3+s16+$0x0], $0xffff  }
.Ltmp6:
0x3ec: {  	_ = 	snop;
	(pc) =	sbr.rel @p0 .LBB2_9-.Ltmp6, $2  }
0x3ed: {  	_ =	sdelay $0x2  }
0x3ee: {  	s29 =	sadd.s32 $0x4, s29;
	[tilespmem:v0+s22+$0x0] =	vst.idx.msk $0xffff, v1  }
0x3ef: {  	p0 =	seq.s32 s25, $0x18  }
.Ltmp7:
0x3f0: {  	_ = 	snop;
	(pc) =	sbr.rel @p0 .LBB2_12-.Ltmp7, $3  }
0x3f1: {  	_ =	sdelay $0x1  }
0x3f2: {  	s28 =	sadd.s32 s28, s11  }
0x3f3: {  	[hbm4b:s28+s14] =	stream.strided.scatter [tilespmem:s22], [sflag:$0x4], $0x4000, s19, s14, $0x38;
	[tilespmem:$0x10400] =	vst v63  }
0x3f4: {  	s26 =	sadd.s32 s10, s26  }
0x3f5: {  	s26 =	sshrl.u32 s26, $0x3  }
0x3f6: {  	s26 =	sadd.s32 s0, s26  }
0x3f7: {  	[tilespmem:s14], [sflag:$0x5] =	stream.linear.gather [hbm4b:s26+s3], $0x200, $0x38;
	[tilespmem:$0x10400] =	vst v63  }
.Ltmp8:
0x3f8: {  	_ = 	snop;
	(pc) =	sbr.rel .LBB2_2-.Ltmp8, $4  }
0x3f9: {  	_ =	swait.ge [sflag:s13], $0x200  }
0x3fa: {  	[sflag:s13] =	ssyncset.done $0x0  }
0x3fb: {  	s25 =	sadd.s32 $0x1, s25;
	[sflag:s13] =	ssyncadd.s32 $0xFFFFFE00  }
0x3fc: {  	[tilespmem:s16], [sflag:$0x2] =	stream.indirect.gather [hbm4b:s5+s14], $0x20, s14, s14, $0xb8;
	[tilespmem:$0x10400] =	vst v63  }
.LBB2_13:
0x3fd: {  	_ =	sfence.sel $0x180000  }
0x3fe: {  	[bflag:$0x0] =	sbarrier.arrive $0xFFFF  }
0x3ff: {  	p0 =	sne.s32 s2, $0x0;
	_ =	strace $0x90000047  }
0x400: {  	s0 =	sadd.s32 @!p0 $0x100000, s1;
	[bflag:$0x2] =	sbarrier.arrive $0xFFFF  }
0x401: {  	[sflag:s0] =	ssyncadd.tile.s32 @!p0 $0x1;
	_ =	shalt  }
.Lfunc_end2:
_tile_overlayer_lowered:
.L_overlay_start_2:
0x402: {  	(tag) =	ssettag $0x2  }
0x403: {  	s0 =	rddreg [dreg:$0x0];
	s2 =	stileid.u32  }
0x404: {  	s1 =	rddreg [dreg:$0x1];
	p0 =	sne.s32 s2, $0x0  }
0x405: {  	s3 =	rddreg [dreg:$0x2];
	[bflag:$0x3] =	sbarrier.arrive $0xFFFF;
	s2 =	simm.s32 @!p0 $0x1C05  }
0x406: {  	[timem:s3], [sflag:s2] =	dma.local @!p0 [hbm:s0], s1  }
0x407: {  	s0 =	simm.s32 @!p0 $0x5  }
0x408: {  	_ =	swait.ge @!p0 [sflag:s0], s1  }
0x409: {  	s1 =	ssub.s32 @!p0 $0x0, s1;
	[sflag:s0] =	ssyncset.done @!p0 $0x0  }
0x40a: {  	[sflag:s0] =	ssyncadd.s32 @!p0 s1  }
0x40b: {  	[bflag:$0x3] =	sbarrier.arrive $0xFFFF  }
0x40c: {  	_ =	shalt  }

</sc_bundles>
